<compile_context>
chip_gen: v7x
topology: tpu7x:2x2x1
jax: 0.10.2.dev20260603
libtpu: 0.0.44.dev20260713+nightly
codegen_flags: <defaults>
</compile_context>

<pallas_src>
import functools

import jax
import jax.numpy as jnp
import numpy as np
from jax import lax
from jax.experimental import pallas as pl
from jax.experimental.pallas import tpu as pltpu
from jax.experimental.pallas import tpu_sc as plsc

N = 10000
NPAD = 10240
ROWS_PER_SUB = 640
E = 320000
K = 128
NCHUNK = E // K
NCHUNK_PAD = 2560
EL = 100000
ELPAD = 102400
DCH = 2 * (ELPAD // K)
DCH_PAD = 1792
IN_C = 128
HID_C = 128
OUT_C = 64

_MESH = plsc.VectorSubcoreMesh(core_axis_name="c", subcore_axis_name="s")

CHUNKS_PER_CORE = NCHUNK // 2
CHUNKS_PER_SUB = 80


def _edge_start_count(c, s):
    start = c * (16 * CHUNKS_PER_SUB) + s * CHUNKS_PER_SUB
    count = jnp.minimum(CHUNKS_PER_SUB,
                        jnp.maximum(CHUNKS_PER_CORE - s * CHUNKS_PER_SUB, 0))
    return start, count


@functools.partial(
    pl.kernel,
    out_type=jax.ShapeDtypeStruct((2, NPAD, 16), jnp.float32),
    mesh=_MESH,
    compiler_params=pltpu.CompilerParams(use_tc_tiling_on_sc=False),
    scratch_types=[
        pltpu.VMEM((CHUNKS_PER_SUB, K), jnp.int32),
        pltpu.VMEM((K, 16), jnp.float32),
        pltpu.VMEM((ROWS_PER_SUB, 16), jnp.float32),
        pltpu.VMEM_SHARED((NPAD, 16), jnp.float32),
    ],
)
def _sc_degree(edges_hbm, out_hbm, idx_v, ones_v, zero_v, acc_sp):
    c = lax.axis_index("c")
    s = lax.axis_index("s")
    lane = lax.iota(jnp.int32, 16)
    onehot = jnp.where(lane == 0, 1.0, 0.0).astype(jnp.float32)
    zvec = jnp.zeros((16,), jnp.float32)

    @pl.loop(0, K)
    def _(r):
        ones_v[r, :] = onehot

    @pl.loop(0, ROWS_PER_SUB)
    def _(r):
        zero_v[r, :] = zvec

    pltpu.sync_copy(zero_v, acc_sp.at[pl.ds(s * ROWS_PER_SUB, ROWS_PER_SUB)])

    start, count = _edge_start_count(c, s)
    pltpu.sync_copy(edges_hbm.at[1].at[pl.ds(start, CHUNKS_PER_SUB)], idx_v)
    plsc.subcore_barrier()

    @pl.loop(0, CHUNKS_PER_SUB)
    def _(i):
        @pl.when(i < count)
        def _():
            pltpu.sync_copy(ones_v, acc_sp.at[idx_v.at[i]], add=True)

    plsc.subcore_barrier()
    pltpu.sync_copy(
        acc_sp.at[pl.ds(s * ROWS_PER_SUB, ROWS_PER_SUB)],
        out_hbm.at[c].at[pl.ds(s * ROWS_PER_SUB, ROWS_PER_SUB)],
    )


def _make_sc_scatter(C):
    cp = (pltpu.CompilerParams(use_tc_tiling_on_sc=False)
          if C % 128 else None)
    halves = 2 if C == 128 else 1
    idx_rows = CHUNKS_PER_SUB // halves

    @functools.partial(
        pl.kernel,
        out_type=jax.ShapeDtypeStruct((2, NPAD, C), jnp.float32),
        mesh=_MESH,
        compiler_params=cp,
        scratch_types=[
            pltpu.VMEM((idx_rows, K), jnp.int32),
            pltpu.VMEM((idx_rows, K), jnp.int32),
            pltpu.VMEM((K, C), jnp.float32),
            pltpu.VMEM((K, C), jnp.float32),
            pltpu.VMEM_SHARED((NPAD, C), jnp.float32),
            pltpu.SemaphoreType.DMA,
            pltpu.SemaphoreType.DMA,
        ],
    )
    def _sc_scatter(g_hbm, edges_hbm, out_hbm, src_v, dst_v, rows0,
                    rows1, acc_sp, sem0, sem1):
        c = lax.axis_index("c")
        s = lax.axis_index("s")

        @pl.when(s < 15)
        def _():
            pltpu.sync_copy(
                g_hbm.at[pl.ds(s * ROWS_PER_SUB, ROWS_PER_SUB)],
                acc_sp.at[pl.ds(s * ROWS_PER_SUB, ROWS_PER_SUB)],
            )

        @pl.when(s == 15)
        def _():
            pltpu.sync_copy(
                g_hbm.at[pl.ds(15 * ROWS_PER_SUB, N - 15 * ROWS_PER_SUB)],
                acc_sp.at[pl.ds(15 * ROWS_PER_SUB, N - 15 * ROWS_PER_SUB)],
            )

        start, count = _edge_start_count(c, s)

        for h in range(halves):
            base = h * idx_rows
            pltpu.sync_copy(
                edges_hbm.at[0].at[pl.ds(start + base, idx_rows)], src_v)
            pltpu.sync_copy(
                edges_hbm.at[1].at[pl.ds(start + base, idx_rows)], dst_v)
            pltpu.async_copy(g_hbm.at[src_v.at[0]], rows0, sem0)
            if h == 0:
                plsc.subcore_barrier()
            hcount = jnp.minimum(idx_rows,
                                 jnp.maximum(count - base, 0))

            @pl.loop(0, idx_rows, step=2)
            def _(i):
                @pl.when(i < hcount)
                def _():
                    pltpu.async_copy(g_hbm.at[src_v.at[i + 1]], rows1, sem1)
                    pltpu.make_async_copy(
                        g_hbm.at[src_v.at[i]], rows0, sem0).wait()
                    pltpu.sync_copy(rows0, acc_sp.at[dst_v.at[i]], add=True)

                    @pl.when(i + 2 < hcount)
                    def _():
                        pltpu.async_copy(
                            g_hbm.at[src_v.at[i + 2]], rows0, sem0)

                    pltpu.make_async_copy(
                        g_hbm.at[src_v.at[i + 1]], rows1, sem1).wait()
                    pltpu.sync_copy(rows1, acc_sp.at[dst_v.at[i + 1]],
                                    add=True)

        plsc.subcore_barrier()
        pltpu.sync_copy(
            acc_sp.at[pl.ds(s * ROWS_PER_SUB, ROWS_PER_SUB)],
            out_hbm.at[c].at[pl.ds(s * ROWS_PER_SUB, ROWS_PER_SUB)],
        )

    return _sc_scatter


_sc_scatter_hid = _make_sc_scatter(HID_C)
_sc_scatter_out = _make_sc_scatter(OUT_C)


@functools.partial(
    pl.kernel,
    out_type=jax.ShapeDtypeStruct((DCH, K, OUT_C), jnp.float32),
    mesh=_MESH,
    compiler_params=pltpu.CompilerParams(use_tc_tiling_on_sc=False),
    scratch_types=[
        pltpu.VMEM((56, K), jnp.int32),
        pltpu.VMEM((K, OUT_C), jnp.float32),
        pltpu.VMEM((K, OUT_C), jnp.float32),
        pltpu.SemaphoreType.DMA,
        pltpu.SemaphoreType.DMA,
    ],
)
def _sc_decode_gather(z_hbm, idx_hbm, out_hbm, idx_v, rows0, rows1, sem0, sem1):
    c = lax.axis_index("c")
    s = lax.axis_index("s")
    w = c * 16 + s
    start = w * 56
    count = jnp.minimum(56, jnp.maximum(DCH - start, 0))
    pltpu.sync_copy(idx_hbm.at[pl.ds(start, 56)], idx_v)

    @pl.when(count > 0)
    def _():
        pltpu.async_copy(z_hbm.at[idx_v.at[0]], rows0, sem0)

    @pl.loop(0, 56, step=2)
    def _(i):
        @pl.when(i < count)
        def _():
            pltpu.async_copy(z_hbm.at[idx_v.at[i + 1]], rows1, sem1)
            pltpu.make_async_copy(
                z_hbm.at[idx_v.at[i]], rows0, sem0).wait()
            pltpu.sync_copy(rows0, out_hbm.at[start + i])

            @pl.when(i + 2 < count)
            def _():
                pltpu.async_copy(z_hbm.at[idx_v.at[i + 2]], rows0, sem0)

            pltpu.make_async_copy(
                z_hbm.at[idx_v.at[i + 1]], rows1, sem1).wait()
            pltpu.sync_copy(rows1, out_hbm.at[start + i + 1])


BN = 1000


def _mm_body(x_ref, w_ref, o_ref):
    o_ref[...] = jnp.dot(
        x_ref[...], w_ref[...],
        preferred_element_type=jnp.float32,
        precision=lax.Precision.HIGHEST,
    )


def _tc_matmul(x, w):
    m, kdim = x.shape
    n = w.shape[1]
    return pl.pallas_call(
        _mm_body,
        grid=(m // BN,),
        in_specs=[
            pl.BlockSpec((BN, kdim), lambda i: (i, 0)),
            pl.BlockSpec((kdim, n), lambda i: (0, 0)),
        ],
        out_specs=pl.BlockSpec((BN, n), lambda i: (i, 0)),
        out_shape=jax.ShapeDtypeStruct((m, n), jnp.float32),
    )(x, w)


def _dinv_of(deg_ref):
    deg = deg_ref[0, :, 0:1] + deg_ref[1, :, 0:1] + 1.0
    return lax.rsqrt(deg)


def _scale_body(deg_ref, h_ref, o_ref):
    o_ref[...] = h_ref[...] * _dinv_of(deg_ref)


def _tc_scale(deg, h):
    return pl.pallas_call(
        _scale_body,
        grid=(N // BN,),
        in_specs=[
            pl.BlockSpec((2, BN, 16), lambda i: (0, i, 0)),
            pl.BlockSpec((BN, HID_C), lambda i: (i, 0)),
        ],
        out_specs=pl.BlockSpec((BN, HID_C), lambda i: (i, 0)),
        out_shape=jax.ShapeDtypeStruct((N, HID_C), jnp.float32),
    )(deg, h)


def _layer2_body(acc_ref, g1_ref, deg_ref, b1_ref, w2_ref, o_ref):
    dinv = _dinv_of(deg_ref)
    ssum = acc_ref[0] + acc_ref[1] - g1_ref[...]
    h = jnp.maximum(ssum * dinv + b1_ref[...], 0.0)
    o_ref[...] = (
        jnp.dot(h, w2_ref[...], preferred_element_type=jnp.float32,
                precision=lax.Precision.HIGHEST)
        * dinv
    )


def _tc_layer2(acc1, g1, deg, b1, w2):
    return pl.pallas_call(
        _layer2_body,
        grid=(N // BN,),
        in_specs=[
            pl.BlockSpec((2, BN, HID_C), lambda i: (0, i, 0)),
            pl.BlockSpec((BN, HID_C), lambda i: (i, 0)),
            pl.BlockSpec((2, BN, 16), lambda i: (0, i, 0)),
            pl.BlockSpec((HID_C,), lambda i: (0,)),
            pl.BlockSpec((HID_C, OUT_C), lambda i: (0, 0)),
        ],
        out_specs=pl.BlockSpec((BN, OUT_C), lambda i: (i, 0)),
        out_shape=jax.ShapeDtypeStruct((N, OUT_C), jnp.float32),
    )(acc1, g1, deg, b1, w2)


def _zfinal_body(acc_ref, g2_ref, deg_ref, b2_ref, o_ref):
    dinv = _dinv_of(deg_ref)
    o_ref[...] = (acc_ref[0] + acc_ref[1] - g2_ref[...]) * dinv + b2_ref[...]


def _tc_zfinal(acc2, g2, deg, b2):
    return pl.pallas_call(
        _zfinal_body,
        grid=(N // BN,),
        in_specs=[
            pl.BlockSpec((2, BN, OUT_C), lambda i: (0, i, 0)),
            pl.BlockSpec((BN, OUT_C), lambda i: (i, 0)),
            pl.BlockSpec((2, BN, 16), lambda i: (0, i, 0)),
            pl.BlockSpec((OUT_C,), lambda i: (0,)),
        ],
        out_specs=pl.BlockSpec((BN, OUT_C), lambda i: (i, 0)),
        out_shape=jax.ShapeDtypeStruct((N, OUT_C), jnp.float32),
    )(acc2, g2, deg, b2)


DEC_BN = 2560


def _decode_body(s_ref, d_ref, o_ref):
    p = s_ref[...] * d_ref[...]
    lane = lax.broadcasted_iota(jnp.int32, p.shape, 1)
    lo = jnp.sum(jnp.where(lane < OUT_C, p, 0.0), axis=1)
    hi = jnp.sum(jnp.where(lane >= OUT_C, p, 0.0), axis=1)
    o_ref[...] = jax.nn.sigmoid(jnp.stack([lo, hi], axis=0))


def _tc_decode(pairs_view):
    ngrid = (ELPAD // 2) // DEC_BN
    return pl.pallas_call(
        _decode_body,
        grid=(ngrid,),
        in_specs=[
            pl.BlockSpec((DEC_BN, 128), lambda i: (i, 0)),
            pl.BlockSpec((DEC_BN, 128), lambda i: (i + ngrid, 0)),
        ],
        out_specs=pl.BlockSpec((2, DEC_BN), lambda i: (0, i)),
        out_shape=jax.ShapeDtypeStruct((2, ELPAD // 2), jnp.float32),
    )(pairs_view, pairs_view)


_PERM_NP = np.zeros((128, 128), np.float32)
for _v in range(128):
    _PERM_NP[_v // 2 + 64 * (_v % 2), _v] = 1.0


def _assemble_body(lo_ref, hi_ref, p_ref, o_ref):
    t = jnp.concatenate([lo_ref[...], hi_ref[...]], axis=1)
    o_ref[...] = jnp.dot(t, p_ref[...], preferred_element_type=jnp.float32,
                         precision=lax.Precision.HIGHEST)


def _tc_assemble(lo64, hi64):
    rows = ELPAD // 128
    perm = jnp.asarray(_PERM_NP)
    return pl.pallas_call(
        _assemble_body,
        grid=(1,),
        in_specs=[
            pl.BlockSpec((rows, 64), lambda i: (0, 0)),
            pl.BlockSpec((rows, 64), lambda i: (0, 0)),
            pl.BlockSpec((128, 128), lambda i: (0, 0)),
        ],
        out_specs=pl.BlockSpec((rows, 128), lambda i: (0, 0)),
        out_shape=jax.ShapeDtypeStruct((rows, 128), jnp.float32),
    )(lo64, hi64, perm)


def kernel(x, edge_index, edge_label_index, W1, b1, W2, b2):
    half_pad = NCHUNK_PAD // 2 - CHUNKS_PER_CORE
    edges = jnp.pad(
        edge_index.reshape(2, 2, CHUNKS_PER_CORE, K),
        ((0, 0), (0, 0), (0, half_pad), (0, 0))).reshape(2, NCHUNK_PAD, K)
    spread = (jnp.arange(ELPAD - EL, dtype=jnp.int32) * 37) % N
    eli = jnp.concatenate(
        [jnp.concatenate([edge_label_index[0], spread]),
         jnp.concatenate([edge_label_index[1], spread])]
    ).reshape(DCH, K)
    eli = jnp.pad(eli, ((0, DCH_PAD - DCH), (0, 0)))

    deg = _sc_degree(edges)
    h1 = _tc_matmul(x, W1)
    g1 = _tc_scale(deg, h1)
    acc1 = _sc_scatter_hid(g1, edges)
    g2 = _tc_layer2(acc1, g1, deg, b1, W2)
    acc2 = _sc_scatter_out(g2, edges)
    z = _tc_zfinal(acc2, g2, deg, b2)
    pairs_view = _sc_decode_gather(z, eli).reshape(ELPAD, 128)
    lohi = _tc_decode(pairs_view)
    lo64 = lohi[0].reshape(ELPAD // 128, 64)
    hi64 = lohi[1].reshape(ELPAD // 128, 64)
    return _tc_assemble(lo64, hi64).reshape(ELPAD)[:EL]

# --- scband reference (transcript-rebuilt; emitter-appended) ---
"""Pipeline reference for scband-gcn-48129403519229 (READ-ONLY COPY).

The authoritative reference and input builder live on the scoring server;
editing this copy changes nothing except your own understanding.
"""

import jax, jax.numpy as jnp
import numpy as np

N = 10000
E = 320000
EL = 100000
IN_C = 128
HID_C = 128
OUT_C = 64


def setup_inputs(seed: int = 0) -> dict:
    key = jax.random.key(seed)
    ks = jax.random.split(key, 8)
    x = jax.random.normal(ks[0], (N, IN_C), dtype=jnp.float32)
    edge_index = jax.random.randint(ks[1], (2, E), 0, N, dtype=jnp.int32)
    edge_label_index = jax.random.randint(ks[2], (2, EL), 0, N, dtype=jnp.int32)
    W1 = jax.random.normal(ks[3], (IN_C, HID_C), dtype=jnp.float32) * 0.05
    b1 = jnp.zeros((HID_C,), dtype=jnp.float32)
    W2 = jax.random.normal(ks[4], (HID_C, OUT_C), dtype=jnp.float32) * 0.05
    b2 = jnp.zeros((OUT_C,), dtype=jnp.float32)
    return {"x": x, "edge_index": edge_index, "edge_label_index": edge_label_index,
            "W1": W1, "b1": b1, "W2": W2, "b2": b2}


def _gcn_conv(x, edge_index, W, b):
    n = x.shape[0]
    loop = jnp.arange(n, dtype=edge_index.dtype)
    src = jnp.concatenate([edge_index[0], loop])
    dst = jnp.concatenate([edge_index[1], loop])
    ones = jnp.ones(src.shape[0], dtype=x.dtype)
    deg = jax.ops.segment_sum(ones, dst, num_segments=n)
    deg_inv_sqrt = jnp.where(deg > 0, jax.lax.rsqrt(jnp.maximum(deg, 1e-12)), 0.0)
    norm = deg_inv_sqrt[src] * deg_inv_sqrt[dst]
    h = x @ W
    msg = h[src] * norm[:, None]
    out = jax.ops.segment_sum(msg, dst, num_segments=n)
    return out + b


def reference(x, edge_index, edge_label_index, W1, b1, W2, b2):
    # encode (eval mode: dropout is identity)
    h = _gcn_conv(x, edge_index, W1, b1)
    h = jax.nn.relu(h)
    z = _gcn_conv(h, edge_index, W2, b2)
    # decode
    s = z[edge_label_index[0]]
    d = z[edge_label_index[1]]
    logits = jnp.sum(s * d, axis=-1)
    return jax.nn.sigmoid(logits)

if __name__ == "__main__":
    import jax
    _d = setup_inputs()
    print(jax.jit(kernel)(*tuple(_d.values())))

</pallas_src>

<mosaic_0001>
#map = affine_map<(d0, d1) -> (0, 0, 0)>
module attributes {stable_mosaic.version = 14 : i64} {
  func.func @_sc_degree(%arg0: i32, %arg1: i32, %arg2: memref<2x2560x128xi32, #tpu.memory_space<hbm>>, %arg3: memref<2x10240x16xf32, #tpu.memory_space<hbm>>, %arg4: memref<80x128xi32, #tpu.memory_space<vmem>>, %arg5: memref<128x16xf32, #tpu.memory_space<vmem>>, %arg6: memref<640x16xf32, #tpu.memory_space<vmem>>, %arg7: memref<10240x16xf32, #tpu.memory_space<vmem_shared>>) attributes {dimension_semantics = [#tpu.dimension_semantics<core_parallel>, #tpu.dimension_semantics<subcore_parallel>], iteration_bounds = array<i64: 2, 16>, scalar_prefetch = 0 : i64, scratch_operands = 4 : i64, tpu.core_type = #tpu.core_type<sc_vector_subcore>, window_params = [{transform_indices = #map}, {transform_indices = #map}]} {
    %iota3A = tpu.iota {dimensions = array<i32: 0>} : vector<16xi32>
    %eq3A = arith.constant 0 : i32
    %eq3A_0 = vector.broadcast %eq3A : i32 to vector<16xi32>
    %eq3A_1 = arith.cmpi eq, %iota3A, %eq3A_0 : vector<16xi32>
    %jit3A = arith.constant 1.000000e+00 : f32
    %jit3A_2 = arith.constant 0.000000e+00 : f32
    %broadcast_in_dim3A = vector.broadcast %jit3A : f32 to vector<16xf32>
    %broadcast_in_dim3A_3 = vector.broadcast %jit3A_2 : f32 to vector<16xf32>
    %select_n3A = arith.select %eq3A_1, %broadcast_in_dim3A, %broadcast_in_dim3A_3 : vector<16xi1>, vector<16xf32>
    %broadcast_in_dim3A_4 = arith.constant 0.000000e+00 : f32
    %broadcast_in_dim3A_5 = vector.broadcast %broadcast_in_dim3A_4 : f32 to vector<16xf32>
    %scan3A = arith.constant 0 : i32
    %scan3A_6 = arith.constant 128 : i32
    %scan3A_7 = arith.addi %scan3A, %scan3A_6 : i32
    %scan3A_8 = arith.constant 1 : i32
    scf.for %scan3A_35 = %scan3A to %scan3A_7 step %scan3A_8  : i32 {
      %mul3A_36 = arith.constant 1 : i32
      %mul3A_37 = arith.muli %scan3A_35, %mul3A_36 : i32
      %add3A_38 = arith.constant 0 : i32
      %add3A_39 = arith.addi %add3A_38, %mul3A_37 : i32
      %swap3A = arith.index_cast %add3A_39 : i32 to index
      %swap3A_40 = arith.constant 0 : index
      %swap3A_41 = tpu.vector_load %arg5[%swap3A, %swap3A_40] {strides = array<i32>} : memref<128x16xf32, #tpu.memory_space<vmem>>, vector<1x16xf32>,
      %swap3A_42 = vector.shape_cast %swap3A_41 : vector<1x16xf32> to vector<16xf32>
      %swap3A_43 = vector.shape_cast %select_n3A : vector<16xf32> to vector<1x16xf32>
      tpu.vector_store %arg5[%swap3A, %swap3A_40], %swap3A_43 {strides = array<i32>} : memref<128x16xf32, #tpu.memory_space<vmem>>, vector<1x16xf32>,
    }
    %scan3A_9 = arith.constant 128 : i32
    %scan3A_10 = arith.constant 0 : i32
    %scan3A_11 = arith.constant 640 : i32
    %scan3A_12 = arith.addi %scan3A_10, %scan3A_11 : i32
    %scan3A_13 = arith.constant 1 : i32
    scf.for %scan3A_35 = %scan3A_10 to %scan3A_12 step %scan3A_13  : i32 {
      %mul3A_36 = arith.constant 1 : i32
      %mul3A_37 = arith.muli %scan3A_35, %mul3A_36 : i32
      %add3A_38 = arith.constant 0 : i32
      %add3A_39 = arith.addi %add3A_38, %mul3A_37 : i32
      %swap3A = arith.index_cast %add3A_39 : i32 to index
      %swap3A_40 = arith.constant 0 : index
      %swap3A_41 = tpu.vector_load %arg6[%swap3A, %swap3A_40] {strides = array<i32>} : memref<640x16xf32, #tpu.memory_space<vmem>>, vector<1x16xf32>,
      %swap3A_42 = vector.shape_cast %swap3A_41 : vector<1x16xf32> to vector<16xf32>
      %swap3A_43 = vector.shape_cast %broadcast_in_dim3A_5 : vector<16xf32> to vector<1x16xf32>
      tpu.vector_store %arg6[%swap3A, %swap3A_40], %swap3A_43 {strides = array<i32>} : memref<640x16xf32, #tpu.memory_space<vmem>>, vector<1x16xf32>,
    }
    %scan3A_14 = arith.constant 640 : i32
    %mul3A = arith.constant 640 : i32
    %mul3A_15 = arith.muli %arg1, %mul3A : i32
    "tpu.region"() ({
      %run_scoped3A_35 = tpu.sem_alloc : memref<!tpu.dma_semaphore, #tpu.memory_space<semaphore_mem>>
      %dma_start3A = arith.constant 0 : i32
      %dma_start3A_36 = tpu.memref_slice %arg7[%mul3A_15, %dma_start3A] : memref<10240x16xf32, #tpu.memory_space<vmem_shared>> -> memref<640x16xf32, #tpu.memory_space<vmem_shared>>
      %dma_start3A_37 = arith.constant 0 : i32
      %dma_start3A_38 = tpu.memref_slice %arg7[%mul3A_15, %dma_start3A_37] : memref<10240x16xf32, #tpu.memory_space<vmem_shared>> -> memref<640x16xf32, #tpu.memory_space<vmem_shared>>
      tpu.enqueue_dma source(%arg6 : memref<640x16xf32, #tpu.memory_space<vmem>>) target(%dma_start3A_38 : memref<640x16xf32, #tpu.memory_space<vmem_shared>>) target_semaphore(%run_scoped3A_35 : memref<!tpu.dma_semaphore, #tpu.memory_space<semaphore_mem>>)
      %dma_wait3A = arith.constant 0 : i32
      %dma_wait3A_39 = tpu.memref_slice %arg7[%mul3A_15, %dma_wait3A] : memref<10240x16xf32, #tpu.memory_space<vmem_shared>> -> memref<640x16xf32, #tpu.memory_space<vmem_shared>>
      %dma_wait3A_40 = arith.constant 0 : i32
      %dma_wait3A_41 = tpu.memref_slice %arg7[%mul3A_15, %dma_wait3A_40] : memref<10240x16xf32, #tpu.memory_space<vmem_shared>> -> memref<640x16xf32, #tpu.memory_space<vmem_shared>>
      tpu.wait_dma2 semaphore(%run_scoped3A_35 : memref<!tpu.dma_semaphore, #tpu.memory_space<semaphore_mem>>) src(%arg6 : memref<640x16xf32, #tpu.memory_space<vmem>>) dst(%dma_wait3A_41 : memref<640x16xf32, #tpu.memory_space<vmem_shared>>)
      tpu.yield
    }) : () -> ()
    %mul3A_16 = arith.constant 1280 : i32
    %mul3A_17 = arith.muli %arg0, %mul3A_16 : i32
    %mul3A_18 = arith.constant 80 : i32
    %mul3A_19 = arith.muli %arg1, %mul3A_18 : i32
    %add3A = arith.addi %mul3A_17, %mul3A_19 : i32
    %mul3A_20 = arith.constant 80 : i32
    %mul3A_21 = arith.muli %arg1, %mul3A_20 : i32
    %sub3A = arith.constant 1250 : i32
    %sub3A_22 = arith.subi %sub3A, %mul3A_21 : i32
    %max3A = arith.constant 0 : i32
    %max3A_23 = arith.maxsi %sub3A_22, %max3A : i32
    %min3A = arith.constant 80 : i32
    %min3A_24 = arith.minsi %min3A, %max3A_23 : i32
    %run_scoped3A = arith.constant 1 : i32
    "tpu.region"() ({
      %run_scoped3A_35 = tpu.sem_alloc : memref<!tpu.dma_semaphore, #tpu.memory_space<semaphore_mem>>
      %dma_start3A = arith.constant 0 : i32
      %dma_start3A_36 = arith.constant 0 : i32
      %dma_start3A_37 = tpu.memref_slice %arg2[%run_scoped3A, %dma_start3A, %dma_start3A_36] : memref<2x2560x128xi32, #tpu.memory_space<hbm>> -> memref<1x2560x128xi32, #tpu.memory_space<hbm>>
      %dma_start3A_38 = tpu.memref_squeeze %dma_start3A_37 : memref<1x2560x128xi32, #tpu.memory_space<hbm>> -> memref<2560x128xi32, #tpu.memory_space<hbm>>
      %dma_start3A_39 = arith.constant 0 : i32
      %dma_start3A_40 = tpu.memref_slice %dma_start3A_38[%add3A, %dma_start3A_39] : memref<2560x128xi32, #tpu.memory_space<hbm>> -> memref<80x128xi32, #tpu.memory_space<hbm>>
      %dma_start3A_41 = arith.constant 0 : i32
      %dma_start3A_42 = arith.constant 0 : i32
      %dma_start3A_43 = tpu.memref_slice %arg2[%run_scoped3A, %dma_start3A_41, %dma_start3A_42] : memref<2x2560x128xi32, #tpu.memory_space<hbm>> -> memref<1x2560x128xi32, #tpu.memory_space<hbm>>
      %dma_start3A_44 = tpu.memref_squeeze %dma_start3A_43 : memref<1x2560x128xi32, #tpu.memory_space<hbm>> -> memref<2560x128xi32, #tpu.memory_space<hbm>>
      %dma_start3A_45 = arith.constant 0 : i32
      %dma_start3A_46 = tpu.memref_slice %dma_start3A_44[%add3A, %dma_start3A_45] : memref<2560x128xi32, #tpu.memory_space<hbm>> -> memref<80x128xi32, #tpu.memory_space<hbm>>
      tpu.enqueue_dma source(%dma_start3A_46 : memref<80x128xi32, #tpu.memory_space<hbm>>) target(%arg4 : memref<80x128xi32, #tpu.memory_space<vmem>>) target_semaphore(%run_scoped3A_35 : memref<!tpu.dma_semaphore, #tpu.memory_space<semaphore_mem>>)
      %dma_wait3A = arith.constant 0 : i32
      %dma_wait3A_47 = arith.constant 0 : i32
      %dma_wait3A_48 = tpu.memref_slice %arg2[%run_scoped3A, %dma_wait3A, %dma_wait3A_47] : memref<2x2560x128xi32, #tpu.memory_space<hbm>> -> memref<1x2560x128xi32, #tpu.memory_space<hbm>>
      %dma_wait3A_49 = tpu.memref_squeeze %dma_wait3A_48 : memref<1x2560x128xi32, #tpu.memory_space<hbm>> -> memref<2560x128xi32, #tpu.memory_space<hbm>>
      %dma_wait3A_50 = arith.constant 0 : i32
      %dma_wait3A_51 = tpu.memref_slice %dma_wait3A_49[%add3A, %dma_wait3A_50] : memref<2560x128xi32, #tpu.memory_space<hbm>> -> memref<80x128xi32, #tpu.memory_space<hbm>>
      %dma_wait3A_52 = arith.constant 0 : i32
      %dma_wait3A_53 = arith.constant 0 : i32
      %dma_wait3A_54 = tpu.memref_slice %arg2[%run_scoped3A, %dma_wait3A_52, %dma_wait3A_53] : memref<2x2560x128xi32, #tpu.memory_space<hbm>> -> memref<1x2560x128xi32, #tpu.memory_space<hbm>>
      %dma_wait3A_55 = tpu.memref_squeeze %dma_wait3A_54 : memref<1x2560x128xi32, #tpu.memory_space<hbm>> -> memref<2560x128xi32, #tpu.memory_space<hbm>>
      %dma_wait3A_56 = arith.constant 0 : i32
      %dma_wait3A_57 = tpu.memref_slice %dma_wait3A_55[%add3A, %dma_wait3A_56] : memref<2560x128xi32, #tpu.memory_space<hbm>> -> memref<80x128xi32, #tpu.memory_space<hbm>>
      tpu.wait_dma2 semaphore(%run_scoped3A_35 : memref<!tpu.dma_semaphore, #tpu.memory_space<semaphore_mem>>) src(%dma_wait3A_57 : memref<80x128xi32, #tpu.memory_space<hbm>>) dst(%arg4 : memref<80x128xi32, #tpu.memory_space<vmem>>)
      tpu.yield
    }) : () -> ()
    %barrier3A = arith.constant 0 : index
    tpu.barrier barrier_id(%barrier3A)
    %scan3A_25 = arith.constant 0 : i32
    %scan3A_26 = arith.constant 80 : i32
    %scan3A_27 = arith.addi %scan3A_25, %scan3A_26 : i32
    %scan3A_28 = arith.constant 1 : i32
    scf.for %scan3A_35 = %scan3A_25 to %scan3A_27 step %scan3A_28  : i32 {
      %mul3A_36 = arith.constant 1 : i32
      %mul3A_37 = arith.muli %scan3A_35, %mul3A_36 : i32
      %add3A_38 = arith.constant 0 : i32
      %add3A_39 = arith.addi %add3A_38, %mul3A_37 : i32
      %lt3A = arith.cmpi slt, %add3A_39, %min3A_24 : i32
      %convert_element_type3A = arith.extui %lt3A : i1 to i32
      %cond3A = arith.constant 0 : i32
      %cond3A_40 = arith.cmpi ne, %convert_element_type3A, %cond3A : i32
      scf.if %cond3A_40 {
        "tpu.region"() ({
          %run_scoped3A_41 = tpu.sem_alloc : memref<!tpu.dma_semaphore, #tpu.memory_space<semaphore_mem>>
          %dma_start3A = arith.constant 0 : i32
          %dma_start3A_42 = tpu.memref_slice %arg4[%add3A_39, %dma_start3A] : memref<80x128xi32, #tpu.memory_space<vmem>> -> memref<1x128xi32, #tpu.memory_space<vmem>>
          %dma_start3A_43 = tpu.memref_squeeze %dma_start3A_42 : memref<1x128xi32, #tpu.memory_space<vmem>> -> memref<128xi32, #tpu.memory_space<vmem>>
          %dma_start3A_44 = arith.constant 0 : i32
          %dma_start3A_45 = arith.constant 0 : i32
          %dma_start3A_46 = tpu.memref_slice %arg7[%dma_start3A_44, %dma_start3A_45] : memref<10240x16xf32, #tpu.memory_space<vmem_shared>> -> memref<10240x16xf32, #tpu.memory_space<vmem_shared>>
          tpu.enqueue_indirect_dma source(%arg5 : memref<128x16xf32, #tpu.memory_space<vmem>>) target(%dma_start3A_46 : memref<10240x16xf32, #tpu.memory_space<vmem_shared>>) offsets(%dma_start3A_43 : memref<128xi32, #tpu.memory_space<vmem>>) semaphore(%run_scoped3A_41 : memref<!tpu.dma_semaphore, #tpu.memory_space<semaphore_mem>>) {add = true}
          %dma_wait3A = arith.constant 0 : i32
          %dma_wait3A_47 = tpu.memref_slice %arg4[%add3A_39, %dma_wait3A] : memref<80x128xi32, #tpu.memory_space<vmem>> -> memref<1x128xi32, #tpu.memory_space<vmem>>
          %dma_wait3A_48 = tpu.memref_squeeze %dma_wait3A_47 : memref<1x128xi32, #tpu.memory_space<vmem>> -> memref<128xi32, #tpu.memory_space<vmem>>
          %dma_wait3A_49 = arith.constant 0 : i32
          %dma_wait3A_50 = arith.constant 0 : i32
          %dma_wait3A_51 = tpu.memref_slice %arg7[%dma_wait3A_49, %dma_wait3A_50] : memref<10240x16xf32, #tpu.memory_space<vmem_shared>> -> memref<10240x16xf32, #tpu.memory_space<vmem_shared>>
          tpu.wait_indirect_dma semaphore(%run_scoped3A_41 : memref<!tpu.dma_semaphore, #tpu.memory_space<semaphore_mem>>) src(%arg5 : memref<128x16xf32, #tpu.memory_space<vmem>>) dst(%dma_wait3A_51 : memref<10240x16xf32, #tpu.memory_space<vmem_shared>>)
          tpu.yield
        }) : () -> ()
      } else {
      }
    }
    %scan3A_29 = arith.constant 80 : i32
    %barrier3A_30 = arith.constant 0 : index
    tpu.barrier barrier_id(%barrier3A_30)
    %mul3A_31 = arith.constant 640 : i32
    %mul3A_32 = arith.muli %arg1, %mul3A_31 : i32
    %mul3A_33 = arith.constant 640 : i32
    %mul3A_34 = arith.muli %arg1, %mul3A_33 : i32
    "tpu.region"() ({
      %run_scoped3A_35 = tpu.sem_alloc : memref<!tpu.dma_semaphore, #tpu.memory_space<semaphore_mem>>
      %dma_start3A = arith.constant 0 : i32
      %dma_start3A_36 = arith.constant 0 : i32
      %dma_start3A_37 = tpu.memref_slice %arg3[%arg0, %dma_start3A, %dma_start3A_36] : memref<2x10240x16xf32, #tpu.memory_space<hbm>> -> memref<1x10240x16xf32, #tpu.memory_space<hbm>>
      %dma_start3A_38 = tpu.memref_squeeze %dma_start3A_37 : memref<1x10240x16xf32, #tpu.memory_space<hbm>> -> memref<10240x16xf32, #tpu.memory_space<hbm>>
      %dma_start3A_39 = arith.constant 0 : i32
      %dma_start3A_40 = tpu.memref_slice %dma_start3A_38[%mul3A_34, %dma_start3A_39] : memref<10240x16xf32, #tpu.memory_space<hbm>> -> memref<640x16xf32, #tpu.memory_space<hbm>>
      %dma_start3A_41 = arith.constant 0 : i32
      %dma_start3A_42 = tpu.memref_slice %arg7[%mul3A_32, %dma_start3A_41] : memref<10240x16xf32, #tpu.memory_space<vmem_shared>> -> memref<640x16xf32, #tpu.memory_space<vmem_shared>>
      tpu.enqueue_dma source(%dma_start3A_42 : memref<640x16xf32, #tpu.memory_space<vmem_shared>>) target(%dma_start3A_40 : memref<640x16xf32, #tpu.memory_space<hbm>>) target_semaphore(%run_scoped3A_35 : memref<!tpu.dma_semaphore, #tpu.memory_space<semaphore_mem>>)
      %dma_wait3A = arith.constant 0 : i32
      %dma_wait3A_43 = arith.constant 0 : i32
      %dma_wait3A_44 = tpu.memref_slice %arg3[%arg0, %dma_wait3A, %dma_wait3A_43] : memref<2x10240x16xf32, #tpu.memory_space<hbm>> -> memref<1x10240x16xf32, #tpu.memory_space<hbm>>
      %dma_wait3A_45 = tpu.memref_squeeze %dma_wait3A_44 : memref<1x10240x16xf32, #tpu.memory_space<hbm>> -> memref<10240x16xf32, #tpu.memory_space<hbm>>
      %dma_wait3A_46 = arith.constant 0 : i32
      %dma_wait3A_47 = tpu.memref_slice %dma_wait3A_45[%mul3A_34, %dma_wait3A_46] : memref<10240x16xf32, #tpu.memory_space<hbm>> -> memref<640x16xf32, #tpu.memory_space<hbm>>
      %dma_wait3A_48 = arith.constant 0 : i32
      %dma_wait3A_49 = tpu.memref_slice %arg7[%mul3A_32, %dma_wait3A_48] : memref<10240x16xf32, #tpu.memory_space<vmem_shared>> -> memref<640x16xf32, #tpu.memory_space<vmem_shared>>
      tpu.wait_dma2 semaphore(%run_scoped3A_35 : memref<!tpu.dma_semaphore, #tpu.memory_space<semaphore_mem>>) src(%dma_wait3A_49 : memref<640x16xf32, #tpu.memory_space<vmem_shared>>) dst(%dma_wait3A_47 : memref<640x16xf32, #tpu.memory_space<hbm>>)
      tpu.yield
    }) : () -> ()
    return
  }
}

#map = affine_map<(d0, d1) -> (0, 0)>
#map1 = affine_map<(d0, d1) -> (0, 0, 0)>
module attributes {stable_mosaic.version = 14 : i64} {
  func.func @_sc_decode_gather(%arg0: i32, %arg1: i32, %arg2: memref<10000x64xf32, #tpu.memory_space<hbm>>, %arg3: memref<1792x128xi32, #tpu.memory_space<hbm>>, %arg4: memref<1600x128x64xf32, #tpu.memory_space<hbm>>, %arg5: memref<56x128xi32, #tpu.memory_space<vmem>>, %arg6: memref<128x64xf32, #tpu.memory_space<vmem>>, %arg7: memref<128x64xf32, #tpu.memory_space<vmem>>, %arg8: memref<!tpu.dma_semaphore, #tpu.memory_space<semaphore_mem>>, %arg9: memref<!tpu.dma_semaphore, #tpu.memory_space<semaphore_mem>>) attributes {dimension_semantics = [#tpu.dimension_semantics<core_parallel>, #tpu.dimension_semantics<subcore_parallel>], iteration_bounds = array<i64: 2, 16>, scalar_prefetch = 0 : i64, scratch_operands = 5 : i64, tpu.core_type = #tpu.core_type<sc_vector_subcore>, window_params = [{transform_indices = #map}, {transform_indices = #map}, {transform_indices = #map1}]} {
    %mul3A = arith.constant 16 : i32
    %mul3A_0 = arith.muli %arg0, %mul3A : i32
    %add3A = arith.addi %mul3A_0, %arg1 : i32
    %mul3A_1 = arith.constant 56 : i32
    %mul3A_2 = arith.muli %add3A, %mul3A_1 : i32
    %sub3A = arith.constant 1600 : i32
    %sub3A_3 = arith.subi %sub3A, %mul3A_2 : i32
    %max3A = arith.constant 0 : i32
    %max3A_4 = arith.maxsi %sub3A_3, %max3A : i32
    %min3A = arith.constant 56 : i32
    %min3A_5 = arith.minsi %min3A, %max3A_4 : i32
    "tpu.region"() ({
      %run_scoped3A = tpu.sem_alloc : memref<!tpu.dma_semaphore, #tpu.memory_space<semaphore_mem>>
      %dma_start3A = arith.constant 0 : i32
      %dma_start3A_12 = tpu.memref_slice %arg3[%mul3A_2, %dma_start3A] : memref<1792x128xi32, #tpu.memory_space<hbm>> -> memref<56x128xi32, #tpu.memory_space<hbm>>
      %dma_start3A_13 = arith.constant 0 : i32
      %dma_start3A_14 = tpu.memref_slice %arg3[%mul3A_2, %dma_start3A_13] : memref<1792x128xi32, #tpu.memory_space<hbm>> -> memref<56x128xi32, #tpu.memory_space<hbm>>
      tpu.enqueue_dma source(%dma_start3A_14 : memref<56x128xi32, #tpu.memory_space<hbm>>) target(%arg5 : memref<56x128xi32, #tpu.memory_space<vmem>>) target_semaphore(%run_scoped3A : memref<!tpu.dma_semaphore, #tpu.memory_space<semaphore_mem>>)
      %dma_wait3A = arith.constant 0 : i32
      %dma_wait3A_15 = tpu.memref_slice %arg3[%mul3A_2, %dma_wait3A] : memref<1792x128xi32, #tpu.memory_space<hbm>> -> memref<56x128xi32, #tpu.memory_space<hbm>>
      %dma_wait3A_16 = arith.constant 0 : i32
      %dma_wait3A_17 = tpu.memref_slice %arg3[%mul3A_2, %dma_wait3A_16] : memref<1792x128xi32, #tpu.memory_space<hbm>> -> memref<56x128xi32, #tpu.memory_space<hbm>>
      tpu.wait_dma2 semaphore(%run_scoped3A : memref<!tpu.dma_semaphore, #tpu.memory_space<semaphore_mem>>) src(%dma_wait3A_17 : memref<56x128xi32, #tpu.memory_space<hbm>>) dst(%arg5 : memref<56x128xi32, #tpu.memory_space<vmem>>)
      tpu.yield
    }) : () -> ()
    %gt3A = arith.constant 0 : i32
    %gt3A_6 = arith.cmpi sgt, %min3A_5, %gt3A : i32
    %convert_element_type3A = arith.extui %gt3A_6 : i1 to i32
    %cond3A = arith.constant 0 : i32
    %cond3A_7 = arith.cmpi ne, %convert_element_type3A, %cond3A : i32
    scf.if %cond3A_7 {
      %dma_start3A = arith.constant 0 : i32
      %dma_start3A_12 = arith.constant 0 : i32
      %dma_start3A_13 = tpu.memref_slice %arg5[%dma_start3A, %dma_start3A_12] : memref<56x128xi32, #tpu.memory_space<vmem>> -> memref<1x128xi32, #tpu.memory_space<vmem>>
      %dma_start3A_14 = tpu.memref_squeeze %dma_start3A_13 : memref<1x128xi32, #tpu.memory_space<vmem>> -> memref<128xi32, #tpu.memory_space<vmem>>
      %dma_start3A_15 = arith.constant 0 : i32
      %dma_start3A_16 = arith.constant 0 : i32
      %dma_start3A_17 = tpu.memref_slice %arg2[%dma_start3A_15, %dma_start3A_16] : memref<10000x64xf32, #tpu.memory_space<hbm>> -> memref<10000x64xf32, #tpu.memory_space<hbm>>
      tpu.enqueue_indirect_dma source(%dma_start3A_17 : memref<10000x64xf32, #tpu.memory_space<hbm>>) target(%arg6 : memref<128x64xf32, #tpu.memory_space<vmem>>) offsets(%dma_start3A_14 : memref<128xi32, #tpu.memory_space<vmem>>) semaphore(%arg8 : memref<!tpu.dma_semaphore, #tpu.memory_space<semaphore_mem>>)
    } else {
    }
    %scan3A = arith.constant 0 : i32
    %scan3A_8 = arith.constant 28 : i32
    %scan3A_9 = arith.addi %scan3A, %scan3A_8 : i32
    %scan3A_10 = arith.constant 1 : i32
    scf.for %scan3A_12 = %scan3A to %scan3A_9 step %scan3A_10  : i32 {
      %mul3A_13 = arith.constant 2 : i32
      %mul3A_14 = arith.muli %scan3A_12, %mul3A_13 : i32
      %add3A_15 = arith.constant 0 : i32
      %add3A_16 = arith.addi %add3A_15, %mul3A_14 : i32
      %lt3A = arith.cmpi slt, %add3A_16, %min3A_5 : i32
      %convert_element_type3A_17 = arith.extui %lt3A : i1 to i32
      %cond3A_18 = arith.constant 0 : i32
      %cond3A_19 = arith.cmpi ne, %convert_element_type3A_17, %cond3A_18 : i32
      scf.if %cond3A_19 {
        %add3A_20 = arith.constant 1 : i32
        %add3A_21 = arith.addi %add3A_16, %add3A_20 : i32
        %dma_start3A = arith.constant 0 : i32
        %dma_start3A_22 = tpu.memref_slice %arg5[%add3A_21, %dma_start3A] : memref<56x128xi32, #tpu.memory_space<vmem>> -> memref<1x128xi32, #tpu.memory_space<vmem>>
        %dma_start3A_23 = tpu.memref_squeeze %dma_start3A_22 : memref<1x128xi32, #tpu.memory_space<vmem>> -> memref<128xi32, #tpu.memory_space<vmem>>
        %dma_start3A_24 = arith.constant 0 : i32
        %dma_start3A_25 = arith.constant 0 : i32
        %dma_start3A_26 = tpu.memref_slice %arg2[%dma_start3A_24, %dma_start3A_25] : memref<10000x64xf32, #tpu.memory_space<hbm>> -> memref<10000x64xf32, #tpu.memory_space<hbm>>
        tpu.enqueue_indirect_dma source(%dma_start3A_26 : memref<10000x64xf32, #tpu.memory_space<hbm>>) target(%arg7 : memref<128x64xf32, #tpu.memory_space<vmem>>) offsets(%dma_start3A_23 : memref<128xi32, #tpu.memory_space<vmem>>) semaphore(%arg9 : memref<!tpu.dma_semaphore, #tpu.memory_space<semaphore_mem>>)
        %dma_wait3A = arith.constant 0 : i32
        %dma_wait3A_27 = tpu.memref_slice %arg5[%add3A_16, %dma_wait3A] : memref<56x128xi32, #tpu.memory_space<vmem>> -> memref<1x128xi32, #tpu.memory_space<vmem>>
        %dma_wait3A_28 = tpu.memref_squeeze %dma_wait3A_27 : memref<1x128xi32, #tpu.memory_space<vmem>> -> memref<128xi32, #tpu.memory_space<vmem>>
        %dma_wait3A_29 = arith.constant 0 : i32
        %dma_wait3A_30 = arith.constant 0 : i32
        %dma_wait3A_31 = tpu.memref_slice %arg2[%dma_wait3A_29, %dma_wait3A_30] : memref<10000x64xf32, #tpu.memory_space<hbm>> -> memref<10000x64xf32, #tpu.memory_space<hbm>>
        tpu.wait_indirect_dma semaphore(%arg8 : memref<!tpu.dma_semaphore, #tpu.memory_space<semaphore_mem>>) src(%dma_wait3A_31 : memref<10000x64xf32, #tpu.memory_space<hbm>>) dst(%arg6 : memref<128x64xf32, #tpu.memory_space<vmem>>)
        %add3A_32 = arith.addi %mul3A_2, %add3A_16 : i32
        "tpu.region"() ({
          %run_scoped3A = tpu.sem_alloc : memref<!tpu.dma_semaphore, #tpu.memory_space<semaphore_mem>>
          %dma_start3A_50 = arith.constant 0 : i32
          %dma_start3A_51 = arith.constant 0 : i32
          %dma_start3A_52 = tpu.memref_slice %arg4[%add3A_32, %dma_start3A_50, %dma_start3A_51] : memref<1600x128x64xf32, #tpu.memory_space<hbm>> -> memref<1x128x64xf32, #tpu.memory_space<hbm>>
          %dma_start3A_53 = tpu.memref_squeeze %dma_start3A_52 : memref<1x128x64xf32, #tpu.memory_space<hbm>> -> memref<128x64xf32, #tpu.memory_space<hbm>>
          %dma_start3A_54 = arith.constant 0 : i32
          %dma_start3A_55 = arith.constant 0 : i32
          %dma_start3A_56 = tpu.memref_slice %arg4[%add3A_32, %dma_start3A_54, %dma_start3A_55] : memref<1600x128x64xf32, #tpu.memory_space<hbm>> -> memref<1x128x64xf32, #tpu.memory_space<hbm>>
          %dma_start3A_57 = tpu.memref_squeeze %dma_start3A_56 : memref<1x128x64xf32, #tpu.memory_space<hbm>> -> memref<128x64xf32, #tpu.memory_space<hbm>>
          tpu.enqueue_dma source(%arg6 : memref<128x64xf32, #tpu.memory_space<vmem>>) target(%dma_start3A_57 : memref<128x64xf32, #tpu.memory_space<hbm>>) target_semaphore(%run_scoped3A : memref<!tpu.dma_semaphore, #tpu.memory_space<semaphore_mem>>)
          %dma_wait3A_58 = arith.constant 0 : i32
          %dma_wait3A_59 = arith.constant 0 : i32
          %dma_wait3A_60 = tpu.memref_slice %arg4[%add3A_32, %dma_wait3A_58, %dma_wait3A_59] : memref<1600x128x64xf32, #tpu.memory_space<hbm>> -> memref<1x128x64xf32, #tpu.memory_space<hbm>>
          %dma_wait3A_61 = tpu.memref_squeeze %dma_wait3A_60 : memref<1x128x64xf32, #tpu.memory_space<hbm>> -> memref<128x64xf32, #tpu.memory_space<hbm>>
          %dma_wait3A_62 = arith.constant 0 : i32
          %dma_wait3A_63 = arith.constant 0 : i32
          %dma_wait3A_64 = tpu.memref_slice %arg4[%add3A_32, %dma_wait3A_62, %dma_wait3A_63] : memref<1600x128x64xf32, #tpu.memory_space<hbm>> -> memref<1x128x64xf32, #tpu.memory_space<hbm>>
          %dma_wait3A_65 = tpu.memref_squeeze %dma_wait3A_64 : memref<1x128x64xf32, #tpu.memory_space<hbm>> -> memref<128x64xf32, #tpu.memory_space<hbm>>
          tpu.wait_dma2 semaphore(%run_scoped3A : memref<!tpu.dma_semaphore, #tpu.memory_space<semaphore_mem>>) src(%arg6 : memref<128x64xf32, #tpu.memory_space<vmem>>) dst(%dma_wait3A_65 : memref<128x64xf32, #tpu.memory_space<hbm>>)
          tpu.yield
        }) : () -> ()
        %add3A_33 = arith.constant 2 : i32
        %add3A_34 = arith.addi %add3A_16, %add3A_33 : i32
        %lt3A_35 = arith.cmpi slt, %add3A_34, %min3A_5 : i32
        %convert_element_type3A_36 = arith.extui %lt3A_35 : i1 to i32
        %cond3A_37 = arith.constant 0 : i32
        %cond3A_38 = arith.cmpi ne, %convert_element_type3A_36, %cond3A_37 : i32
        scf.if %cond3A_38 {
          %add3A_50 = arith.constant 2 : i32
          %add3A_51 = arith.addi %add3A_16, %add3A_50 : i32
          %dma_start3A_52 = arith.constant 0 : i32
          %dma_start3A_53 = tpu.memref_slice %arg5[%add3A_51, %dma_start3A_52] : memref<56x128xi32, #tpu.memory_space<vmem>> -> memref<1x128xi32, #tpu.memory_space<vmem>>
          %dma_start3A_54 = tpu.memref_squeeze %dma_start3A_53 : memref<1x128xi32, #tpu.memory_space<vmem>> -> memref<128xi32, #tpu.memory_space<vmem>>
          %dma_start3A_55 = arith.constant 0 : i32
          %dma_start3A_56 = arith.constant 0 : i32
          %dma_start3A_57 = tpu.memref_slice %arg2[%dma_start3A_55, %dma_start3A_56] : memref<10000x64xf32, #tpu.memory_space<hbm>> -> memref<10000x64xf32, #tpu.memory_space<hbm>>
          tpu.enqueue_indirect_dma source(%dma_start3A_57 : memref<10000x64xf32, #tpu.memory_space<hbm>>) target(%arg6 : memref<128x64xf32, #tpu.memory_space<vmem>>) offsets(%dma_start3A_54 : memref<128xi32, #tpu.memory_space<vmem>>) semaphore(%arg8 : memref<!tpu.dma_semaphore, #tpu.memory_space<semaphore_mem>>)
        } else {
        }
        %add3A_39 = arith.constant 1 : i32
        %add3A_40 = arith.addi %add3A_16, %add3A_39 : i32
        %dma_wait3A_41 = arith.constant 0 : i32
        %dma_wait3A_42 = tpu.memref_slice %arg5[%add3A_40, %dma_wait3A_41] : memref<56x128xi32, #tpu.memory_space<vmem>> -> memref<1x128xi32, #tpu.memory_space<vmem>>
        %dma_wait3A_43 = tpu.memref_squeeze %dma_wait3A_42 : memref<1x128xi32, #tpu.memory_space<vmem>> -> memref<128xi32, #tpu.memory_space<vmem>>
        %dma_wait3A_44 = arith.constant 0 : i32
        %dma_wait3A_45 = arith.constant 0 : i32
        %dma_wait3A_46 = tpu.memref_slice %arg2[%dma_wait3A_44, %dma_wait3A_45] : memref<10000x64xf32, #tpu.memory_space<hbm>> -> memref<10000x64xf32, #tpu.memory_space<hbm>>
        tpu.wait_indirect_dma semaphore(%arg9 : memref<!tpu.dma_semaphore, #tpu.memory_space<semaphore_mem>>) src(%dma_wait3A_46 : memref<10000x64xf32, #tpu.memory_space<hbm>>) dst(%arg7 : memref<128x64xf32, #tpu.memory_space<vmem>>)
        %add3A_47 = arith.addi %mul3A_2, %add3A_16 : i32
        %add3A_48 = arith.constant 1 : i32
        %add3A_49 = arith.addi %add3A_47, %add3A_48 : i32
        "tpu.region"() ({
          %run_scoped3A = tpu.sem_alloc : memref<!tpu.dma_semaphore, #tpu.memory_space<semaphore_mem>>
          %dma_start3A_50 = arith.constant 0 : i32
          %dma_start3A_51 = arith.constant 0 : i32
          %dma_start3A_52 = tpu.memref_slice %arg4[%add3A_49, %dma_start3A_50, %dma_start3A_51] : memref<1600x128x64xf32, #tpu.memory_space<hbm>> -> memref<1x128x64xf32, #tpu.memory_space<hbm>>
          %dma_start3A_53 = tpu.memref_squeeze %dma_start3A_52 : memref<1x128x64xf32, #tpu.memory_space<hbm>> -> memref<128x64xf32, #tpu.memory_space<hbm>>
          %dma_start3A_54 = arith.constant 0 : i32
          %dma_start3A_55 = arith.constant 0 : i32
          %dma_start3A_56 = tpu.memref_slice %arg4[%add3A_49, %dma_start3A_54, %dma_start3A_55] : memref<1600x128x64xf32, #tpu.memory_space<hbm>> -> memref<1x128x64xf32, #tpu.memory_space<hbm>>
          %dma_start3A_57 = tpu.memref_squeeze %dma_start3A_56 : memref<1x128x64xf32, #tpu.memory_space<hbm>> -> memref<128x64xf32, #tpu.memory_space<hbm>>
          tpu.enqueue_dma source(%arg7 : memref<128x64xf32, #tpu.memory_space<vmem>>) target(%dma_start3A_57 : memref<128x64xf32, #tpu.memory_space<hbm>>) target_semaphore(%run_scoped3A : memref<!tpu.dma_semaphore, #tpu.memory_space<semaphore_mem>>)
          %dma_wait3A_58 = arith.constant 0 : i32
          %dma_wait3A_59 = arith.constant 0 : i32
          %dma_wait3A_60 = tpu.memref_slice %arg4[%add3A_49, %dma_wait3A_58, %dma_wait3A_59] : memref<1600x128x64xf32, #tpu.memory_space<hbm>> -> memref<1x128x64xf32, #tpu.memory_space<hbm>>
          %dma_wait3A_61 = tpu.memref_squeeze %dma_wait3A_60 : memref<1x128x64xf32, #tpu.memory_space<hbm>> -> memref<128x64xf32, #tpu.memory_space<hbm>>
          %dma_wait3A_62 = arith.constant 0 : i32
          %dma_wait3A_63 = arith.constant 0 : i32
          %dma_wait3A_64 = tpu.memref_slice %arg4[%add3A_49, %dma_wait3A_62, %dma_wait3A_63] : memref<1600x128x64xf32, #tpu.memory_space<hbm>> -> memref<1x128x64xf32, #tpu.memory_space<hbm>>
          %dma_wait3A_65 = tpu.memref_squeeze %dma_wait3A_64 : memref<1x128x64xf32, #tpu.memory_space<hbm>> -> memref<128x64xf32, #tpu.memory_space<hbm>>
          tpu.wait_dma2 semaphore(%run_scoped3A : memref<!tpu.dma_semaphore, #tpu.memory_space<semaphore_mem>>) src(%arg7 : memref<128x64xf32, #tpu.memory_space<vmem>>) dst(%dma_wait3A_65 : memref<128x64xf32, #tpu.memory_space<hbm>>)
          tpu.yield
        }) : () -> ()
      } else {
      }
    }
    %scan3A_11 = arith.constant 28 : i32
    return
  }
}

#map = affine_map<(d0, d1) -> (0, 0)>
#map1 = affine_map<(d0, d1) -> (0, 0, 0)>
module attributes {stable_mosaic.version = 14 : i64} {
  func.func @_sc_scatter(%arg0: i32, %arg1: i32, %arg2: memref<10000x64xf32, #tpu.memory_space<hbm>>, %arg3: memref<2x2560x128xi32, #tpu.memory_space<hbm>>, %arg4: memref<2x10240x64xf32, #tpu.memory_space<hbm>>, %arg5: memref<80x128xi32, #tpu.memory_space<vmem>>, %arg6: memref<80x128xi32, #tpu.memory_space<vmem>>, %arg7: memref<128x64xf32, #tpu.memory_space<vmem>>, %arg8: memref<128x64xf32, #tpu.memory_space<vmem>>, %arg9: memref<10240x64xf32, #tpu.memory_space<vmem_shared>>, %arg10: memref<!tpu.dma_semaphore, #tpu.memory_space<semaphore_mem>>, %arg11: memref<!tpu.dma_semaphore, #tpu.memory_space<semaphore_mem>>) attributes {dimension_semantics = [#tpu.dimension_semantics<core_parallel>, #tpu.dimension_semantics<subcore_parallel>], iteration_bounds = array<i64: 2, 16>, scalar_prefetch = 0 : i64, scratch_operands = 7 : i64, tpu.core_type = #tpu.core_type<sc_vector_subcore>, window_params = [{transform_indices = #map}, {transform_indices = #map1}, {transform_indices = #map1}]} {
    %lt3A = arith.constant 15 : i32
    %lt3A_0 = arith.cmpi slt, %arg1, %lt3A : i32
    %convert_element_type3A = arith.extui %lt3A_0 : i1 to i32
    %cond3A = arith.constant 0 : i32
    %cond3A_1 = arith.cmpi ne, %convert_element_type3A, %cond3A : i32
    scf.if %cond3A_1 {
      %mul3A_40 = arith.constant 640 : i32
      %mul3A_41 = arith.muli %arg1, %mul3A_40 : i32
      %mul3A_42 = arith.constant 640 : i32
      %mul3A_43 = arith.muli %arg1, %mul3A_42 : i32
      "tpu.region"() ({
        %run_scoped3A_44 = tpu.sem_alloc : memref<!tpu.dma_semaphore, #tpu.memory_space<semaphore_mem>>
        %dma_start3A_45 = arith.constant 0 : i32
        %dma_start3A_46 = tpu.memref_slice %arg9[%mul3A_43, %dma_start3A_45] : memref<10240x64xf32, #tpu.memory_space<vmem_shared>> -> memref<640x64xf32, #tpu.memory_space<vmem_shared>>
        %dma_start3A_47 = arith.constant 0 : i32
        %dma_start3A_48 = tpu.memref_slice %arg2[%mul3A_41, %dma_start3A_47] : memref<10000x64xf32, #tpu.memory_space<hbm>> -> memref<640x64xf32, #tpu.memory_space<hbm>>
        tpu.enqueue_dma source(%dma_start3A_48 : memref<640x64xf32, #tpu.memory_space<hbm>>) target(%dma_start3A_46 : memref<640x64xf32, #tpu.memory_space<vmem_shared>>) target_semaphore(%run_scoped3A_44 : memref<!tpu.dma_semaphore, #tpu.memory_space<semaphore_mem>>)
        %dma_wait3A = arith.constant 0 : i32
        %dma_wait3A_49 = tpu.memref_slice %arg9[%mul3A_43, %dma_wait3A] : memref<10240x64xf32, #tpu.memory_space<vmem_shared>> -> memref<640x64xf32, #tpu.memory_space<vmem_shared>>
        %dma_wait3A_50 = arith.constant 0 : i32
        %dma_wait3A_51 = tpu.memref_slice %arg2[%mul3A_41, %dma_wait3A_50] : memref<10000x64xf32, #tpu.memory_space<hbm>> -> memref<640x64xf32, #tpu.memory_space<hbm>>
        tpu.wait_dma2 semaphore(%run_scoped3A_44 : memref<!tpu.dma_semaphore, #tpu.memory_space<semaphore_mem>>) src(%dma_wait3A_51 : memref<640x64xf32, #tpu.memory_space<hbm>>) dst(%dma_wait3A_49 : memref<640x64xf32, #tpu.memory_space<vmem_shared>>)
        tpu.yield
      }) : () -> ()
    } else {
    }
    %eq3A = arith.constant 15 : i32
    %eq3A_2 = arith.cmpi eq, %arg1, %eq3A : i32
    %convert_element_type3A_3 = arith.extui %eq3A_2 : i1 to i32
    %cond3A_4 = arith.constant 0 : i32
    %cond3A_5 = arith.cmpi ne, %convert_element_type3A_3, %cond3A_4 : i32
    scf.if %cond3A_5 {
      "tpu.region"() ({
        %run_scoped3A_40 = tpu.sem_alloc : memref<!tpu.dma_semaphore, #tpu.memory_space<semaphore_mem>>
        %dma_start3A_41 = arith.constant 9600 : i32
        %dma_start3A_42 = arith.constant 0 : i32
        %dma_start3A_43 = tpu.memref_slice %arg9[%dma_start3A_41, %dma_start3A_42] : memref<10240x64xf32, #tpu.memory_space<vmem_shared>> -> memref<400x64xf32, #tpu.memory_space<vmem_shared>>
        %dma_start3A_44 = arith.constant 9600 : i32
        %dma_start3A_45 = arith.constant 0 : i32
        %dma_start3A_46 = tpu.memref_slice %arg2[%dma_start3A_44, %dma_start3A_45] : memref<10000x64xf32, #tpu.memory_space<hbm>> -> memref<400x64xf32, #tpu.memory_space<hbm>>
        tpu.enqueue_dma source(%dma_start3A_46 : memref<400x64xf32, #tpu.memory_space<hbm>>) target(%dma_start3A_43 : memref<400x64xf32, #tpu.memory_space<vmem_shared>>) target_semaphore(%run_scoped3A_40 : memref<!tpu.dma_semaphore, #tpu.memory_space<semaphore_mem>>)
        %dma_wait3A = arith.constant 9600 : i32
        %dma_wait3A_47 = arith.constant 0 : i32
        %dma_wait3A_48 = tpu.memref_slice %arg9[%dma_wait3A, %dma_wait3A_47] : memref<10240x64xf32, #tpu.memory_space<vmem_shared>> -> memref<400x64xf32, #tpu.memory_space<vmem_shared>>
        %dma_wait3A_49 = arith.constant 9600 : i32
        %dma_wait3A_50 = arith.constant 0 : i32
        %dma_wait3A_51 = tpu.memref_slice %arg2[%dma_wait3A_49, %dma_wait3A_50] : memref<10000x64xf32, #tpu.memory_space<hbm>> -> memref<400x64xf32, #tpu.memory_space<hbm>>
        tpu.wait_dma2 semaphore(%run_scoped3A_40 : memref<!tpu.dma_semaphore, #tpu.memory_space<semaphore_mem>>) src(%dma_wait3A_51 : memref<400x64xf32, #tpu.memory_space<hbm>>) dst(%dma_wait3A_48 : memref<400x64xf32, #tpu.memory_space<vmem_shared>>)
        tpu.yield
      }) : () -> ()
    } else {
    }
    %mul3A = arith.constant 1280 : i32
    %mul3A_6 = arith.muli %arg0, %mul3A : i32
    %mul3A_7 = arith.constant 80 : i32
    %mul3A_8 = arith.muli %arg1, %mul3A_7 : i32
    %add3A = arith.addi %mul3A_6, %mul3A_8 : i32
    %mul3A_9 = arith.constant 80 : i32
    %mul3A_10 = arith.muli %arg1, %mul3A_9 : i32
    %sub3A = arith.constant 1250 : i32
    %sub3A_11 = arith.subi %sub3A, %mul3A_10 : i32
    %max3A = arith.constant 0 : i32
    %max3A_12 = arith.maxsi %sub3A_11, %max3A : i32
    %min3A = arith.constant 80 : i32
    %min3A_13 = arith.minsi %min3A, %max3A_12 : i32
    %add3A_14 = arith.constant 0 : i32
    %add3A_15 = arith.addi %add3A, %add3A_14 : i32
    %run_scoped3A = arith.constant 0 : i32
    "tpu.region"() ({
      %run_scoped3A_40 = tpu.sem_alloc : memref<!tpu.dma_semaphore, #tpu.memory_space<semaphore_mem>>
      %dma_start3A_41 = arith.constant 0 : i32
      %dma_start3A_42 = arith.constant 0 : i32
      %dma_start3A_43 = tpu.memref_slice %arg3[%run_scoped3A, %dma_start3A_41, %dma_start3A_42] : memref<2x2560x128xi32, #tpu.memory_space<hbm>> -> memref<1x2560x128xi32, #tpu.memory_space<hbm>>
      %dma_start3A_44 = tpu.memref_squeeze %dma_start3A_43 : memref<1x2560x128xi32, #tpu.memory_space<hbm>> -> memref<2560x128xi32, #tpu.memory_space<hbm>>
      %dma_start3A_45 = arith.constant 0 : i32
      %dma_start3A_46 = tpu.memref_slice %dma_start3A_44[%add3A_15, %dma_start3A_45] : memref<2560x128xi32, #tpu.memory_space<hbm>> -> memref<80x128xi32, #tpu.memory_space<hbm>>
      %dma_start3A_47 = arith.constant 0 : i32
      %dma_start3A_48 = arith.constant 0 : i32
      %dma_start3A_49 = tpu.memref_slice %arg3[%run_scoped3A, %dma_start3A_47, %dma_start3A_48] : memref<2x2560x128xi32, #tpu.memory_space<hbm>> -> memref<1x2560x128xi32, #tpu.memory_space<hbm>>
      %dma_start3A_50 = tpu.memref_squeeze %dma_start3A_49 : memref<1x2560x128xi32, #tpu.memory_space<hbm>> -> memref<2560x128xi32, #tpu.memory_space<hbm>>
      %dma_start3A_51 = arith.constant 0 : i32
      %dma_start3A_52 = tpu.memref_slice %dma_start3A_50[%add3A_15, %dma_start3A_51] : memref<2560x128xi32, #tpu.memory_space<hbm>> -> memref<80x128xi32, #tpu.memory_space<hbm>>
      tpu.enqueue_dma source(%dma_start3A_52 : memref<80x128xi32, #tpu.memory_space<hbm>>) target(%arg5 : memref<80x128xi32, #tpu.memory_space<vmem>>) target_semaphore(%run_scoped3A_40 : memref<!tpu.dma_semaphore, #tpu.memory_space<semaphore_mem>>)
      %dma_wait3A = arith.constant 0 : i32
      %dma_wait3A_53 = arith.constant 0 : i32
      %dma_wait3A_54 = tpu.memref_slice %arg3[%run_scoped3A, %dma_wait3A, %dma_wait3A_53] : memref<2x2560x128xi32, #tpu.memory_space<hbm>> -> memref<1x2560x128xi32, #tpu.memory_space<hbm>>
      %dma_wait3A_55 = tpu.memref_squeeze %dma_wait3A_54 : memref<1x2560x128xi32, #tpu.memory_space<hbm>> -> memref<2560x128xi32, #tpu.memory_space<hbm>>
      %dma_wait3A_56 = arith.constant 0 : i32
      %dma_wait3A_57 = tpu.memref_slice %dma_wait3A_55[%add3A_15, %dma_wait3A_56] : memref<2560x128xi32, #tpu.memory_space<hbm>> -> memref<80x128xi32, #tpu.memory_space<hbm>>
      %dma_wait3A_58 = arith.constant 0 : i32
      %dma_wait3A_59 = arith.constant 0 : i32
      %dma_wait3A_60 = tpu.memref_slice %arg3[%run_scoped3A, %dma_wait3A_58, %dma_wait3A_59] : memref<2x2560x128xi32, #tpu.memory_space<hbm>> -> memref<1x2560x128xi32, #tpu.memory_space<hbm>>
      %dma_wait3A_61 = tpu.memref_squeeze %dma_wait3A_60 : memref<1x2560x128xi32, #tpu.memory_space<hbm>> -> memref<2560x128xi32, #tpu.memory_space<hbm>>
      %dma_wait3A_62 = arith.constant 0 : i32
      %dma_wait3A_63 = tpu.memref_slice %dma_wait3A_61[%add3A_15, %dma_wait3A_62] : memref<2560x128xi32, #tpu.memory_space<hbm>> -> memref<80x128xi32, #tpu.memory_space<hbm>>
      tpu.wait_dma2 semaphore(%run_scoped3A_40 : memref<!tpu.dma_semaphore, #tpu.memory_space<semaphore_mem>>) src(%dma_wait3A_63 : memref<80x128xi32, #tpu.memory_space<hbm>>) dst(%arg5 : memref<80x128xi32, #tpu.memory_space<vmem>>)
      tpu.yield
    }) : () -> ()
    %add3A_16 = arith.constant 0 : i32
    %add3A_17 = arith.addi %add3A, %add3A_16 : i32
    %run_scoped3A_18 = arith.constant 1 : i32
    "tpu.region"() ({
      %run_scoped3A_40 = tpu.sem_alloc : memref<!tpu.dma_semaphore, #tpu.memory_space<semaphore_mem>>
      %dma_start3A_41 = arith.constant 0 : i32
      %dma_start3A_42 = arith.constant 0 : i32
      %dma_start3A_43 = tpu.memref_slice %arg3[%run_scoped3A_18, %dma_start3A_41, %dma_start3A_42] : memref<2x2560x128xi32, #tpu.memory_space<hbm>> -> memref<1x2560x128xi32, #tpu.memory_space<hbm>>
      %dma_start3A_44 = tpu.memref_squeeze %dma_start3A_43 : memref<1x2560x128xi32, #tpu.memory_space<hbm>> -> memref<2560x128xi32, #tpu.memory_space<hbm>>
      %dma_start3A_45 = arith.constant 0 : i32
      %dma_start3A_46 = tpu.memref_slice %dma_start3A_44[%add3A_17, %dma_start3A_45] : memref<2560x128xi32, #tpu.memory_space<hbm>> -> memref<80x128xi32, #tpu.memory_space<hbm>>
      %dma_start3A_47 = arith.constant 0 : i32
      %dma_start3A_48 = arith.constant 0 : i32
      %dma_start3A_49 = tpu.memref_slice %arg3[%run_scoped3A_18, %dma_start3A_47, %dma_start3A_48] : memref<2x2560x128xi32, #tpu.memory_space<hbm>> -> memref<1x2560x128xi32, #tpu.memory_space<hbm>>
      %dma_start3A_50 = tpu.memref_squeeze %dma_start3A_49 : memref<1x2560x128xi32, #tpu.memory_space<hbm>> -> memref<2560x128xi32, #tpu.memory_space<hbm>>
      %dma_start3A_51 = arith.constant 0 : i32
      %dma_start3A_52 = tpu.memref_slice %dma_start3A_50[%add3A_17, %dma_start3A_51] : memref<2560x128xi32, #tpu.memory_space<hbm>> -> memref<80x128xi32, #tpu.memory_space<hbm>>
      tpu.enqueue_dma source(%dma_start3A_52 : memref<80x128xi32, #tpu.memory_space<hbm>>) target(%arg6 : memref<80x128xi32, #tpu.memory_space<vmem>>) target_semaphore(%run_scoped3A_40 : memref<!tpu.dma_semaphore, #tpu.memory_space<semaphore_mem>>)
      %dma_wait3A = arith.constant 0 : i32
      %dma_wait3A_53 = arith.constant 0 : i32
      %dma_wait3A_54 = tpu.memref_slice %arg3[%run_scoped3A_18, %dma_wait3A, %dma_wait3A_53] : memref<2x2560x128xi32, #tpu.memory_space<hbm>> -> memref<1x2560x128xi32, #tpu.memory_space<hbm>>
      %dma_wait3A_55 = tpu.memref_squeeze %dma_wait3A_54 : memref<1x2560x128xi32, #tpu.memory_space<hbm>> -> memref<2560x128xi32, #tpu.memory_space<hbm>>
      %dma_wait3A_56 = arith.constant 0 : i32
      %dma_wait3A_57 = tpu.memref_slice %dma_wait3A_55[%add3A_17, %dma_wait3A_56] : memref<2560x128xi32, #tpu.memory_space<hbm>> -> memref<80x128xi32, #tpu.memory_space<hbm>>
      %dma_wait3A_58 = arith.constant 0 : i32
      %dma_wait3A_59 = arith.constant 0 : i32
      %dma_wait3A_60 = tpu.memref_slice %arg3[%run_scoped3A_18, %dma_wait3A_58, %dma_wait3A_59] : memref<2x2560x128xi32, #tpu.memory_space<hbm>> -> memref<1x2560x128xi32, #tpu.memory_space<hbm>>
      %dma_wait3A_61 = tpu.memref_squeeze %dma_wait3A_60 : memref<1x2560x128xi32, #tpu.memory_space<hbm>> -> memref<2560x128xi32, #tpu.memory_space<hbm>>
      %dma_wait3A_62 = arith.constant 0 : i32
      %dma_wait3A_63 = tpu.memref_slice %dma_wait3A_61[%add3A_17, %dma_wait3A_62] : memref<2560x128xi32, #tpu.memory_space<hbm>> -> memref<80x128xi32, #tpu.memory_space<hbm>>
      tpu.wait_dma2 semaphore(%run_scoped3A_40 : memref<!tpu.dma_semaphore, #tpu.memory_space<semaphore_mem>>) src(%dma_wait3A_63 : memref<80x128xi32, #tpu.memory_space<hbm>>) dst(%arg6 : memref<80x128xi32, #tpu.memory_space<vmem>>)
      tpu.yield
    }) : () -> ()
    %dma_start3A = arith.constant 0 : i32
    %dma_start3A_19 = arith.constant 0 : i32
    %dma_start3A_20 = tpu.memref_slice %arg5[%dma_start3A, %dma_start3A_19] : memref<80x128xi32, #tpu.memory_space<vmem>> -> memref<1x128xi32, #tpu.memory_space<vmem>>
    %dma_start3A_21 = tpu.memref_squeeze %dma_start3A_20 : memref<1x128xi32, #tpu.memory_space<vmem>> -> memref<128xi32, #tpu.memory_space<vmem>>
    %dma_start3A_22 = arith.constant 0 : i32
    %dma_start3A_23 = arith.constant 0 : i32
    %dma_start3A_24 = tpu.memref_slice %arg2[%dma_start3A_22, %dma_start3A_23] : memref<10000x64xf32, #tpu.memory_space<hbm>> -> memref<10000x64xf32, #tpu.memory_space<hbm>>
    tpu.enqueue_indirect_dma source(%dma_start3A_24 : memref<10000x64xf32, #tpu.memory_space<hbm>>) target(%arg7 : memref<128x64xf32, #tpu.memory_space<vmem>>) offsets(%dma_start3A_21 : memref<128xi32, #tpu.memory_space<vmem>>) semaphore(%arg10 : memref<!tpu.dma_semaphore, #tpu.memory_space<semaphore_mem>>)
    %barrier3A = arith.constant 0 : index
    tpu.barrier barrier_id(%barrier3A)
    %sub3A_25 = arith.constant 0 : i32
    %sub3A_26 = arith.subi %min3A_13, %sub3A_25 : i32
    %max3A_27 = arith.constant 0 : i32
    %max3A_28 = arith.maxsi %sub3A_26, %max3A_27 : i32
    %min3A_29 = arith.constant 80 : i32
    %min3A_30 = arith.minsi %min3A_29, %max3A_28 : i32
    %scan3A = arith.constant 0 : i32
    %scan3A_31 = arith.constant 40 : i32
    %scan3A_32 = arith.addi %scan3A, %scan3A_31 : i32
    %scan3A_33 = arith.constant 1 : i32
    scf.for %scan3A_40 = %scan3A to %scan3A_32 step %scan3A_33  : i32 {
      %mul3A_41 = arith.constant 2 : i32
      %mul3A_42 = arith.muli %scan3A_40, %mul3A_41 : i32
      %add3A_43 = arith.constant 0 : i32
      %add3A_44 = arith.addi %add3A_43, %mul3A_42 : i32
      %lt3A_45 = arith.cmpi slt, %add3A_44, %min3A_30 : i32
      %convert_element_type3A_46 = arith.extui %lt3A_45 : i1 to i32
      %cond3A_47 = arith.constant 0 : i32
      %cond3A_48 = arith.cmpi ne, %convert_element_type3A_46, %cond3A_47 : i32
      scf.if %cond3A_48 {
        %add3A_49 = arith.constant 1 : i32
        %add3A_50 = arith.addi %add3A_44, %add3A_49 : i32
        %dma_start3A_51 = arith.constant 0 : i32
        %dma_start3A_52 = tpu.memref_slice %arg5[%add3A_50, %dma_start3A_51] : memref<80x128xi32, #tpu.memory_space<vmem>> -> memref<1x128xi32, #tpu.memory_space<vmem>>
        %dma_start3A_53 = tpu.memref_squeeze %dma_start3A_52 : memref<1x128xi32, #tpu.memory_space<vmem>> -> memref<128xi32, #tpu.memory_space<vmem>>
        %dma_start3A_54 = arith.constant 0 : i32
        %dma_start3A_55 = arith.constant 0 : i32
        %dma_start3A_56 = tpu.memref_slice %arg2[%dma_start3A_54, %dma_start3A_55] : memref<10000x64xf32, #tpu.memory_space<hbm>> -> memref<10000x64xf32, #tpu.memory_space<hbm>>
        tpu.enqueue_indirect_dma source(%dma_start3A_56 : memref<10000x64xf32, #tpu.memory_space<hbm>>) target(%arg8 : memref<128x64xf32, #tpu.memory_space<vmem>>) offsets(%dma_start3A_53 : memref<128xi32, #tpu.memory_space<vmem>>) semaphore(%arg11 : memref<!tpu.dma_semaphore, #tpu.memory_space<semaphore_mem>>)
        %dma_wait3A = arith.constant 0 : i32
        %dma_wait3A_57 = tpu.memref_slice %arg5[%add3A_44, %dma_wait3A] : memref<80x128xi32, #tpu.memory_space<vmem>> -> memref<1x128xi32, #tpu.memory_space<vmem>>
        %dma_wait3A_58 = tpu.memref_squeeze %dma_wait3A_57 : memref<1x128xi32, #tpu.memory_space<vmem>> -> memref<128xi32, #tpu.memory_space<vmem>>
        %dma_wait3A_59 = arith.constant 0 : i32
        %dma_wait3A_60 = arith.constant 0 : i32
        %dma_wait3A_61 = tpu.memref_slice %arg2[%dma_wait3A_59, %dma_wait3A_60] : memref<10000x64xf32, #tpu.memory_space<hbm>> -> memref<10000x64xf32, #tpu.memory_space<hbm>>
        tpu.wait_indirect_dma semaphore(%arg10 : memref<!tpu.dma_semaphore, #tpu.memory_space<semaphore_mem>>) src(%dma_wait3A_61 : memref<10000x64xf32, #tpu.memory_space<hbm>>) dst(%arg7 : memref<128x64xf32, #tpu.memory_space<vmem>>)
        "tpu.region"() ({
          %run_scoped3A_78 = tpu.sem_alloc : memref<!tpu.dma_semaphore, #tpu.memory_space<semaphore_mem>>
          %dma_start3A_79 = arith.constant 0 : i32
          %dma_start3A_80 = tpu.memref_slice %arg6[%add3A_44, %dma_start3A_79] : memref<80x128xi32, #tpu.memory_space<vmem>> -> memref<1x128xi32, #tpu.memory_space<vmem>>
          %dma_start3A_81 = tpu.memref_squeeze %dma_start3A_80 : memref<1x128xi32, #tpu.memory_space<vmem>> -> memref<128xi32, #tpu.memory_space<vmem>>
          %dma_start3A_82 = arith.constant 0 : i32
          %dma_start3A_83 = arith.constant 0 : i32
          %dma_start3A_84 = tpu.memref_slice %arg9[%dma_start3A_82, %dma_start3A_83] : memref<10240x64xf32, #tpu.memory_space<vmem_shared>> -> memref<10240x64xf32, #tpu.memory_space<vmem_shared>>
          tpu.enqueue_indirect_dma source(%arg7 : memref<128x64xf32, #tpu.memory_space<vmem>>) target(%dma_start3A_84 : memref<10240x64xf32, #tpu.memory_space<vmem_shared>>) offsets(%dma_start3A_81 : memref<128xi32, #tpu.memory_space<vmem>>) semaphore(%run_scoped3A_78 : memref<!tpu.dma_semaphore, #tpu.memory_space<semaphore_mem>>) {add = true}
          %dma_wait3A_85 = arith.constant 0 : i32
          %dma_wait3A_86 = tpu.memref_slice %arg6[%add3A_44, %dma_wait3A_85] : memref<80x128xi32, #tpu.memory_space<vmem>> -> memref<1x128xi32, #tpu.memory_space<vmem>>
          %dma_wait3A_87 = tpu.memref_squeeze %dma_wait3A_86 : memref<1x128xi32, #tpu.memory_space<vmem>> -> memref<128xi32, #tpu.memory_space<vmem>>
          %dma_wait3A_88 = arith.constant 0 : i32
          %dma_wait3A_89 = arith.constant 0 : i32
          %dma_wait3A_90 = tpu.memref_slice %arg9[%dma_wait3A_88, %dma_wait3A_89] : memref<10240x64xf32, #tpu.memory_space<vmem_shared>> -> memref<10240x64xf32, #tpu.memory_space<vmem_shared>>
          tpu.wait_indirect_dma semaphore(%run_scoped3A_78 : memref<!tpu.dma_semaphore, #tpu.memory_space<semaphore_mem>>) src(%arg7 : memref<128x64xf32, #tpu.memory_space<vmem>>) dst(%dma_wait3A_90 : memref<10240x64xf32, #tpu.memory_space<vmem_shared>>)
          tpu.yield
        }) : () -> ()
        %add3A_62 = arith.constant 2 : i32
        %add3A_63 = arith.addi %add3A_44, %add3A_62 : i32
        %lt3A_64 = arith.cmpi slt, %add3A_63, %min3A_30 : i32
        %convert_element_type3A_65 = arith.extui %lt3A_64 : i1 to i32
        %cond3A_66 = arith.constant 0 : i32
        %cond3A_67 = arith.cmpi ne, %convert_element_type3A_65, %cond3A_66 : i32
        scf.if %cond3A_67 {
          %add3A_78 = arith.constant 2 : i32
          %add3A_79 = arith.addi %add3A_44, %add3A_78 : i32
          %dma_start3A_80 = arith.constant 0 : i32
          %dma_start3A_81 = tpu.memref_slice %arg5[%add3A_79, %dma_start3A_80] : memref<80x128xi32, #tpu.memory_space<vmem>> -> memref<1x128xi32, #tpu.memory_space<vmem>>
          %dma_start3A_82 = tpu.memref_squeeze %dma_start3A_81 : memref<1x128xi32, #tpu.memory_space<vmem>> -> memref<128xi32, #tpu.memory_space<vmem>>
          %dma_start3A_83 = arith.constant 0 : i32
          %dma_start3A_84 = arith.constant 0 : i32
          %dma_start3A_85 = tpu.memref_slice %arg2[%dma_start3A_83, %dma_start3A_84] : memref<10000x64xf32, #tpu.memory_space<hbm>> -> memref<10000x64xf32, #tpu.memory_space<hbm>>
          tpu.enqueue_indirect_dma source(%dma_start3A_85 : memref<10000x64xf32, #tpu.memory_space<hbm>>) target(%arg7 : memref<128x64xf32, #tpu.memory_space<vmem>>) offsets(%dma_start3A_82 : memref<128xi32, #tpu.memory_space<vmem>>) semaphore(%arg10 : memref<!tpu.dma_semaphore, #tpu.memory_space<semaphore_mem>>)
        } else {
        }
        %add3A_68 = arith.constant 1 : i32
        %add3A_69 = arith.addi %add3A_44, %add3A_68 : i32
        %dma_wait3A_70 = arith.constant 0 : i32
        %dma_wait3A_71 = tpu.memref_slice %arg5[%add3A_69, %dma_wait3A_70] : memref<80x128xi32, #tpu.memory_space<vmem>> -> memref<1x128xi32, #tpu.memory_space<vmem>>
        %dma_wait3A_72 = tpu.memref_squeeze %dma_wait3A_71 : memref<1x128xi32, #tpu.memory_space<vmem>> -> memref<128xi32, #tpu.memory_space<vmem>>
        %dma_wait3A_73 = arith.constant 0 : i32
        %dma_wait3A_74 = arith.constant 0 : i32
        %dma_wait3A_75 = tpu.memref_slice %arg2[%dma_wait3A_73, %dma_wait3A_74] : memref<10000x64xf32, #tpu.memory_space<hbm>> -> memref<10000x64xf32, #tpu.memory_space<hbm>>
        tpu.wait_indirect_dma semaphore(%arg11 : memref<!tpu.dma_semaphore, #tpu.memory_space<semaphore_mem>>) src(%dma_wait3A_75 : memref<10000x64xf32, #tpu.memory_space<hbm>>) dst(%arg8 : memref<128x64xf32, #tpu.memory_space<vmem>>)
        %add3A_76 = arith.constant 1 : i32
        %add3A_77 = arith.addi %add3A_44, %add3A_76 : i32
        "tpu.region"() ({
          %run_scoped3A_78 = tpu.sem_alloc : memref<!tpu.dma_semaphore, #tpu.memory_space<semaphore_mem>>
          %dma_start3A_79 = arith.constant 0 : i32
          %dma_start3A_80 = tpu.memref_slice %arg6[%add3A_77, %dma_start3A_79] : memref<80x128xi32, #tpu.memory_space<vmem>> -> memref<1x128xi32, #tpu.memory_space<vmem>>
          %dma_start3A_81 = tpu.memref_squeeze %dma_start3A_80 : memref<1x128xi32, #tpu.memory_space<vmem>> -> memref<128xi32, #tpu.memory_space<vmem>>
          %dma_start3A_82 = arith.constant 0 : i32
          %dma_start3A_83 = arith.constant 0 : i32
          %dma_start3A_84 = tpu.memref_slice %arg9[%dma_start3A_82, %dma_start3A_83] : memref<10240x64xf32, #tpu.memory_space<vmem_shared>> -> memref<10240x64xf32, #tpu.memory_space<vmem_shared>>
          tpu.enqueue_indirect_dma source(%arg8 : memref<128x64xf32, #tpu.memory_space<vmem>>) target(%dma_start3A_84 : memref<10240x64xf32, #tpu.memory_space<vmem_shared>>) offsets(%dma_start3A_81 : memref<128xi32, #tpu.memory_space<vmem>>) semaphore(%run_scoped3A_78 : memref<!tpu.dma_semaphore, #tpu.memory_space<semaphore_mem>>) {add = true}
          %dma_wait3A_85 = arith.constant 0 : i32
          %dma_wait3A_86 = tpu.memref_slice %arg6[%add3A_77, %dma_wait3A_85] : memref<80x128xi32, #tpu.memory_space<vmem>> -> memref<1x128xi32, #tpu.memory_space<vmem>>
          %dma_wait3A_87 = tpu.memref_squeeze %dma_wait3A_86 : memref<1x128xi32, #tpu.memory_space<vmem>> -> memref<128xi32, #tpu.memory_space<vmem>>
          %dma_wait3A_88 = arith.constant 0 : i32
          %dma_wait3A_89 = arith.constant 0 : i32
          %dma_wait3A_90 = tpu.memref_slice %arg9[%dma_wait3A_88, %dma_wait3A_89] : memref<10240x64xf32, #tpu.memory_space<vmem_shared>> -> memref<10240x64xf32, #tpu.memory_space<vmem_shared>>
          tpu.wait_indirect_dma semaphore(%run_scoped3A_78 : memref<!tpu.dma_semaphore, #tpu.memory_space<semaphore_mem>>) src(%arg8 : memref<128x64xf32, #tpu.memory_space<vmem>>) dst(%dma_wait3A_90 : memref<10240x64xf32, #tpu.memory_space<vmem_shared>>)
          tpu.yield
        }) : () -> ()
      } else {
      }
    }
    %scan3A_34 = arith.constant 40 : i32
    %barrier3A_35 = arith.constant 0 : index
    tpu.barrier barrier_id(%barrier3A_35)
    %mul3A_36 = arith.constant 640 : i32
    %mul3A_37 = arith.muli %arg1, %mul3A_36 : i32
    %mul3A_38 = arith.constant 640 : i32
    %mul3A_39 = arith.muli %arg1, %mul3A_38 : i32
    "tpu.region"() ({
      %run_scoped3A_40 = tpu.sem_alloc : memref<!tpu.dma_semaphore, #tpu.memory_space<semaphore_mem>>
      %dma_start3A_41 = arith.constant 0 : i32
      %dma_start3A_42 = arith.constant 0 : i32
      %dma_start3A_43 = tpu.memref_slice %arg4[%arg0, %dma_start3A_41, %dma_start3A_42] : memref<2x10240x64xf32, #tpu.memory_space<hbm>> -> memref<1x10240x64xf32, #tpu.memory_space<hbm>>
      %dma_start3A_44 = tpu.memref_squeeze %dma_start3A_43 : memref<1x10240x64xf32, #tpu.memory_space<hbm>> -> memref<10240x64xf32, #tpu.memory_space<hbm>>
      %dma_start3A_45 = arith.constant 0 : i32
      %dma_start3A_46 = tpu.memref_slice %dma_start3A_44[%mul3A_39, %dma_start3A_45] : memref<10240x64xf32, #tpu.memory_space<hbm>> -> memref<640x64xf32, #tpu.memory_space<hbm>>
      %dma_start3A_47 = arith.constant 0 : i32
      %dma_start3A_48 = tpu.memref_slice %arg9[%mul3A_37, %dma_start3A_47] : memref<10240x64xf32, #tpu.memory_space<vmem_shared>> -> memref<640x64xf32, #tpu.memory_space<vmem_shared>>
      tpu.enqueue_dma source(%dma_start3A_48 : memref<640x64xf32, #tpu.memory_space<vmem_shared>>) target(%dma_start3A_46 : memref<640x64xf32, #tpu.memory_space<hbm>>) target_semaphore(%run_scoped3A_40 : memref<!tpu.dma_semaphore, #tpu.memory_space<semaphore_mem>>)
      %dma_wait3A = arith.constant 0 : i32
      %dma_wait3A_49 = arith.constant 0 : i32
      %dma_wait3A_50 = tpu.memref_slice %arg4[%arg0, %dma_wait3A, %dma_wait3A_49] : memref<2x10240x64xf32, #tpu.memory_space<hbm>> -> memref<1x10240x64xf32, #tpu.memory_space<hbm>>
      %dma_wait3A_51 = tpu.memref_squeeze %dma_wait3A_50 : memref<1x10240x64xf32, #tpu.memory_space<hbm>> -> memref<10240x64xf32, #tpu.memory_space<hbm>>
      %dma_wait3A_52 = arith.constant 0 : i32
      %dma_wait3A_53 = tpu.memref_slice %dma_wait3A_51[%mul3A_39, %dma_wait3A_52] : memref<10240x64xf32, #tpu.memory_space<hbm>> -> memref<640x64xf32, #tpu.memory_space<hbm>>
      %dma_wait3A_54 = arith.constant 0 : i32
      %dma_wait3A_55 = tpu.memref_slice %arg9[%mul3A_37, %dma_wait3A_54] : memref<10240x64xf32, #tpu.memory_space<vmem_shared>> -> memref<640x64xf32, #tpu.memory_space<vmem_shared>>
      tpu.wait_dma2 semaphore(%run_scoped3A_40 : memref<!tpu.dma_semaphore, #tpu.memory_space<semaphore_mem>>) src(%dma_wait3A_55 : memref<640x64xf32, #tpu.memory_space<vmem_shared>>) dst(%dma_wait3A_53 : memref<640x64xf32, #tpu.memory_space<hbm>>)
      tpu.yield
    }) : () -> ()
    return
  }
}

#map = affine_map<(d0, d1) -> (0, 0)>
#map1 = affine_map<(d0, d1) -> (0, 0, 0)>
module attributes {stable_mosaic.version = 14 : i64} {
  func.func @_sc_scatter(%arg0: i32, %arg1: i32, %arg2: memref<10000x128xf32, #tpu.memory_space<hbm>>, %arg3: memref<2x2560x128xi32, #tpu.memory_space<hbm>>, %arg4: memref<2x10240x128xf32, #tpu.memory_space<hbm>>, %arg5: memref<40x128xi32, #tpu.memory_space<vmem>>, %arg6: memref<40x128xi32, #tpu.memory_space<vmem>>, %arg7: memref<128x128xf32, #tpu.memory_space<vmem>>, %arg8: memref<128x128xf32, #tpu.memory_space<vmem>>, %arg9: memref<10240x128xf32, #tpu.memory_space<vmem_shared>>, %arg10: memref<!tpu.dma_semaphore, #tpu.memory_space<semaphore_mem>>, %arg11: memref<!tpu.dma_semaphore, #tpu.memory_space<semaphore_mem>>) attributes {dimension_semantics = [#tpu.dimension_semantics<core_parallel>, #tpu.dimension_semantics<subcore_parallel>], iteration_bounds = array<i64: 2, 16>, scalar_prefetch = 0 : i64, scratch_operands = 7 : i64, tpu.core_type = #tpu.core_type<sc_vector_subcore>, window_params = [{transform_indices = #map}, {transform_indices = #map1}, {transform_indices = #map1}]} {
    %lt3A = arith.constant 15 : i32
    %lt3A_0 = arith.cmpi slt, %arg1, %lt3A : i32
    %convert_element_type3A = arith.extui %lt3A_0 : i1 to i32
    %cond3A = arith.constant 0 : i32
    %cond3A_1 = arith.cmpi ne, %convert_element_type3A, %cond3A : i32
    scf.if %cond3A_1 {
      %mul3A_64 = arith.constant 640 : i32
      %mul3A_65 = arith.muli %arg1, %mul3A_64 : i32
      %mul3A_66 = arith.constant 640 : i32
      %mul3A_67 = arith.muli %arg1, %mul3A_66 : i32
      "tpu.region"() ({
        %run_scoped3A_68 = tpu.sem_alloc : memref<!tpu.dma_semaphore, #tpu.memory_space<semaphore_mem>>
        %dma_start3A_69 = arith.constant 0 : i32
        %dma_start3A_70 = tpu.memref_slice %arg9[%mul3A_67, %dma_start3A_69] : memref<10240x128xf32, #tpu.memory_space<vmem_shared>> -> memref<640x128xf32, #tpu.memory_space<vmem_shared>>
        %dma_start3A_71 = arith.constant 0 : i32
        %dma_start3A_72 = tpu.memref_slice %arg2[%mul3A_65, %dma_start3A_71] : memref<10000x128xf32, #tpu.memory_space<hbm>> -> memref<640x128xf32, #tpu.memory_space<hbm>>
        tpu.enqueue_dma source(%dma_start3A_72 : memref<640x128xf32, #tpu.memory_space<hbm>>) target(%dma_start3A_70 : memref<640x128xf32, #tpu.memory_space<vmem_shared>>) target_semaphore(%run_scoped3A_68 : memref<!tpu.dma_semaphore, #tpu.memory_space<semaphore_mem>>)
        %dma_wait3A = arith.constant 0 : i32
        %dma_wait3A_73 = tpu.memref_slice %arg9[%mul3A_67, %dma_wait3A] : memref<10240x128xf32, #tpu.memory_space<vmem_shared>> -> memref<640x128xf32, #tpu.memory_space<vmem_shared>>
        %dma_wait3A_74 = arith.constant 0 : i32
        %dma_wait3A_75 = tpu.memref_slice %arg2[%mul3A_65, %dma_wait3A_74] : memref<10000x128xf32, #tpu.memory_space<hbm>> -> memref<640x128xf32, #tpu.memory_space<hbm>>
        tpu.wait_dma2 semaphore(%run_scoped3A_68 : memref<!tpu.dma_semaphore, #tpu.memory_space<semaphore_mem>>) src(%dma_wait3A_75 : memref<640x128xf32, #tpu.memory_space<hbm>>) dst(%dma_wait3A_73 : memref<640x128xf32, #tpu.memory_space<vmem_shared>>)
        tpu.yield
      }) : () -> ()
    } else {
    }
    %eq3A = arith.constant 15 : i32
    %eq3A_2 = arith.cmpi eq, %arg1, %eq3A : i32
    %convert_element_type3A_3 = arith.extui %eq3A_2 : i1 to i32
    %cond3A_4 = arith.constant 0 : i32
    %cond3A_5 = arith.cmpi ne, %convert_element_type3A_3, %cond3A_4 : i32
    scf.if %cond3A_5 {
      "tpu.region"() ({
        %run_scoped3A_64 = tpu.sem_alloc : memref<!tpu.dma_semaphore, #tpu.memory_space<semaphore_mem>>
        %dma_start3A_65 = arith.constant 9600 : i32
        %dma_start3A_66 = arith.constant 0 : i32
        %dma_start3A_67 = tpu.memref_slice %arg9[%dma_start3A_65, %dma_start3A_66] : memref<10240x128xf32, #tpu.memory_space<vmem_shared>> -> memref<400x128xf32, #tpu.memory_space<vmem_shared>>
        %dma_start3A_68 = arith.constant 9600 : i32
        %dma_start3A_69 = arith.constant 0 : i32
        %dma_start3A_70 = tpu.memref_slice %arg2[%dma_start3A_68, %dma_start3A_69] : memref<10000x128xf32, #tpu.memory_space<hbm>> -> memref<400x128xf32, #tpu.memory_space<hbm>>
        tpu.enqueue_dma source(%dma_start3A_70 : memref<400x128xf32, #tpu.memory_space<hbm>>) target(%dma_start3A_67 : memref<400x128xf32, #tpu.memory_space<vmem_shared>>) target_semaphore(%run_scoped3A_64 : memref<!tpu.dma_semaphore, #tpu.memory_space<semaphore_mem>>)
        %dma_wait3A = arith.constant 9600 : i32
        %dma_wait3A_71 = arith.constant 0 : i32
        %dma_wait3A_72 = tpu.memref_slice %arg9[%dma_wait3A, %dma_wait3A_71] : memref<10240x128xf32, #tpu.memory_space<vmem_shared>> -> memref<400x128xf32, #tpu.memory_space<vmem_shared>>
        %dma_wait3A_73 = arith.constant 9600 : i32
        %dma_wait3A_74 = arith.constant 0 : i32
        %dma_wait3A_75 = tpu.memref_slice %arg2[%dma_wait3A_73, %dma_wait3A_74] : memref<10000x128xf32, #tpu.memory_space<hbm>> -> memref<400x128xf32, #tpu.memory_space<hbm>>
        tpu.wait_dma2 semaphore(%run_scoped3A_64 : memref<!tpu.dma_semaphore, #tpu.memory_space<semaphore_mem>>) src(%dma_wait3A_75 : memref<400x128xf32, #tpu.memory_space<hbm>>) dst(%dma_wait3A_72 : memref<400x128xf32, #tpu.memory_space<vmem_shared>>)
        tpu.yield
      }) : () -> ()
    } else {
    }
    %mul3A = arith.constant 1280 : i32
    %mul3A_6 = arith.muli %arg0, %mul3A : i32
    %mul3A_7 = arith.constant 80 : i32
    %mul3A_8 = arith.muli %arg1, %mul3A_7 : i32
    %add3A = arith.addi %mul3A_6, %mul3A_8 : i32
    %mul3A_9 = arith.constant 80 : i32
    %mul3A_10 = arith.muli %arg1, %mul3A_9 : i32
    %sub3A = arith.constant 1250 : i32
    %sub3A_11 = arith.subi %sub3A, %mul3A_10 : i32
    %max3A = arith.constant 0 : i32
    %max3A_12 = arith.maxsi %sub3A_11, %max3A : i32
    %min3A = arith.constant 80 : i32
    %min3A_13 = arith.minsi %min3A, %max3A_12 : i32
    %add3A_14 = arith.constant 0 : i32
    %add3A_15 = arith.addi %add3A, %add3A_14 : i32
    %run_scoped3A = arith.constant 0 : i32
    "tpu.region"() ({
      %run_scoped3A_64 = tpu.sem_alloc : memref<!tpu.dma_semaphore, #tpu.memory_space<semaphore_mem>>
      %dma_start3A_65 = arith.constant 0 : i32
      %dma_start3A_66 = arith.constant 0 : i32
      %dma_start3A_67 = tpu.memref_slice %arg3[%run_scoped3A, %dma_start3A_65, %dma_start3A_66] : memref<2x2560x128xi32, #tpu.memory_space<hbm>> -> memref<1x2560x128xi32, #tpu.memory_space<hbm>>
      %dma_start3A_68 = tpu.memref_squeeze %dma_start3A_67 : memref<1x2560x128xi32, #tpu.memory_space<hbm>> -> memref<2560x128xi32, #tpu.memory_space<hbm>>
      %dma_start3A_69 = arith.constant 0 : i32
      %dma_start3A_70 = tpu.memref_slice %dma_start3A_68[%add3A_15, %dma_start3A_69] : memref<2560x128xi32, #tpu.memory_space<hbm>> -> memref<40x128xi32, #tpu.memory_space<hbm>>
      %dma_start3A_71 = arith.constant 0 : i32
      %dma_start3A_72 = arith.constant 0 : i32
      %dma_start3A_73 = tpu.memref_slice %arg3[%run_scoped3A, %dma_start3A_71, %dma_start3A_72] : memref<2x2560x128xi32, #tpu.memory_space<hbm>> -> memref<1x2560x128xi32, #tpu.memory_space<hbm>>
      %dma_start3A_74 = tpu.memref_squeeze %dma_start3A_73 : memref<1x2560x128xi32, #tpu.memory_space<hbm>> -> memref<2560x128xi32, #tpu.memory_space<hbm>>
      %dma_start3A_75 = arith.constant 0 : i32
      %dma_start3A_76 = tpu.memref_slice %dma_start3A_74[%add3A_15, %dma_start3A_75] : memref<2560x128xi32, #tpu.memory_space<hbm>> -> memref<40x128xi32, #tpu.memory_space<hbm>>
      tpu.enqueue_dma source(%dma_start3A_76 : memref<40x128xi32, #tpu.memory_space<hbm>>) target(%arg5 : memref<40x128xi32, #tpu.memory_space<vmem>>) target_semaphore(%run_scoped3A_64 : memref<!tpu.dma_semaphore, #tpu.memory_space<semaphore_mem>>)
      %dma_wait3A = arith.constant 0 : i32
      %dma_wait3A_77 = arith.constant 0 : i32
      %dma_wait3A_78 = tpu.memref_slice %arg3[%run_scoped3A, %dma_wait3A, %dma_wait3A_77] : memref<2x2560x128xi32, #tpu.memory_space<hbm>> -> memref<1x2560x128xi32, #tpu.memory_space<hbm>>
      %dma_wait3A_79 = tpu.memref_squeeze %dma_wait3A_78 : memref<1x2560x128xi32, #tpu.memory_space<hbm>> -> memref<2560x128xi32, #tpu.memory_space<hbm>>
      %dma_wait3A_80 = arith.constant 0 : i32
      %dma_wait3A_81 = tpu.memref_slice %dma_wait3A_79[%add3A_15, %dma_wait3A_80] : memref<2560x128xi32, #tpu.memory_space<hbm>> -> memref<40x128xi32, #tpu.memory_space<hbm>>
      %dma_wait3A_82 = arith.constant 0 : i32
      %dma_wait3A_83 = arith.constant 0 : i32
      %dma_wait3A_84 = tpu.memref_slice %arg3[%run_scoped3A, %dma_wait3A_82, %dma_wait3A_83] : memref<2x2560x128xi32, #tpu.memory_space<hbm>> -> memref<1x2560x128xi32, #tpu.memory_space<hbm>>
      %dma_wait3A_85 = tpu.memref_squeeze %dma_wait3A_84 : memref<1x2560x128xi32, #tpu.memory_space<hbm>> -> memref<2560x128xi32, #tpu.memory_space<hbm>>
      %dma_wait3A_86 = arith.constant 0 : i32
      %dma_wait3A_87 = tpu.memref_slice %dma_wait3A_85[%add3A_15, %dma_wait3A_86] : memref<2560x128xi32, #tpu.memory_space<hbm>> -> memref<40x128xi32, #tpu.memory_space<hbm>>
      tpu.wait_dma2 semaphore(%run_scoped3A_64 : memref<!tpu.dma_semaphore, #tpu.memory_space<semaphore_mem>>) src(%dma_wait3A_87 : memref<40x128xi32, #tpu.memory_space<hbm>>) dst(%arg5 : memref<40x128xi32, #tpu.memory_space<vmem>>)
      tpu.yield
    }) : () -> ()
    %add3A_16 = arith.constant 0 : i32
    %add3A_17 = arith.addi %add3A, %add3A_16 : i32
    %run_scoped3A_18 = arith.constant 1 : i32
    "tpu.region"() ({
      %run_scoped3A_64 = tpu.sem_alloc : memref<!tpu.dma_semaphore, #tpu.memory_space<semaphore_mem>>
      %dma_start3A_65 = arith.constant 0 : i32
      %dma_start3A_66 = arith.constant 0 : i32
      %dma_start3A_67 = tpu.memref_slice %arg3[%run_scoped3A_18, %dma_start3A_65, %dma_start3A_66] : memref<2x2560x128xi32, #tpu.memory_space<hbm>> -> memref<1x2560x128xi32, #tpu.memory_space<hbm>>
      %dma_start3A_68 = tpu.memref_squeeze %dma_start3A_67 : memref<1x2560x128xi32, #tpu.memory_space<hbm>> -> memref<2560x128xi32, #tpu.memory_space<hbm>>
      %dma_start3A_69 = arith.constant 0 : i32
      %dma_start3A_70 = tpu.memref_slice %dma_start3A_68[%add3A_17, %dma_start3A_69] : memref<2560x128xi32, #tpu.memory_space<hbm>> -> memref<40x128xi32, #tpu.memory_space<hbm>>
      %dma_start3A_71 = arith.constant 0 : i32
      %dma_start3A_72 = arith.constant 0 : i32
      %dma_start3A_73 = tpu.memref_slice %arg3[%run_scoped3A_18, %dma_start3A_71, %dma_start3A_72] : memref<2x2560x128xi32, #tpu.memory_space<hbm>> -> memref<1x2560x128xi32, #tpu.memory_space<hbm>>
      %dma_start3A_74 = tpu.memref_squeeze %dma_start3A_73 : memref<1x2560x128xi32, #tpu.memory_space<hbm>> -> memref<2560x128xi32, #tpu.memory_space<hbm>>
      %dma_start3A_75 = arith.constant 0 : i32
      %dma_start3A_76 = tpu.memref_slice %dma_start3A_74[%add3A_17, %dma_start3A_75] : memref<2560x128xi32, #tpu.memory_space<hbm>> -> memref<40x128xi32, #tpu.memory_space<hbm>>
      tpu.enqueue_dma source(%dma_start3A_76 : memref<40x128xi32, #tpu.memory_space<hbm>>) target(%arg6 : memref<40x128xi32, #tpu.memory_space<vmem>>) target_semaphore(%run_scoped3A_64 : memref<!tpu.dma_semaphore, #tpu.memory_space<semaphore_mem>>)
      %dma_wait3A = arith.constant 0 : i32
      %dma_wait3A_77 = arith.constant 0 : i32
      %dma_wait3A_78 = tpu.memref_slice %arg3[%run_scoped3A_18, %dma_wait3A, %dma_wait3A_77] : memref<2x2560x128xi32, #tpu.memory_space<hbm>> -> memref<1x2560x128xi32, #tpu.memory_space<hbm>>
      %dma_wait3A_79 = tpu.memref_squeeze %dma_wait3A_78 : memref<1x2560x128xi32, #tpu.memory_space<hbm>> -> memref<2560x128xi32, #tpu.memory_space<hbm>>
      %dma_wait3A_80 = arith.constant 0 : i32
      %dma_wait3A_81 = tpu.memref_slice %dma_wait3A_79[%add3A_17, %dma_wait3A_80] : memref<2560x128xi32, #tpu.memory_space<hbm>> -> memref<40x128xi32, #tpu.memory_space<hbm>>
      %dma_wait3A_82 = arith.constant 0 : i32
      %dma_wait3A_83 = arith.constant 0 : i32
      %dma_wait3A_84 = tpu.memref_slice %arg3[%run_scoped3A_18, %dma_wait3A_82, %dma_wait3A_83] : memref<2x2560x128xi32, #tpu.memory_space<hbm>> -> memref<1x2560x128xi32, #tpu.memory_space<hbm>>
      %dma_wait3A_85 = tpu.memref_squeeze %dma_wait3A_84 : memref<1x2560x128xi32, #tpu.memory_space<hbm>> -> memref<2560x128xi32, #tpu.memory_space<hbm>>
      %dma_wait3A_86 = arith.constant 0 : i32
      %dma_wait3A_87 = tpu.memref_slice %dma_wait3A_85[%add3A_17, %dma_wait3A_86] : memref<2560x128xi32, #tpu.memory_space<hbm>> -> memref<40x128xi32, #tpu.memory_space<hbm>>
      tpu.wait_dma2 semaphore(%run_scoped3A_64 : memref<!tpu.dma_semaphore, #tpu.memory_space<semaphore_mem>>) src(%dma_wait3A_87 : memref<40x128xi32, #tpu.memory_space<hbm>>) dst(%arg6 : memref<40x128xi32, #tpu.memory_space<vmem>>)
      tpu.yield
    }) : () -> ()
    %dma_start3A = arith.constant 0 : i32
    %dma_start3A_19 = arith.constant 0 : i32
    %dma_start3A_20 = tpu.memref_slice %arg5[%dma_start3A, %dma_start3A_19] : memref<40x128xi32, #tpu.memory_space<vmem>> -> memref<1x128xi32, #tpu.memory_space<vmem>>
    %dma_start3A_21 = tpu.memref_squeeze %dma_start3A_20 : memref<1x128xi32, #tpu.memory_space<vmem>> -> memref<128xi32, #tpu.memory_space<vmem>>
    %dma_start3A_22 = arith.constant 0 : i32
    %dma_start3A_23 = arith.constant 0 : i32
    %dma_start3A_24 = tpu.memref_slice %arg2[%dma_start3A_22, %dma_start3A_23] : memref<10000x128xf32, #tpu.memory_space<hbm>> -> memref<10000x128xf32, #tpu.memory_space<hbm>>
    tpu.enqueue_indirect_dma source(%dma_start3A_24 : memref<10000x128xf32, #tpu.memory_space<hbm>>) target(%arg7 : memref<128x128xf32, #tpu.memory_space<vmem>>) offsets(%dma_start3A_21 : memref<128xi32, #tpu.memory_space<vmem>>) semaphore(%arg10 : memref<!tpu.dma_semaphore, #tpu.memory_space<semaphore_mem>>)
    %barrier3A = arith.constant 0 : index
    tpu.barrier barrier_id(%barrier3A)
    %sub3A_25 = arith.constant 0 : i32
    %sub3A_26 = arith.subi %min3A_13, %sub3A_25 : i32
    %max3A_27 = arith.constant 0 : i32
    %max3A_28 = arith.maxsi %sub3A_26, %max3A_27 : i32
    %min3A_29 = arith.constant 40 : i32
    %min3A_30 = arith.minsi %min3A_29, %max3A_28 : i32
    %scan3A = arith.constant 0 : i32
    %scan3A_31 = arith.constant 20 : i32
    %scan3A_32 = arith.addi %scan3A, %scan3A_31 : i32
    %scan3A_33 = arith.constant 1 : i32
    scf.for %scan3A_64 = %scan3A to %scan3A_32 step %scan3A_33  : i32 {
      %mul3A_65 = arith.constant 2 : i32
      %mul3A_66 = arith.muli %scan3A_64, %mul3A_65 : i32
      %add3A_67 = arith.constant 0 : i32
      %add3A_68 = arith.addi %add3A_67, %mul3A_66 : i32
      %lt3A_69 = arith.cmpi slt, %add3A_68, %min3A_30 : i32
      %convert_element_type3A_70 = arith.extui %lt3A_69 : i1 to i32
      %cond3A_71 = arith.constant 0 : i32
      %cond3A_72 = arith.cmpi ne, %convert_element_type3A_70, %cond3A_71 : i32
      scf.if %cond3A_72 {
        %add3A_73 = arith.constant 1 : i32
        %add3A_74 = arith.addi %add3A_68, %add3A_73 : i32
        %dma_start3A_75 = arith.constant 0 : i32
        %dma_start3A_76 = tpu.memref_slice %arg5[%add3A_74, %dma_start3A_75] : memref<40x128xi32, #tpu.memory_space<vmem>> -> memref<1x128xi32, #tpu.memory_space<vmem>>
        %dma_start3A_77 = tpu.memref_squeeze %dma_start3A_76 : memref<1x128xi32, #tpu.memory_space<vmem>> -> memref<128xi32, #tpu.memory_space<vmem>>
        %dma_start3A_78 = arith.constant 0 : i32
        %dma_start3A_79 = arith.constant 0 : i32
        %dma_start3A_80 = tpu.memref_slice %arg2[%dma_start3A_78, %dma_start3A_79] : memref<10000x128xf32, #tpu.memory_space<hbm>> -> memref<10000x128xf32, #tpu.memory_space<hbm>>
        tpu.enqueue_indirect_dma source(%dma_start3A_80 : memref<10000x128xf32, #tpu.memory_space<hbm>>) target(%arg8 : memref<128x128xf32, #tpu.memory_space<vmem>>) offsets(%dma_start3A_77 : memref<128xi32, #tpu.memory_space<vmem>>) semaphore(%arg11 : memref<!tpu.dma_semaphore, #tpu.memory_space<semaphore_mem>>)
        %dma_wait3A = arith.constant 0 : i32
        %dma_wait3A_81 = tpu.memref_slice %arg5[%add3A_68, %dma_wait3A] : memref<40x128xi32, #tpu.memory_space<vmem>> -> memref<1x128xi32, #tpu.memory_space<vmem>>
        %dma_wait3A_82 = tpu.memref_squeeze %dma_wait3A_81 : memref<1x128xi32, #tpu.memory_space<vmem>> -> memref<128xi32, #tpu.memory_space<vmem>>
        %dma_wait3A_83 = arith.constant 0 : i32
        %dma_wait3A_84 = arith.constant 0 : i32
        %dma_wait3A_85 = tpu.memref_slice %arg2[%dma_wait3A_83, %dma_wait3A_84] : memref<10000x128xf32, #tpu.memory_space<hbm>> -> memref<10000x128xf32, #tpu.memory_space<hbm>>
        tpu.wait_indirect_dma semaphore(%arg10 : memref<!tpu.dma_semaphore, #tpu.memory_space<semaphore_mem>>) src(%dma_wait3A_85 : memref<10000x128xf32, #tpu.memory_space<hbm>>) dst(%arg7 : memref<128x128xf32, #tpu.memory_space<vmem>>)
        "tpu.region"() ({
          %run_scoped3A_102 = tpu.sem_alloc : memref<!tpu.dma_semaphore, #tpu.memory_space<semaphore_mem>>
          %dma_start3A_103 = arith.constant 0 : i32
          %dma_start3A_104 = tpu.memref_slice %arg6[%add3A_68, %dma_start3A_103] : memref<40x128xi32, #tpu.memory_space<vmem>> -> memref<1x128xi32, #tpu.memory_space<vmem>>
          %dma_start3A_105 = tpu.memref_squeeze %dma_start3A_104 : memref<1x128xi32, #tpu.memory_space<vmem>> -> memref<128xi32, #tpu.memory_space<vmem>>
          %dma_start3A_106 = arith.constant 0 : i32
          %dma_start3A_107 = arith.constant 0 : i32
          %dma_start3A_108 = tpu.memref_slice %arg9[%dma_start3A_106, %dma_start3A_107] : memref<10240x128xf32, #tpu.memory_space<vmem_shared>> -> memref<10240x128xf32, #tpu.memory_space<vmem_shared>>
          tpu.enqueue_indirect_dma source(%arg7 : memref<128x128xf32, #tpu.memory_space<vmem>>) target(%dma_start3A_108 : memref<10240x128xf32, #tpu.memory_space<vmem_shared>>) offsets(%dma_start3A_105 : memref<128xi32, #tpu.memory_space<vmem>>) semaphore(%run_scoped3A_102 : memref<!tpu.dma_semaphore, #tpu.memory_space<semaphore_mem>>) {add = true}
          %dma_wait3A_109 = arith.constant 0 : i32
          %dma_wait3A_110 = tpu.memref_slice %arg6[%add3A_68, %dma_wait3A_109] : memref<40x128xi32, #tpu.memory_space<vmem>> -> memref<1x128xi32, #tpu.memory_space<vmem>>
          %dma_wait3A_111 = tpu.memref_squeeze %dma_wait3A_110 : memref<1x128xi32, #tpu.memory_space<vmem>> -> memref<128xi32, #tpu.memory_space<vmem>>
          %dma_wait3A_112 = arith.constant 0 : i32
          %dma_wait3A_113 = arith.constant 0 : i32
          %dma_wait3A_114 = tpu.memref_slice %arg9[%dma_wait3A_112, %dma_wait3A_113] : memref<10240x128xf32, #tpu.memory_space<vmem_shared>> -> memref<10240x128xf32, #tpu.memory_space<vmem_shared>>
          tpu.wait_indirect_dma semaphore(%run_scoped3A_102 : memref<!tpu.dma_semaphore, #tpu.memory_space<semaphore_mem>>) src(%arg7 : memref<128x128xf32, #tpu.memory_space<vmem>>) dst(%dma_wait3A_114 : memref<10240x128xf32, #tpu.memory_space<vmem_shared>>)
          tpu.yield
        }) : () -> ()
        %add3A_86 = arith.constant 2 : i32
        %add3A_87 = arith.addi %add3A_68, %add3A_86 : i32
        %lt3A_88 = arith.cmpi slt, %add3A_87, %min3A_30 : i32
        %convert_element_type3A_89 = arith.extui %lt3A_88 : i1 to i32
        %cond3A_90 = arith.constant 0 : i32
        %cond3A_91 = arith.cmpi ne, %convert_element_type3A_89, %cond3A_90 : i32
        scf.if %cond3A_91 {
          %add3A_102 = arith.constant 2 : i32
          %add3A_103 = arith.addi %add3A_68, %add3A_102 : i32
          %dma_start3A_104 = arith.constant 0 : i32
          %dma_start3A_105 = tpu.memref_slice %arg5[%add3A_103, %dma_start3A_104] : memref<40x128xi32, #tpu.memory_space<vmem>> -> memref<1x128xi32, #tpu.memory_space<vmem>>
          %dma_start3A_106 = tpu.memref_squeeze %dma_start3A_105 : memref<1x128xi32, #tpu.memory_space<vmem>> -> memref<128xi32, #tpu.memory_space<vmem>>
          %dma_start3A_107 = arith.constant 0 : i32
          %dma_start3A_108 = arith.constant 0 : i32
          %dma_start3A_109 = tpu.memref_slice %arg2[%dma_start3A_107, %dma_start3A_108] : memref<10000x128xf32, #tpu.memory_space<hbm>> -> memref<10000x128xf32, #tpu.memory_space<hbm>>
          tpu.enqueue_indirect_dma source(%dma_start3A_109 : memref<10000x128xf32, #tpu.memory_space<hbm>>) target(%arg7 : memref<128x128xf32, #tpu.memory_space<vmem>>) offsets(%dma_start3A_106 : memref<128xi32, #tpu.memory_space<vmem>>) semaphore(%arg10 : memref<!tpu.dma_semaphore, #tpu.memory_space<semaphore_mem>>)
        } else {
        }
        %add3A_92 = arith.constant 1 : i32
        %add3A_93 = arith.addi %add3A_68, %add3A_92 : i32
        %dma_wait3A_94 = arith.constant 0 : i32
        %dma_wait3A_95 = tpu.memref_slice %arg5[%add3A_93, %dma_wait3A_94] : memref<40x128xi32, #tpu.memory_space<vmem>> -> memref<1x128xi32, #tpu.memory_space<vmem>>
        %dma_wait3A_96 = tpu.memref_squeeze %dma_wait3A_95 : memref<1x128xi32, #tpu.memory_space<vmem>> -> memref<128xi32, #tpu.memory_space<vmem>>
        %dma_wait3A_97 = arith.constant 0 : i32
        %dma_wait3A_98 = arith.constant 0 : i32
        %dma_wait3A_99 = tpu.memref_slice %arg2[%dma_wait3A_97, %dma_wait3A_98] : memref<10000x128xf32, #tpu.memory_space<hbm>> -> memref<10000x128xf32, #tpu.memory_space<hbm>>
        tpu.wait_indirect_dma semaphore(%arg11 : memref<!tpu.dma_semaphore, #tpu.memory_space<semaphore_mem>>) src(%dma_wait3A_99 : memref<10000x128xf32, #tpu.memory_space<hbm>>) dst(%arg8 : memref<128x128xf32, #tpu.memory_space<vmem>>)
        %add3A_100 = arith.constant 1 : i32
        %add3A_101 = arith.addi %add3A_68, %add3A_100 : i32
        "tpu.region"() ({
          %run_scoped3A_102 = tpu.sem_alloc : memref<!tpu.dma_semaphore, #tpu.memory_space<semaphore_mem>>
          %dma_start3A_103 = arith.constant 0 : i32
          %dma_start3A_104 = tpu.memref_slice %arg6[%add3A_101, %dma_start3A_103] : memref<40x128xi32, #tpu.memory_space<vmem>> -> memref<1x128xi32, #tpu.memory_space<vmem>>
          %dma_start3A_105 = tpu.memref_squeeze %dma_start3A_104 : memref<1x128xi32, #tpu.memory_space<vmem>> -> memref<128xi32, #tpu.memory_space<vmem>>
          %dma_start3A_106 = arith.constant 0 : i32
          %dma_start3A_107 = arith.constant 0 : i32
          %dma_start3A_108 = tpu.memref_slice %arg9[%dma_start3A_106, %dma_start3A_107] : memref<10240x128xf32, #tpu.memory_space<vmem_shared>> -> memref<10240x128xf32, #tpu.memory_space<vmem_shared>>
          tpu.enqueue_indirect_dma source(%arg8 : memref<128x128xf32, #tpu.memory_space<vmem>>) target(%dma_start3A_108 : memref<10240x128xf32, #tpu.memory_space<vmem_shared>>) offsets(%dma_start3A_105 : memref<128xi32, #tpu.memory_space<vmem>>) semaphore(%run_scoped3A_102 : memref<!tpu.dma_semaphore, #tpu.memory_space<semaphore_mem>>) {add = true}
          %dma_wait3A_109 = arith.constant 0 : i32
          %dma_wait3A_110 = tpu.memref_slice %arg6[%add3A_101, %dma_wait3A_109] : memref<40x128xi32, #tpu.memory_space<vmem>> -> memref<1x128xi32, #tpu.memory_space<vmem>>
          %dma_wait3A_111 = tpu.memref_squeeze %dma_wait3A_110 : memref<1x128xi32, #tpu.memory_space<vmem>> -> memref<128xi32, #tpu.memory_space<vmem>>
          %dma_wait3A_112 = arith.constant 0 : i32
          %dma_wait3A_113 = arith.constant 0 : i32
          %dma_wait3A_114 = tpu.memref_slice %arg9[%dma_wait3A_112, %dma_wait3A_113] : memref<10240x128xf32, #tpu.memory_space<vmem_shared>> -> memref<10240x128xf32, #tpu.memory_space<vmem_shared>>
          tpu.wait_indirect_dma semaphore(%run_scoped3A_102 : memref<!tpu.dma_semaphore, #tpu.memory_space<semaphore_mem>>) src(%arg8 : memref<128x128xf32, #tpu.memory_space<vmem>>) dst(%dma_wait3A_114 : memref<10240x128xf32, #tpu.memory_space<vmem_shared>>)
          tpu.yield
        }) : () -> ()
      } else {
      }
    }
    %scan3A_34 = arith.constant 20 : i32
    %add3A_35 = arith.constant 40 : i32
    %add3A_36 = arith.addi %add3A, %add3A_35 : i32
    %run_scoped3A_37 = arith.constant 0 : i32
    "tpu.region"() ({
      %run_scoped3A_64 = tpu.sem_alloc : memref<!tpu.dma_semaphore, #tpu.memory_space<semaphore_mem>>
      %dma_start3A_65 = arith.constant 0 : i32
      %dma_start3A_66 = arith.constant 0 : i32
      %dma_start3A_67 = tpu.memref_slice %arg3[%run_scoped3A_37, %dma_start3A_65, %dma_start3A_66] : memref<2x2560x128xi32, #tpu.memory_space<hbm>> -> memref<1x2560x128xi32, #tpu.memory_space<hbm>>
      %dma_start3A_68 = tpu.memref_squeeze %dma_start3A_67 : memref<1x2560x128xi32, #tpu.memory_space<hbm>> -> memref<2560x128xi32, #tpu.memory_space<hbm>>
      %dma_start3A_69 = arith.constant 0 : i32
      %dma_start3A_70 = tpu.memref_slice %dma_start3A_68[%add3A_36, %dma_start3A_69] : memref<2560x128xi32, #tpu.memory_space<hbm>> -> memref<40x128xi32, #tpu.memory_space<hbm>>
      %dma_start3A_71 = arith.constant 0 : i32
      %dma_start3A_72 = arith.constant 0 : i32
      %dma_start3A_73 = tpu.memref_slice %arg3[%run_scoped3A_37, %dma_start3A_71, %dma_start3A_72] : memref<2x2560x128xi32, #tpu.memory_space<hbm>> -> memref<1x2560x128xi32, #tpu.memory_space<hbm>>
      %dma_start3A_74 = tpu.memref_squeeze %dma_start3A_73 : memref<1x2560x128xi32, #tpu.memory_space<hbm>> -> memref<2560x128xi32, #tpu.memory_space<hbm>>
      %dma_start3A_75 = arith.constant 0 : i32
      %dma_start3A_76 = tpu.memref_slice %dma_start3A_74[%add3A_36, %dma_start3A_75] : memref<2560x128xi32, #tpu.memory_space<hbm>> -> memref<40x128xi32, #tpu.memory_space<hbm>>
      tpu.enqueue_dma source(%dma_start3A_76 : memref<40x128xi32, #tpu.memory_space<hbm>>) target(%arg5 : memref<40x128xi32, #tpu.memory_space<vmem>>) target_semaphore(%run_scoped3A_64 : memref<!tpu.dma_semaphore, #tpu.memory_space<semaphore_mem>>)
      %dma_wait3A = arith.constant 0 : i32
      %dma_wait3A_77 = arith.constant 0 : i32
      %dma_wait3A_78 = tpu.memref_slice %arg3[%run_scoped3A_37, %dma_wait3A, %dma_wait3A_77] : memref<2x2560x128xi32, #tpu.memory_space<hbm>> -> memref<1x2560x128xi32, #tpu.memory_space<hbm>>
      %dma_wait3A_79 = tpu.memref_squeeze %dma_wait3A_78 : memref<1x2560x128xi32, #tpu.memory_space<hbm>> -> memref<2560x128xi32, #tpu.memory_space<hbm>>
      %dma_wait3A_80 = arith.constant 0 : i32
      %dma_wait3A_81 = tpu.memref_slice %dma_wait3A_79[%add3A_36, %dma_wait3A_80] : memref<2560x128xi32, #tpu.memory_space<hbm>> -> memref<40x128xi32, #tpu.memory_space<hbm>>
      %dma_wait3A_82 = arith.constant 0 : i32
      %dma_wait3A_83 = arith.constant 0 : i32
      %dma_wait3A_84 = tpu.memref_slice %arg3[%run_scoped3A_37, %dma_wait3A_82, %dma_wait3A_83] : memref<2x2560x128xi32, #tpu.memory_space<hbm>> -> memref<1x2560x128xi32, #tpu.memory_space<hbm>>
      %dma_wait3A_85 = tpu.memref_squeeze %dma_wait3A_84 : memref<1x2560x128xi32, #tpu.memory_space<hbm>> -> memref<2560x128xi32, #tpu.memory_space<hbm>>
      %dma_wait3A_86 = arith.constant 0 : i32
      %dma_wait3A_87 = tpu.memref_slice %dma_wait3A_85[%add3A_36, %dma_wait3A_86] : memref<2560x128xi32, #tpu.memory_space<hbm>> -> memref<40x128xi32, #tpu.memory_space<hbm>>
      tpu.wait_dma2 semaphore(%run_scoped3A_64 : memref<!tpu.dma_semaphore, #tpu.memory_space<semaphore_mem>>) src(%dma_wait3A_87 : memref<40x128xi32, #tpu.memory_space<hbm>>) dst(%arg5 : memref<40x128xi32, #tpu.memory_space<vmem>>)
      tpu.yield
    }) : () -> ()
    %add3A_38 = arith.constant 40 : i32
    %add3A_39 = arith.addi %add3A, %add3A_38 : i32
    %run_scoped3A_40 = arith.constant 1 : i32
    "tpu.region"() ({
      %run_scoped3A_64 = tpu.sem_alloc : memref<!tpu.dma_semaphore, #tpu.memory_space<semaphore_mem>>
      %dma_start3A_65 = arith.constant 0 : i32
      %dma_start3A_66 = arith.constant 0 : i32
      %dma_start3A_67 = tpu.memref_slice %arg3[%run_scoped3A_40, %dma_start3A_65, %dma_start3A_66] : memref<2x2560x128xi32, #tpu.memory_space<hbm>> -> memref<1x2560x128xi32, #tpu.memory_space<hbm>>
      %dma_start3A_68 = tpu.memref_squeeze %dma_start3A_67 : memref<1x2560x128xi32, #tpu.memory_space<hbm>> -> memref<2560x128xi32, #tpu.memory_space<hbm>>
      %dma_start3A_69 = arith.constant 0 : i32
      %dma_start3A_70 = tpu.memref_slice %dma_start3A_68[%add3A_39, %dma_start3A_69] : memref<2560x128xi32, #tpu.memory_space<hbm>> -> memref<40x128xi32, #tpu.memory_space<hbm>>
      %dma_start3A_71 = arith.constant 0 : i32
      %dma_start3A_72 = arith.constant 0 : i32
      %dma_start3A_73 = tpu.memref_slice %arg3[%run_scoped3A_40, %dma_start3A_71, %dma_start3A_72] : memref<2x2560x128xi32, #tpu.memory_space<hbm>> -> memref<1x2560x128xi32, #tpu.memory_space<hbm>>
      %dma_start3A_74 = tpu.memref_squeeze %dma_start3A_73 : memref<1x2560x128xi32, #tpu.memory_space<hbm>> -> memref<2560x128xi32, #tpu.memory_space<hbm>>
      %dma_start3A_75 = arith.constant 0 : i32
      %dma_start3A_76 = tpu.memref_slice %dma_start3A_74[%add3A_39, %dma_start3A_75] : memref<2560x128xi32, #tpu.memory_space<hbm>> -> memref<40x128xi32, #tpu.memory_space<hbm>>
      tpu.enqueue_dma source(%dma_start3A_76 : memref<40x128xi32, #tpu.memory_space<hbm>>) target(%arg6 : memref<40x128xi32, #tpu.memory_space<vmem>>) target_semaphore(%run_scoped3A_64 : memref<!tpu.dma_semaphore, #tpu.memory_space<semaphore_mem>>)
      %dma_wait3A = arith.constant 0 : i32
      %dma_wait3A_77 = arith.constant 0 : i32
      %dma_wait3A_78 = tpu.memref_slice %arg3[%run_scoped3A_40, %dma_wait3A, %dma_wait3A_77] : memref<2x2560x128xi32, #tpu.memory_space<hbm>> -> memref<1x2560x128xi32, #tpu.memory_space<hbm>>
      %dma_wait3A_79 = tpu.memref_squeeze %dma_wait3A_78 : memref<1x2560x128xi32, #tpu.memory_space<hbm>> -> memref<2560x128xi32, #tpu.memory_space<hbm>>
      %dma_wait3A_80 = arith.constant 0 : i32
      %dma_wait3A_81 = tpu.memref_slice %dma_wait3A_79[%add3A_39, %dma_wait3A_80] : memref<2560x128xi32, #tpu.memory_space<hbm>> -> memref<40x128xi32, #tpu.memory_space<hbm>>
      %dma_wait3A_82 = arith.constant 0 : i32
      %dma_wait3A_83 = arith.constant 0 : i32
      %dma_wait3A_84 = tpu.memref_slice %arg3[%run_scoped3A_40, %dma_wait3A_82, %dma_wait3A_83] : memref<2x2560x128xi32, #tpu.memory_space<hbm>> -> memref<1x2560x128xi32, #tpu.memory_space<hbm>>
      %dma_wait3A_85 = tpu.memref_squeeze %dma_wait3A_84 : memref<1x2560x128xi32, #tpu.memory_space<hbm>> -> memref<2560x128xi32, #tpu.memory_space<hbm>>
      %dma_wait3A_86 = arith.constant 0 : i32
      %dma_wait3A_87 = tpu.memref_slice %dma_wait3A_85[%add3A_39, %dma_wait3A_86] : memref<2560x128xi32, #tpu.memory_space<hbm>> -> memref<40x128xi32, #tpu.memory_space<hbm>>
      tpu.wait_dma2 semaphore(%run_scoped3A_64 : memref<!tpu.dma_semaphore, #tpu.memory_space<semaphore_mem>>) src(%dma_wait3A_87 : memref<40x128xi32, #tpu.memory_space<hbm>>) dst(%arg6 : memref<40x128xi32, #tpu.memory_space<vmem>>)
      tpu.yield
    }) : () -> ()
    %dma_start3A_41 = arith.constant 0 : i32
    %dma_start3A_42 = arith.constant 0 : i32
    %dma_start3A_43 = tpu.memref_slice %arg5[%dma_start3A_41, %dma_start3A_42] : memref<40x128xi32, #tpu.memory_space<vmem>> -> memref<1x128xi32, #tpu.memory_space<vmem>>
    %dma_start3A_44 = tpu.memref_squeeze %dma_start3A_43 : memref<1x128xi32, #tpu.memory_space<vmem>> -> memref<128xi32, #tpu.memory_space<vmem>>
    %dma_start3A_45 = arith.constant 0 : i32
    %dma_start3A_46 = arith.constant 0 : i32
    %dma_start3A_47 = tpu.memref_slice %arg2[%dma_start3A_45, %dma_start3A_46] : memref<10000x128xf32, #tpu.memory_space<hbm>> -> memref<10000x128xf32, #tpu.memory_space<hbm>>
    tpu.enqueue_indirect_dma source(%dma_start3A_47 : memref<10000x128xf32, #tpu.memory_space<hbm>>) target(%arg7 : memref<128x128xf32, #tpu.memory_space<vmem>>) offsets(%dma_start3A_44 : memref<128xi32, #tpu.memory_space<vmem>>) semaphore(%arg10 : memref<!tpu.dma_semaphore, #tpu.memory_space<semaphore_mem>>)
    %sub3A_48 = arith.constant 40 : i32
    %sub3A_49 = arith.subi %min3A_13, %sub3A_48 : i32
    %max3A_50 = arith.constant 0 : i32
    %max3A_51 = arith.maxsi %sub3A_49, %max3A_50 : i32
    %min3A_52 = arith.constant 40 : i32
    %min3A_53 = arith.minsi %min3A_52, %max3A_51 : i32
    %scan3A_54 = arith.constant 0 : i32
    %scan3A_55 = arith.constant 20 : i32
    %scan3A_56 = arith.addi %scan3A_54, %scan3A_55 : i32
    %scan3A_57 = arith.constant 1 : i32
    scf.for %scan3A_64 = %scan3A_54 to %scan3A_56 step %scan3A_57  : i32 {
      %mul3A_65 = arith.constant 2 : i32
      %mul3A_66 = arith.muli %scan3A_64, %mul3A_65 : i32
      %add3A_67 = arith.constant 0 : i32
      %add3A_68 = arith.addi %add3A_67, %mul3A_66 : i32
      %lt3A_69 = arith.cmpi slt, %add3A_68, %min3A_53 : i32
      %convert_element_type3A_70 = arith.extui %lt3A_69 : i1 to i32
      %cond3A_71 = arith.constant 0 : i32
      %cond3A_72 = arith.cmpi ne, %convert_element_type3A_70, %cond3A_71 : i32
      scf.if %cond3A_72 {
        %add3A_73 = arith.constant 1 : i32
        %add3A_74 = arith.addi %add3A_68, %add3A_73 : i32
        %dma_start3A_75 = arith.constant 0 : i32
        %dma_start3A_76 = tpu.memref_slice %arg5[%add3A_74, %dma_start3A_75] : memref<40x128xi32, #tpu.memory_space<vmem>> -> memref<1x128xi32, #tpu.memory_space<vmem>>
        %dma_start3A_77 = tpu.memref_squeeze %dma_start3A_76 : memref<1x128xi32, #tpu.memory_space<vmem>> -> memref<128xi32, #tpu.memory_space<vmem>>
        %dma_start3A_78 = arith.constant 0 : i32
        %dma_start3A_79 = arith.constant 0 : i32
        %dma_start3A_80 = tpu.memref_slice %arg2[%dma_start3A_78, %dma_start3A_79] : memref<10000x128xf32, #tpu.memory_space<hbm>> -> memref<10000x128xf32, #tpu.memory_space<hbm>>
        tpu.enqueue_indirect_dma source(%dma_start3A_80 : memref<10000x128xf32, #tpu.memory_space<hbm>>) target(%arg8 : memref<128x128xf32, #tpu.memory_space<vmem>>) offsets(%dma_start3A_77 : memref<128xi32, #tpu.memory_space<vmem>>) semaphore(%arg11 : memref<!tpu.dma_semaphore, #tpu.memory_space<semaphore_mem>>)
        %dma_wait3A = arith.constant 0 : i32
        %dma_wait3A_81 = tpu.memref_slice %arg5[%add3A_68, %dma_wait3A] : memref<40x128xi32, #tpu.memory_space<vmem>> -> memref<1x128xi32, #tpu.memory_space<vmem>>
        %dma_wait3A_82 = tpu.memref_squeeze %dma_wait3A_81 : memref<1x128xi32, #tpu.memory_space<vmem>> -> memref<128xi32, #tpu.memory_space<vmem>>
        %dma_wait3A_83 = arith.constant 0 : i32
        %dma_wait3A_84 = arith.constant 0 : i32
        %dma_wait3A_85 = tpu.memref_slice %arg2[%dma_wait3A_83, %dma_wait3A_84] : memref<10000x128xf32, #tpu.memory_space<hbm>> -> memref<10000x128xf32, #tpu.memory_space<hbm>>
        tpu.wait_indirect_dma semaphore(%arg10 : memref<!tpu.dma_semaphore, #tpu.memory_space<semaphore_mem>>) src(%dma_wait3A_85 : memref<10000x128xf32, #tpu.memory_space<hbm>>) dst(%arg7 : memref<128x128xf32, #tpu.memory_space<vmem>>)
        "tpu.region"() ({
          %run_scoped3A_102 = tpu.sem_alloc : memref<!tpu.dma_semaphore, #tpu.memory_space<semaphore_mem>>
          %dma_start3A_103 = arith.constant 0 : i32
          %dma_start3A_104 = tpu.memref_slice %arg6[%add3A_68, %dma_start3A_103] : memref<40x128xi32, #tpu.memory_space<vmem>> -> memref<1x128xi32, #tpu.memory_space<vmem>>
          %dma_start3A_105 = tpu.memref_squeeze %dma_start3A_104 : memref<1x128xi32, #tpu.memory_space<vmem>> -> memref<128xi32, #tpu.memory_space<vmem>>
          %dma_start3A_106 = arith.constant 0 : i32
          %dma_start3A_107 = arith.constant 0 : i32
          %dma_start3A_108 = tpu.memref_slice %arg9[%dma_start3A_106, %dma_start3A_107] : memref<10240x128xf32, #tpu.memory_space<vmem_shared>> -> memref<10240x128xf32, #tpu.memory_space<vmem_shared>>
          tpu.enqueue_indirect_dma source(%arg7 : memref<128x128xf32, #tpu.memory_space<vmem>>) target(%dma_start3A_108 : memref<10240x128xf32, #tpu.memory_space<vmem_shared>>) offsets(%dma_start3A_105 : memref<128xi32, #tpu.memory_space<vmem>>) semaphore(%run_scoped3A_102 : memref<!tpu.dma_semaphore, #tpu.memory_space<semaphore_mem>>) {add = true}
          %dma_wait3A_109 = arith.constant 0 : i32
          %dma_wait3A_110 = tpu.memref_slice %arg6[%add3A_68, %dma_wait3A_109] : memref<40x128xi32, #tpu.memory_space<vmem>> -> memref<1x128xi32, #tpu.memory_space<vmem>>
          %dma_wait3A_111 = tpu.memref_squeeze %dma_wait3A_110 : memref<1x128xi32, #tpu.memory_space<vmem>> -> memref<128xi32, #tpu.memory_space<vmem>>
          %dma_wait3A_112 = arith.constant 0 : i32
          %dma_wait3A_113 = arith.constant 0 : i32
          %dma_wait3A_114 = tpu.memref_slice %arg9[%dma_wait3A_112, %dma_wait3A_113] : memref<10240x128xf32, #tpu.memory_space<vmem_shared>> -> memref<10240x128xf32, #tpu.memory_space<vmem_shared>>
          tpu.wait_indirect_dma semaphore(%run_scoped3A_102 : memref<!tpu.dma_semaphore, #tpu.memory_space<semaphore_mem>>) src(%arg7 : memref<128x128xf32, #tpu.memory_space<vmem>>) dst(%dma_wait3A_114 : memref<10240x128xf32, #tpu.memory_space<vmem_shared>>)
          tpu.yield
        }) : () -> ()
        %add3A_86 = arith.constant 2 : i32
        %add3A_87 = arith.addi %add3A_68, %add3A_86 : i32
        %lt3A_88 = arith.cmpi slt, %add3A_87, %min3A_53 : i32
        %convert_element_type3A_89 = arith.extui %lt3A_88 : i1 to i32
        %cond3A_90 = arith.constant 0 : i32
        %cond3A_91 = arith.cmpi ne, %convert_element_type3A_89, %cond3A_90 : i32
        scf.if %cond3A_91 {
          %add3A_102 = arith.constant 2 : i32
          %add3A_103 = arith.addi %add3A_68, %add3A_102 : i32
          %dma_start3A_104 = arith.constant 0 : i32
          %dma_start3A_105 = tpu.memref_slice %arg5[%add3A_103, %dma_start3A_104] : memref<40x128xi32, #tpu.memory_space<vmem>> -> memref<1x128xi32, #tpu.memory_space<vmem>>
          %dma_start3A_106 = tpu.memref_squeeze %dma_start3A_105 : memref<1x128xi32, #tpu.memory_space<vmem>> -> memref<128xi32, #tpu.memory_space<vmem>>
          %dma_start3A_107 = arith.constant 0 : i32
          %dma_start3A_108 = arith.constant 0 : i32
          %dma_start3A_109 = tpu.memref_slice %arg2[%dma_start3A_107, %dma_start3A_108] : memref<10000x128xf32, #tpu.memory_space<hbm>> -> memref<10000x128xf32, #tpu.memory_space<hbm>>
          tpu.enqueue_indirect_dma source(%dma_start3A_109 : memref<10000x128xf32, #tpu.memory_space<hbm>>) target(%arg7 : memref<128x128xf32, #tpu.memory_space<vmem>>) offsets(%dma_start3A_106 : memref<128xi32, #tpu.memory_space<vmem>>) semaphore(%arg10 : memref<!tpu.dma_semaphore, #tpu.memory_space<semaphore_mem>>)
        } else {
        }
        %add3A_92 = arith.constant 1 : i32
        %add3A_93 = arith.addi %add3A_68, %add3A_92 : i32
        %dma_wait3A_94 = arith.constant 0 : i32
        %dma_wait3A_95 = tpu.memref_slice %arg5[%add3A_93, %dma_wait3A_94] : memref<40x128xi32, #tpu.memory_space<vmem>> -> memref<1x128xi32, #tpu.memory_space<vmem>>
        %dma_wait3A_96 = tpu.memref_squeeze %dma_wait3A_95 : memref<1x128xi32, #tpu.memory_space<vmem>> -> memref<128xi32, #tpu.memory_space<vmem>>
        %dma_wait3A_97 = arith.constant 0 : i32
        %dma_wait3A_98 = arith.constant 0 : i32
        %dma_wait3A_99 = tpu.memref_slice %arg2[%dma_wait3A_97, %dma_wait3A_98] : memref<10000x128xf32, #tpu.memory_space<hbm>> -> memref<10000x128xf32, #tpu.memory_space<hbm>>
        tpu.wait_indirect_dma semaphore(%arg11 : memref<!tpu.dma_semaphore, #tpu.memory_space<semaphore_mem>>) src(%dma_wait3A_99 : memref<10000x128xf32, #tpu.memory_space<hbm>>) dst(%arg8 : memref<128x128xf32, #tpu.memory_space<vmem>>)
        %add3A_100 = arith.constant 1 : i32
        %add3A_101 = arith.addi %add3A_68, %add3A_100 : i32
        "tpu.region"() ({
          %run_scoped3A_102 = tpu.sem_alloc : memref<!tpu.dma_semaphore, #tpu.memory_space<semaphore_mem>>
          %dma_start3A_103 = arith.constant 0 : i32
          %dma_start3A_104 = tpu.memref_slice %arg6[%add3A_101, %dma_start3A_103] : memref<40x128xi32, #tpu.memory_space<vmem>> -> memref<1x128xi32, #tpu.memory_space<vmem>>
          %dma_start3A_105 = tpu.memref_squeeze %dma_start3A_104 : memref<1x128xi32, #tpu.memory_space<vmem>> -> memref<128xi32, #tpu.memory_space<vmem>>
          %dma_start3A_106 = arith.constant 0 : i32
          %dma_start3A_107 = arith.constant 0 : i32
          %dma_start3A_108 = tpu.memref_slice %arg9[%dma_start3A_106, %dma_start3A_107] : memref<10240x128xf32, #tpu.memory_space<vmem_shared>> -> memref<10240x128xf32, #tpu.memory_space<vmem_shared>>
          tpu.enqueue_indirect_dma source(%arg8 : memref<128x128xf32, #tpu.memory_space<vmem>>) target(%dma_start3A_108 : memref<10240x128xf32, #tpu.memory_space<vmem_shared>>) offsets(%dma_start3A_105 : memref<128xi32, #tpu.memory_space<vmem>>) semaphore(%run_scoped3A_102 : memref<!tpu.dma_semaphore, #tpu.memory_space<semaphore_mem>>) {add = true}
          %dma_wait3A_109 = arith.constant 0 : i32
          %dma_wait3A_110 = tpu.memref_slice %arg6[%add3A_101, %dma_wait3A_109] : memref<40x128xi32, #tpu.memory_space<vmem>> -> memref<1x128xi32, #tpu.memory_space<vmem>>
          %dma_wait3A_111 = tpu.memref_squeeze %dma_wait3A_110 : memref<1x128xi32, #tpu.memory_space<vmem>> -> memref<128xi32, #tpu.memory_space<vmem>>
          %dma_wait3A_112 = arith.constant 0 : i32
          %dma_wait3A_113 = arith.constant 0 : i32
          %dma_wait3A_114 = tpu.memref_slice %arg9[%dma_wait3A_112, %dma_wait3A_113] : memref<10240x128xf32, #tpu.memory_space<vmem_shared>> -> memref<10240x128xf32, #tpu.memory_space<vmem_shared>>
          tpu.wait_indirect_dma semaphore(%run_scoped3A_102 : memref<!tpu.dma_semaphore, #tpu.memory_space<semaphore_mem>>) src(%arg8 : memref<128x128xf32, #tpu.memory_space<vmem>>) dst(%dma_wait3A_114 : memref<10240x128xf32, #tpu.memory_space<vmem_shared>>)
          tpu.yield
        }) : () -> ()
      } else {
      }
    }
    %scan3A_58 = arith.constant 20 : i32
    %barrier3A_59 = arith.constant 0 : index
    tpu.barrier barrier_id(%barrier3A_59)
    %mul3A_60 = arith.constant 640 : i32
    %mul3A_61 = arith.muli %arg1, %mul3A_60 : i32
    %mul3A_62 = arith.constant 640 : i32
    %mul3A_63 = arith.muli %arg1, %mul3A_62 : i32
    "tpu.region"() ({
      %run_scoped3A_64 = tpu.sem_alloc : memref<!tpu.dma_semaphore, #tpu.memory_space<semaphore_mem>>
      %dma_start3A_65 = arith.constant 0 : i32
      %dma_start3A_66 = arith.constant 0 : i32
      %dma_start3A_67 = tpu.memref_slice %arg4[%arg0, %dma_start3A_65, %dma_start3A_66] : memref<2x10240x128xf32, #tpu.memory_space<hbm>> -> memref<1x10240x128xf32, #tpu.memory_space<hbm>>
      %dma_start3A_68 = tpu.memref_squeeze %dma_start3A_67 : memref<1x10240x128xf32, #tpu.memory_space<hbm>> -> memref<10240x128xf32, #tpu.memory_space<hbm>>
      %dma_start3A_69 = arith.constant 0 : i32
      %dma_start3A_70 = tpu.memref_slice %dma_start3A_68[%mul3A_63, %dma_start3A_69] : memref<10240x128xf32, #tpu.memory_space<hbm>> -> memref<640x128xf32, #tpu.memory_space<hbm>>
      %dma_start3A_71 = arith.constant 0 : i32
      %dma_start3A_72 = tpu.memref_slice %arg9[%mul3A_61, %dma_start3A_71] : memref<10240x128xf32, #tpu.memory_space<vmem_shared>> -> memref<640x128xf32, #tpu.memory_space<vmem_shared>>
      tpu.enqueue_dma source(%dma_start3A_72 : memref<640x128xf32, #tpu.memory_space<vmem_shared>>) target(%dma_start3A_70 : memref<640x128xf32, #tpu.memory_space<hbm>>) target_semaphore(%run_scoped3A_64 : memref<!tpu.dma_semaphore, #tpu.memory_space<semaphore_mem>>)
      %dma_wait3A = arith.constant 0 : i32
      %dma_wait3A_73 = arith.constant 0 : i32
      %dma_wait3A_74 = tpu.memref_slice %arg4[%arg0, %dma_wait3A, %dma_wait3A_73] : memref<2x10240x128xf32, #tpu.memory_space<hbm>> -> memref<1x10240x128xf32, #tpu.memory_space<hbm>>
      %dma_wait3A_75 = tpu.memref_squeeze %dma_wait3A_74 : memref<1x10240x128xf32, #tpu.memory_space<hbm>> -> memref<10240x128xf32, #tpu.memory_space<hbm>>
      %dma_wait3A_76 = arith.constant 0 : i32
      %dma_wait3A_77 = tpu.memref_slice %dma_wait3A_75[%mul3A_63, %dma_wait3A_76] : memref<10240x128xf32, #tpu.memory_space<hbm>> -> memref<640x128xf32, #tpu.memory_space<hbm>>
      %dma_wait3A_78 = arith.constant 0 : i32
      %dma_wait3A_79 = tpu.memref_slice %arg9[%mul3A_61, %dma_wait3A_78] : memref<10240x128xf32, #tpu.memory_space<vmem_shared>> -> memref<640x128xf32, #tpu.memory_space<vmem_shared>>
      tpu.wait_dma2 semaphore(%run_scoped3A_64 : memref<!tpu.dma_semaphore, #tpu.memory_space<semaphore_mem>>) src(%dma_wait3A_79 : memref<640x128xf32, #tpu.memory_space<vmem_shared>>) dst(%dma_wait3A_77 : memref<640x128xf32, #tpu.memory_space<hbm>>)
      tpu.yield
    }) : () -> ()
    return
  }
}

module attributes {stable_mosaic.version = 14 : i64} {
  func.func @_mm_body(%arg0: i32, %arg1: memref<1000x128xf32, #tpu.memory_space<vmem>>, %arg2: memref<128x128xf32, #tpu.memory_space<vmem>>, %arg3: memref<1000x128xf32, #tpu.memory_space<vmem>>) attributes {dimension_semantics = [#tpu.dimension_semantics<arbitrary>], iteration_bounds = array<i64: 10>, scalar_prefetch = 0 : i64, scratch_operands = 0 : i64, tpu.core_type = #tpu.core_type<tc>, window_params = [{transform_indices = @transform_0, window_bounds = array<i64: 1000, 128>}, {pipeline_mode = #tpu.pipeline_mode<synchronous>, transform_indices = @transform_1, window_bounds = array<i64: 128, 128>}, {transform_indices = @transform_2, window_bounds = array<i64: 1000, 128>}]} {
    %get3A = arith.constant 0 : index
    %get3A_0 = arith.constant 0 : index
    %get3A_1 = vector.load %arg1[%get3A, %get3A_0] : memref<1000x128xf32, #tpu.memory_space<vmem>>, vector<1000x128xf32>
    %get3A_2 = arith.constant 0 : index
    %get3A_3 = arith.constant 0 : index
    %get3A_4 = vector.load %arg2[%get3A_2, %get3A_3] : memref<128x128xf32, #tpu.memory_space<vmem>>, vector<128x128xf32>
    %dot_general3A = arith.constant dense<0.000000e+00> : vector<1000x128xf32>
    %dot_general3A_5 = tpu.matmul %get3A_1, %get3A_4, %dot_general3A {dimension_numbers = #tpu.dot_dimension_numbers<[1], [0], [0], [1], [0, 0, 1, 1], [], []>, precision = #tpu.contract_precision<fp32>, transpose_lhs_hint = false} : vector<1000x128xf32>, vector<128x128xf32>, vector<1000x128xf32> -> vector<1000x128xf32>
    %swap3A = arith.constant 0 : index
    %swap3A_6 = arith.constant 0 : index
    %swap3A_7 = vector.load %arg3[%swap3A, %swap3A_6] : memref<1000x128xf32, #tpu.memory_space<vmem>>, vector<1000x128xf32>
    tpu.vector_store %arg3[%swap3A, %swap3A_6], %dot_general3A_5 {strides = array<i32>} : memref<1000x128xf32, #tpu.memory_space<vmem>>, vector<1000x128xf32>,
    return
  }
  func.func @transform_0(%arg0: i32) -> (i32, i32) {
    %c0_i32 = arith.constant 0 : i32
    %c0_i32_0 = arith.constant 0 : i32
    return %arg0, %c0_i32 : i32, i32
  }
  func.func @transform_1(%arg0: i32) -> (i32, i32) {
    %c0_i32 = arith.constant 0 : i32
    %c0_i32_0 = arith.constant 0 : i32
    %c0_i32_1 = arith.constant 0 : i32
    return %c0_i32, %c0_i32_0 : i32, i32
  }
  func.func @transform_2(%arg0: i32) -> (i32, i32) {
    %c0_i32 = arith.constant 0 : i32
    %c0_i32_0 = arith.constant 0 : i32
    return %arg0, %c0_i32 : i32, i32
  }
}

module attributes {stable_mosaic.version = 14 : i64} {
  func.func @_scale_body(%arg0: i32, %arg1: memref<2x1000x16xf32, #tpu.memory_space<vmem>>, %arg2: memref<1000x128xf32, #tpu.memory_space<vmem>>, %arg3: memref<1000x128xf32, #tpu.memory_space<vmem>>) attributes {dimension_semantics = [#tpu.dimension_semantics<arbitrary>], iteration_bounds = array<i64: 10>, scalar_prefetch = 0 : i64, scratch_operands = 0 : i64, tpu.core_type = #tpu.core_type<tc>, window_params = [{transform_indices = @transform_0, window_bounds = array<i64: 2, 1000, 16>}, {transform_indices = @transform_1, window_bounds = array<i64: 1000, 128>}, {transform_indices = @transform_2, window_bounds = array<i64: 1000, 128>}]} {
    %get3A = arith.constant 0 : index
    %get3A_0 = arith.constant 0 : index
    %get3A_1 = vector.load %arg2[%get3A, %get3A_0] : memref<1000x128xf32, #tpu.memory_space<vmem>>, vector<1000x128xf32>
    %get3A_2 = arith.constant 0 : index
    %get3A_3 = arith.constant 0 : index
    %get3A_4 = arith.constant 0 : index
    %get3A_5 = vector.load %arg1[%get3A_2, %get3A_3, %get3A_4] : memref<2x1000x16xf32, #tpu.memory_space<vmem>>, vector<1x1000x1xf32>
    %get3A_6 = vector.shape_cast %get3A_5 : vector<1x1000x1xf32> to vector<1000x1xf32>
    %get3A_7 = arith.constant 1 : index
    %get3A_8 = arith.constant 0 : index
    %get3A_9 = arith.constant 0 : index
    %get3A_10 = vector.load %arg1[%get3A_7, %get3A_8, %get3A_9] : memref<2x1000x16xf32, #tpu.memory_space<vmem>>, vector<1x1000x1xf32>
    %get3A_11 = vector.shape_cast %get3A_10 : vector<1x1000x1xf32> to vector<1000x1xf32>
    %add3A = arith.addf %get3A_6, %get3A_11 : vector<1000x1xf32>
    %add3A_12 = arith.constant 1.000000e+00 : f32
    %add3A_13 = vector.broadcast %add3A_12 : f32 to vector<1000x1xf32>
    %add3A_14 = arith.addf %add3A, %add3A_13 : vector<1000x1xf32>
    %rsqrt3A = math.rsqrt %add3A_14 : vector<1000x1xf32>
    %mul3A = vector.broadcast %rsqrt3A : vector<1000x1xf32> to vector<1000x128xf32>
    %mul3A_15 = arith.mulf %get3A_1, %mul3A : vector<1000x128xf32>
    %swap3A = arith.constant 0 : index
    %swap3A_16 = arith.constant 0 : index
    %swap3A_17 = vector.load %arg3[%swap3A, %swap3A_16] : memref<1000x128xf32, #tpu.memory_space<vmem>>, vector<1000x128xf32>
    tpu.vector_store %arg3[%swap3A, %swap3A_16], %mul3A_15 {strides = array<i32>} : memref<1000x128xf32, #tpu.memory_space<vmem>>, vector<1000x128xf32>,
    return
  }
  func.func @transform_0(%arg0: i32) -> (i32, i32, i32) {
    %c0_i32 = arith.constant 0 : i32
    %c0_i32_0 = arith.constant 0 : i32
    %c0_i32_1 = arith.constant 0 : i32
    return %c0_i32, %arg0, %c0_i32_0 : i32, i32, i32
  }
  func.func @transform_1(%arg0: i32) -> (i32, i32) {
    %c0_i32 = arith.constant 0 : i32
    %c0_i32_0 = arith.constant 0 : i32
    return %arg0, %c0_i32 : i32, i32
  }
  func.func @transform_2(%arg0: i32) -> (i32, i32) {
    %c0_i32 = arith.constant 0 : i32
    %c0_i32_0 = arith.constant 0 : i32
    return %arg0, %c0_i32 : i32, i32
  }
}

module attributes {stable_mosaic.version = 14 : i64} {
  func.func @_layer2_body(%arg0: i32, %arg1: memref<2x1000x128xf32, #tpu.memory_space<vmem>>, %arg2: memref<1000x128xf32, #tpu.memory_space<vmem>>, %arg3: memref<2x1000x16xf32, #tpu.memory_space<vmem>>, %arg4: memref<128xf32, #tpu.memory_space<vmem>>, %arg5: memref<128x64xf32, #tpu.memory_space<vmem>>, %arg6: memref<1000x64xf32, #tpu.memory_space<vmem>>) attributes {dimension_semantics = [#tpu.dimension_semantics<arbitrary>], iteration_bounds = array<i64: 10>, scalar_prefetch = 0 : i64, scratch_operands = 0 : i64, tpu.core_type = #tpu.core_type<tc>, window_params = [{transform_indices = @transform_0, window_bounds = array<i64: 2, 1000, 128>}, {transform_indices = @transform_1, window_bounds = array<i64: 1000, 128>}, {transform_indices = @transform_2, window_bounds = array<i64: 2, 1000, 16>}, {pipeline_mode = #tpu.pipeline_mode<synchronous>, transform_indices = @transform_3, window_bounds = array<i64: 128>}, {pipeline_mode = #tpu.pipeline_mode<synchronous>, transform_indices = @transform_4, window_bounds = array<i64: 128, 64>}, {transform_indices = @transform_5, window_bounds = array<i64: 1000, 64>}]} {
    %get3A = arith.constant 0 : index
    %get3A_0 = arith.constant 0 : index
    %get3A_1 = arith.constant 0 : index
    %get3A_2 = vector.load %arg3[%get3A, %get3A_0, %get3A_1] : memref<2x1000x16xf32, #tpu.memory_space<vmem>>, vector<1x1000x1xf32>
    %get3A_3 = vector.shape_cast %get3A_2 : vector<1x1000x1xf32> to vector<1000x1xf32>
    %get3A_4 = arith.constant 1 : index
    %get3A_5 = arith.constant 0 : index
    %get3A_6 = arith.constant 0 : index
    %get3A_7 = vector.load %arg3[%get3A_4, %get3A_5, %get3A_6] : memref<2x1000x16xf32, #tpu.memory_space<vmem>>, vector<1x1000x1xf32>
    %get3A_8 = vector.shape_cast %get3A_7 : vector<1x1000x1xf32> to vector<1000x1xf32>
    %add3A = arith.addf %get3A_3, %get3A_8 : vector<1000x1xf32>
    %add3A_9 = arith.constant 1.000000e+00 : f32
    %add3A_10 = vector.broadcast %add3A_9 : f32 to vector<1000x1xf32>
    %add3A_11 = arith.addf %add3A, %add3A_10 : vector<1000x1xf32>
    %rsqrt3A = math.rsqrt %add3A_11 : vector<1000x1xf32>
    %get3A_12 = arith.constant 0 : index
    %get3A_13 = arith.constant 0 : index
    %get3A_14 = arith.constant 0 : index
    %get3A_15 = vector.load %arg1[%get3A_12, %get3A_13, %get3A_14] : memref<2x1000x128xf32, #tpu.memory_space<vmem>>, vector<1x1000x128xf32>
    %get3A_16 = vector.shape_cast %get3A_15 : vector<1x1000x128xf32> to vector<1000x128xf32>
    %get3A_17 = arith.constant 1 : index
    %get3A_18 = arith.constant 0 : index
    %get3A_19 = arith.constant 0 : index
    %get3A_20 = vector.load %arg1[%get3A_17, %get3A_18, %get3A_19] : memref<2x1000x128xf32, #tpu.memory_space<vmem>>, vector<1x1000x128xf32>
    %get3A_21 = vector.shape_cast %get3A_20 : vector<1x1000x128xf32> to vector<1000x128xf32>
    %add3A_22 = arith.addf %get3A_16, %get3A_21 : vector<1000x128xf32>
    %get3A_23 = arith.constant 0 : index
    %get3A_24 = arith.constant 0 : index
    %get3A_25 = vector.load %arg2[%get3A_23, %get3A_24] : memref<1000x128xf32, #tpu.memory_space<vmem>>, vector<1000x128xf32>
    %sub3A = arith.subf %add3A_22, %get3A_25 : vector<1000x128xf32>
    %mul3A = vector.broadcast %rsqrt3A : vector<1000x1xf32> to vector<1000x128xf32>
    %mul3A_26 = arith.mulf %sub3A, %mul3A : vector<1000x128xf32>
    %get3A_27 = arith.constant 0 : index
    %get3A_28 = vector.load %arg4[%get3A_27] : memref<128xf32, #tpu.memory_space<vmem>>, vector<128xf32>
    %broadcast_in_dim3A = vector.shape_cast %get3A_28 : vector<128xf32> to vector<1x128xf32>
    %add3A_29 = vector.broadcast %broadcast_in_dim3A : vector<1x128xf32> to vector<1000x128xf32>
    %add3A_30 = arith.addf %mul3A_26, %add3A_29 : vector<1000x128xf32>
    %max3A = arith.constant 0.000000e+00 : f32
    %max3A_31 = vector.broadcast %max3A : f32 to vector<1000x128xf32>
    %max3A_32 = arith.maximumf %add3A_30, %max3A_31 : vector<1000x128xf32>
    %get3A_33 = arith.constant 0 : index
    %get3A_34 = arith.constant 0 : index
    %get3A_35 = vector.load %arg5[%get3A_33, %get3A_34] : memref<128x64xf32, #tpu.memory_space<vmem>>, vector<128x64xf32>
    %dot_general3A = arith.constant dense<0.000000e+00> : vector<1000x64xf32>
    %dot_general3A_36 = tpu.matmul %max3A_32, %get3A_35, %dot_general3A {dimension_numbers = #tpu.dot_dimension_numbers<[1], [0], [0], [1], [0, 0, 1, 1], [], []>, precision = #tpu.contract_precision<fp32>, transpose_lhs_hint = false} : vector<1000x128xf32>, vector<128x64xf32>, vector<1000x64xf32> -> vector<1000x64xf32>
    %mul3A_37 = vector.broadcast %rsqrt3A : vector<1000x1xf32> to vector<1000x64xf32>
    %mul3A_38 = arith.mulf %dot_general3A_36, %mul3A_37 : vector<1000x64xf32>
    %swap3A = arith.constant 0 : index
    %swap3A_39 = arith.constant 0 : index
    %swap3A_40 = vector.load %arg6[%swap3A, %swap3A_39] : memref<1000x64xf32, #tpu.memory_space<vmem>>, vector<1000x64xf32>
    tpu.vector_store %arg6[%swap3A, %swap3A_39], %mul3A_38 {strides = array<i32>} : memref<1000x64xf32, #tpu.memory_space<vmem>>, vector<1000x64xf32>,
    return
  }
  func.func @transform_0(%arg0: i32) -> (i32, i32, i32) {
    %c0_i32 = arith.constant 0 : i32
    %c0_i32_0 = arith.constant 0 : i32
    %c0_i32_1 = arith.constant 0 : i32
    return %c0_i32, %arg0, %c0_i32_0 : i32, i32, i32
  }
  func.func @transform_1(%arg0: i32) -> (i32, i32) {
    %c0_i32 = arith.constant 0 : i32
    %c0_i32_0 = arith.constant 0 : i32
    return %arg0, %c0_i32 : i32, i32
  }
  func.func @transform_2(%arg0: i32) -> (i32, i32, i32) {
    %c0_i32 = arith.constant 0 : i32
    %c0_i32_0 = arith.constant 0 : i32
    %c0_i32_1 = arith.constant 0 : i32
    return %c0_i32, %arg0, %c0_i32_0 : i32, i32, i32
  }
  func.func @transform_3(%arg0: i32) -> i32 {
    %c0_i32 = arith.constant 0 : i32
    %c0_i32_0 = arith.constant 0 : i32
    return %c0_i32 : i32
  }
  func.func @transform_4(%arg0: i32) -> (i32, i32) {
    %c0_i32 = arith.constant 0 : i32
    %c0_i32_0 = arith.constant 0 : i32
    %c0_i32_1 = arith.constant 0 : i32
    return %c0_i32, %c0_i32_0 : i32, i32
  }
  func.func @transform_5(%arg0: i32) -> (i32, i32) {
    %c0_i32 = arith.constant 0 : i32
    %c0_i32_0 = arith.constant 0 : i32
    return %arg0, %c0_i32 : i32, i32
  }
}

module attributes {stable_mosaic.version = 14 : i64} {
  func.func @_zfinal_body(%arg0: i32, %arg1: memref<2x1000x64xf32, #tpu.memory_space<vmem>>, %arg2: memref<1000x64xf32, #tpu.memory_space<vmem>>, %arg3: memref<2x1000x16xf32, #tpu.memory_space<vmem>>, %arg4: memref<64xf32, #tpu.memory_space<vmem>>, %arg5: memref<1000x64xf32, #tpu.memory_space<vmem>>) attributes {dimension_semantics = [#tpu.dimension_semantics<arbitrary>], iteration_bounds = array<i64: 10>, scalar_prefetch = 0 : i64, scratch_operands = 0 : i64, tpu.core_type = #tpu.core_type<tc>, window_params = [{transform_indices = @transform_0, window_bounds = array<i64: 2, 1000, 64>}, {transform_indices = @transform_1, window_bounds = array<i64: 1000, 64>}, {transform_indices = @transform_2, window_bounds = array<i64: 2, 1000, 16>}, {pipeline_mode = #tpu.pipeline_mode<synchronous>, transform_indices = @transform_3, window_bounds = array<i64: 64>}, {transform_indices = @transform_4, window_bounds = array<i64: 1000, 64>}]} {
    %get3A = arith.constant 0 : index
    %get3A_0 = arith.constant 0 : index
    %get3A_1 = arith.constant 0 : index
    %get3A_2 = vector.load %arg3[%get3A, %get3A_0, %get3A_1] : memref<2x1000x16xf32, #tpu.memory_space<vmem>>, vector<1x1000x1xf32>
    %get3A_3 = vector.shape_cast %get3A_2 : vector<1x1000x1xf32> to vector<1000x1xf32>
    %get3A_4 = arith.constant 1 : index
    %get3A_5 = arith.constant 0 : index
    %get3A_6 = arith.constant 0 : index
    %get3A_7 = vector.load %arg3[%get3A_4, %get3A_5, %get3A_6] : memref<2x1000x16xf32, #tpu.memory_space<vmem>>, vector<1x1000x1xf32>
    %get3A_8 = vector.shape_cast %get3A_7 : vector<1x1000x1xf32> to vector<1000x1xf32>
    %add3A = arith.addf %get3A_3, %get3A_8 : vector<1000x1xf32>
    %add3A_9 = arith.constant 1.000000e+00 : f32
    %add3A_10 = vector.broadcast %add3A_9 : f32 to vector<1000x1xf32>
    %add3A_11 = arith.addf %add3A, %add3A_10 : vector<1000x1xf32>
    %rsqrt3A = math.rsqrt %add3A_11 : vector<1000x1xf32>
    %get3A_12 = arith.constant 0 : index
    %get3A_13 = arith.constant 0 : index
    %get3A_14 = arith.constant 0 : index
    %get3A_15 = vector.load %arg1[%get3A_12, %get3A_13, %get3A_14] : memref<2x1000x64xf32, #tpu.memory_space<vmem>>, vector<1x1000x64xf32>
    %get3A_16 = vector.shape_cast %get3A_15 : vector<1x1000x64xf32> to vector<1000x64xf32>
    %get3A_17 = arith.constant 1 : index
    %get3A_18 = arith.constant 0 : index
    %get3A_19 = arith.constant 0 : index
    %get3A_20 = vector.load %arg1[%get3A_17, %get3A_18, %get3A_19] : memref<2x1000x64xf32, #tpu.memory_space<vmem>>, vector<1x1000x64xf32>
    %get3A_21 = vector.shape_cast %get3A_20 : vector<1x1000x64xf32> to vector<1000x64xf32>
    %add3A_22 = arith.addf %get3A_16, %get3A_21 : vector<1000x64xf32>
    %get3A_23 = arith.constant 0 : index
    %get3A_24 = arith.constant 0 : index
    %get3A_25 = vector.load %arg2[%get3A_23, %get3A_24] : memref<1000x64xf32, #tpu.memory_space<vmem>>, vector<1000x64xf32>
    %sub3A = arith.subf %add3A_22, %get3A_25 : vector<1000x64xf32>
    %mul3A = vector.broadcast %rsqrt3A : vector<1000x1xf32> to vector<1000x64xf32>
    %mul3A_26 = arith.mulf %sub3A, %mul3A : vector<1000x64xf32>
    %get3A_27 = arith.constant 0 : index
    %get3A_28 = vector.load %arg4[%get3A_27] : memref<64xf32, #tpu.memory_space<vmem>>, vector<64xf32>
    %broadcast_in_dim3A = vector.shape_cast %get3A_28 : vector<64xf32> to vector<1x64xf32>
    %add3A_29 = vector.broadcast %broadcast_in_dim3A : vector<1x64xf32> to vector<1000x64xf32>
    %add3A_30 = arith.addf %mul3A_26, %add3A_29 : vector<1000x64xf32>
    %swap3A = arith.constant 0 : index
    %swap3A_31 = arith.constant 0 : index
    %swap3A_32 = vector.load %arg5[%swap3A, %swap3A_31] : memref<1000x64xf32, #tpu.memory_space<vmem>>, vector<1000x64xf32>
    tpu.vector_store %arg5[%swap3A, %swap3A_31], %add3A_30 {strides = array<i32>} : memref<1000x64xf32, #tpu.memory_space<vmem>>, vector<1000x64xf32>,
    return
  }
  func.func @transform_0(%arg0: i32) -> (i32, i32, i32) {
    %c0_i32 = arith.constant 0 : i32
    %c0_i32_0 = arith.constant 0 : i32
    %c0_i32_1 = arith.constant 0 : i32
    return %c0_i32, %arg0, %c0_i32_0 : i32, i32, i32
  }
  func.func @transform_1(%arg0: i32) -> (i32, i32) {
    %c0_i32 = arith.constant 0 : i32
    %c0_i32_0 = arith.constant 0 : i32
    return %arg0, %c0_i32 : i32, i32
  }
  func.func @transform_2(%arg0: i32) -> (i32, i32, i32) {
    %c0_i32 = arith.constant 0 : i32
    %c0_i32_0 = arith.constant 0 : i32
    %c0_i32_1 = arith.constant 0 : i32
    return %c0_i32, %arg0, %c0_i32_0 : i32, i32, i32
  }
  func.func @transform_3(%arg0: i32) -> i32 {
    %c0_i32 = arith.constant 0 : i32
    %c0_i32_0 = arith.constant 0 : i32
    return %c0_i32 : i32
  }
  func.func @transform_4(%arg0: i32) -> (i32, i32) {
    %c0_i32 = arith.constant 0 : i32
    %c0_i32_0 = arith.constant 0 : i32
    return %arg0, %c0_i32 : i32, i32
  }
}

module attributes {stable_mosaic.version = 14 : i64} {
  func.func @_decode_body(%arg0: i32, %arg1: memref<2560x128xf32, #tpu.memory_space<vmem>>, %arg2: memref<2560x128xf32, #tpu.memory_space<vmem>>, %arg3: memref<2x2560xf32, #tpu.memory_space<vmem>>) attributes {dimension_semantics = [#tpu.dimension_semantics<arbitrary>], iteration_bounds = array<i64: 20>, scalar_prefetch = 0 : i64, scratch_operands = 0 : i64, tpu.core_type = #tpu.core_type<tc>, window_params = [{transform_indices = @transform_0, window_bounds = array<i64: 2560, 128>}, {transform_indices = @transform_1, window_bounds = array<i64: 2560, 128>}, {transform_indices = @transform_2, window_bounds = array<i64: 2, 2560>}]} {
    %get3A = arith.constant 0 : index
    %get3A_0 = arith.constant 0 : index
    %get3A_1 = vector.load %arg1[%get3A, %get3A_0] : memref<2560x128xf32, #tpu.memory_space<vmem>>, vector<2560x128xf32>
    %get3A_2 = arith.constant 0 : index
    %get3A_3 = arith.constant 0 : index
    %get3A_4 = vector.load %arg2[%get3A_2, %get3A_3] : memref<2560x128xf32, #tpu.memory_space<vmem>>, vector<2560x128xf32>
    %mul3A = arith.mulf %get3A_1, %get3A_4 : vector<2560x128xf32>
    %iota3A = tpu.iota {dimensions = array<i32: 1>} : vector<2560x128xi32>
    %lt3A = arith.constant 64 : i32
    %lt3A_5 = vector.broadcast %lt3A : i32 to vector<2560x128xi32>
    %lt3A_6 = arith.cmpi slt, %iota3A, %lt3A_5 : vector<2560x128xi32>
    %jit3A = arith.constant 0.000000e+00 : f32
    %broadcast_in_dim3A = vector.broadcast %jit3A : f32 to vector<2560x128xf32>
    %select_n3A = arith.select %lt3A_6, %mul3A, %broadcast_in_dim3A : vector<2560x128xi1>, vector<2560x128xf32>
    %reduce_sum3A = arith.constant dense<0.000000e+00> : vector<2560xf32>
    %reduce_sum3A_7 = vector.multi_reduction <add>, %select_n3A, %reduce_sum3A [1] : vector<2560x128xf32> to vector<2560xf32>
    %ge3A = arith.constant 64 : i32
    %ge3A_8 = vector.broadcast %ge3A : i32 to vector<2560x128xi32>
    %ge3A_9 = arith.cmpi sge, %iota3A, %ge3A_8 : vector<2560x128xi32>
    %jit3A_10 = arith.constant 0.000000e+00 : f32
    %broadcast_in_dim3A_11 = vector.broadcast %jit3A_10 : f32 to vector<2560x128xf32>
    %select_n3A_12 = arith.select %ge3A_9, %mul3A, %broadcast_in_dim3A_11 : vector<2560x128xi1>, vector<2560x128xf32>
    %reduce_sum3A_13 = arith.constant dense<0.000000e+00> : vector<2560xf32>
    %reduce_sum3A_14 = vector.multi_reduction <add>, %select_n3A_12, %reduce_sum3A_13 [1] : vector<2560x128xf32> to vector<2560xf32>
    %stack3A = vector.shape_cast %reduce_sum3A_7 : vector<2560xf32> to vector<1x2560xf32>
    %stack3A_15 = vector.shape_cast %reduce_sum3A_14 : vector<2560xf32> to vector<1x2560xf32>
    %stack3A_16 = tpu.concatenate %stack3A, %stack3A_15 in 0 : vector<1x2560xf32>, vector<1x2560xf32> -> vector<2x2560xf32>
    %logistic3A = arith.negf %stack3A_16 : vector<2x2560xf32>
    %logistic3A_17 = math.exp %logistic3A : vector<2x2560xf32>
    %logistic3A_18 = arith.constant 1.000000e+00 : f32
    %logistic3A_19 = vector.broadcast %logistic3A_18 : f32 to vector<2x2560xf32>
    %logistic3A_20 = arith.addf %logistic3A_19, %logistic3A_17 : vector<2x2560xf32>
    %logistic3A_21 = arith.divf %logistic3A_19, %logistic3A_20 : vector<2x2560xf32>
    %swap3A = arith.constant 0 : index
    %swap3A_22 = arith.constant 0 : index
    %swap3A_23 = vector.load %arg3[%swap3A, %swap3A_22] : memref<2x2560xf32, #tpu.memory_space<vmem>>, vector<2x2560xf32>
    tpu.vector_store %arg3[%swap3A, %swap3A_22], %logistic3A_21 {strides = array<i32>} : memref<2x2560xf32, #tpu.memory_space<vmem>>, vector<2x2560xf32>,
    return
  }
  func.func @transform_0(%arg0: i32) -> (i32, i32) {
    %c0_i32 = arith.constant 0 : i32
    %c0_i32_0 = arith.constant 0 : i32
    return %arg0, %c0_i32 : i32, i32
  }
  func.func @transform_1(%arg0: i32) -> (i32, i32) {
    %add3A = arith.constant 20 : i32
    %add3A_0 = arith.addi %arg0, %add3A : i32
    %c0_i32 = arith.constant 0 : i32
    %c0_i32_1 = arith.constant 0 : i32
    return %add3A_0, %c0_i32 : i32, i32
  }
  func.func @transform_2(%arg0: i32) -> (i32, i32) {
    %c0_i32 = arith.constant 0 : i32
    %c0_i32_0 = arith.constant 0 : i32
    return %c0_i32, %arg0 : i32, i32
  }
}

module attributes {stable_mosaic.version = 14 : i64} {
  func.func @_assemble_body(%arg0: i32, %arg1: memref<800x64xf32, #tpu.memory_space<vmem>>, %arg2: memref<800x64xf32, #tpu.memory_space<vmem>>, %arg3: memref<128x128xf32, #tpu.memory_space<vmem>>, %arg4: memref<800x128xf32, #tpu.memory_space<vmem>>) attributes {dimension_semantics = [#tpu.dimension_semantics<arbitrary>], iteration_bounds = array<i64: 1>, scalar_prefetch = 0 : i64, scratch_operands = 0 : i64, tpu.core_type = #tpu.core_type<tc>, window_params = [{pipeline_mode = #tpu.pipeline_mode<synchronous>, transform_indices = @transform_0, window_bounds = array<i64: 800, 64>}, {pipeline_mode = #tpu.pipeline_mode<synchronous>, transform_indices = @transform_1, window_bounds = array<i64: 800, 64>}, {pipeline_mode = #tpu.pipeline_mode<synchronous>, transform_indices = @transform_2, window_bounds = array<i64: 128, 128>}, {pipeline_mode = #tpu.pipeline_mode<synchronous>, transform_indices = @transform_3, window_bounds = array<i64: 800, 128>}]} {
    %get3A = arith.constant 0 : index
    %get3A_0 = arith.constant 0 : index
    %get3A_1 = vector.load %arg1[%get3A, %get3A_0] : memref<800x64xf32, #tpu.memory_space<vmem>>, vector<800x64xf32>
    %get3A_2 = arith.constant 0 : index
    %get3A_3 = arith.constant 0 : index
    %get3A_4 = vector.load %arg2[%get3A_2, %get3A_3] : memref<800x64xf32, #tpu.memory_space<vmem>>, vector<800x64xf32>
    %concatenate3A = tpu.concatenate %get3A_1, %get3A_4 in 1 : vector<800x64xf32>, vector<800x64xf32> -> vector<800x128xf32>
    %get3A_5 = arith.constant 0 : index
    %get3A_6 = arith.constant 0 : index
    %get3A_7 = vector.load %arg3[%get3A_5, %get3A_6] : memref<128x128xf32, #tpu.memory_space<vmem>>, vector<128x128xf32>
    %dot_general3A = arith.constant dense<0.000000e+00> : vector<800x128xf32>
    %dot_general3A_8 = tpu.matmul %concatenate3A, %get3A_7, %dot_general3A {dimension_numbers = #tpu.dot_dimension_numbers<[1], [0], [0], [1], [0, 0, 1, 1], [], []>, precision = #tpu.contract_precision<fp32>, transpose_lhs_hint = false} : vector<800x128xf32>, vector<128x128xf32>, vector<800x128xf32> -> vector<800x128xf32>
    %swap3A = arith.constant 0 : index
    %swap3A_9 = arith.constant 0 : index
    %swap3A_10 = vector.load %arg4[%swap3A, %swap3A_9] : memref<800x128xf32, #tpu.memory_space<vmem>>, vector<800x128xf32>
    tpu.vector_store %arg4[%swap3A, %swap3A_9], %dot_general3A_8 {strides = array<i32>} : memref<800x128xf32, #tpu.memory_space<vmem>>, vector<800x128xf32>,
    return
  }
  func.func @transform_0(%arg0: i32) -> (i32, i32) {
    %c0_i32 = arith.constant 0 : i32
    %c0_i32_0 = arith.constant 0 : i32
    %c0_i32_1 = arith.constant 0 : i32
    return %c0_i32, %c0_i32_0 : i32, i32
  }
  func.func @transform_1(%arg0: i32) -> (i32, i32) {
    %c0_i32 = arith.constant 0 : i32
    %c0_i32_0 = arith.constant 0 : i32
    %c0_i32_1 = arith.constant 0 : i32
    return %c0_i32, %c0_i32_0 : i32, i32
  }
  func.func @transform_2(%arg0: i32) -> (i32, i32) {
    %c0_i32 = arith.constant 0 : i32
    %c0_i32_0 = arith.constant 0 : i32
    %c0_i32_1 = arith.constant 0 : i32
    return %c0_i32, %c0_i32_0 : i32, i32
  }
  func.func @transform_3(%arg0: i32) -> (i32, i32) {
    %c0_i32 = arith.constant 0 : i32
    %c0_i32_0 = arith.constant 0 : i32
    %c0_i32_1 = arith.constant 0 : i32
    return %c0_i32, %c0_i32_0 : i32, i32
  }
}

</mosaic_0001>

<sc_bundles>
// kernel: kernel.12.cloned.1.call-start
scs
__scs_entry_jumppad:
0x0: {  	(pc) =	sbr.rel $0x88, $3  }
0x1: {  	(tag) =	ssettag $0x0;
	lr =	simm.s32 $0x1  }
0x2: {  	[smem:$0x3F9A] =	sst lr;
	_ =	strace $0xD0000000  }
0x3: {  	_ = 	snop  }
0x4: {  	_ = 	snop  }
0x5: {  	_ = 	snop  }
0x6: {  	_ = 	snop  }
0x7: {  	_ = 	snop  }
__scs_overlays_trampoline_lowered:
0x8: {  	[smem:$0x3FA9] =	sst s0  }
0x9: {  	[smem:$0x3FAA] =	sst s1  }
0xa: {  	[smem:$0x3FAB] =	sst s2  }
0xb: {  	[smem:$0x3FAC] =	sst s3  }
0xc: {  	[smem:$0x3FAD] =	sst s4  }
0xd: {  	[smem:$0x3FAE] =	sst s5  }
0xe: {  	[smem:$0x3FAF] =	sst s6  }
0xf: {  	[smem:$0x3FB0] =	sst s7  }
0x10: {  	[smem:$0x3FB1] =	sst s8  }
0x11: {  	[smem:$0x3FB2] =	sst s9;
	s0 =	simm.s32 @!p0 $0x0  }
0x12: {  	s1 =	sld [smem:$0x3F98];
	s0 =	simm.s32 @p0 $0x1  }
0x13: {  	[smem:$0x3FB3] =	sst s0;
	s0 =	simm.s32 @!p1 $0x0  }
0x14: {  	s2 =	sld [smem:$0x3F97];
	s0 =	simm.s32 @p1 $0x1  }
0x15: {  	[smem:$0x3FB4] =	sst s0;
	s0 =	simm.s32 @!p2 $0x0  }
0x16: {  	s3 =	sld [smem:$0x3FDB];
	s0 =	simm.s32 @p2 $0x1  }
0x17: {  	s4 =	simm.s32 $0x1BF5;
	[smem:$0x3FB6] =	sst s0  }
0x18: {  	s0 =	sld [smem:$0x3F99];
	_ =	swait.ge [sflag:s4], $0x0  }
0x19: {  	s7 =	sld [smem:$0x3F9A]  }
0x1a: {  	s8 =	sadd.s32 $0xFFFFE003, lr  }
0x1b: {  	s9 =	sadd.s32 $0xFFFFFEF7, lr;
	s5 =	simm.s32 $0xFFFFFFFF;
	p2 =	slt.u32 s8, $0xFFFFF086  }
0x1c: {  	p1 =	slt.u32 s9, $0xF7A;
	s5 =	simm.s32 @!p2 $0x0  }
0x1d: {  	s5 =	simm.s32 @p1 $0x1;
	p0 =	seq.s32 s7, s2  }
0x1e: {  	s7 =	smul.u32 @!p0 $0xF7A, s2;
	p2 =	seq.s32 @!p0 s5, $0x0  }
0x1f: {  	s9 =	smul.u32 $0xF7A, s1;
	s8 =	simm.s32 @!p0 $0x1BF5;
	p2 =	por !p2, p0  }
0x20: {  	[sflag:s8] =	ssyncset.s32 @!p0 $0xFFFFF086;
	s6 =	sadd.s32 @!p0 s3, s7;
	s7 =	simm.s32 @!p0 $0x108  }
0x21: {  	s3 =	sadd.s32 s3, s9;
	s6 =	sadd.s32 @!p0 $0x88, s6;
	s7 =	simm.s32 @p2 $0x1082  }
0x22: {  	[simem:s7], [sflag:s8] =	dma.local @!p0 [hbm:s6], $0xF7A  }
0x23: {  	s9 =	sor.u32 $0xD0000000, s2;
	s6 =	simm.s32 $0x108;
	_ =	swait.ge @!p0 [sflag:s8], $0x0  }
0x24: {  	s3 =	sadd.s32 $0x88, s3;
	s6 =	simm.s32 @!p1 $0x1082;
	[sflag:s4] =	ssyncset.s32 $0xFFFFF086  }
0x25: {  	[simem:s6], [sflag:s4] =	dma.local [hbm:s3], $0xF7A  }
0x26: {  	[smem:$0x3F9A] =	sst s1;
	(tag) =	ssettag s2;
	_ =	strace s9  }
0x27: {  	s1 =	sld [smem:$0x3FAA]  }
0x28: {  	s2 =	sld [smem:$0x3FAB]  }
0x29: {  	s4 =	sld [smem:$0x3FAD]  }
0x2a: {  	p0 =	seq.s32 s5, $0x0;
	s5 =	sld [smem:$0x3FAE]  }
0x2b: {  	s6 =	sld [smem:$0x3FAF]  }
0x2c: {  	s7 =	sld [smem:$0x3FB0]  }
0x2d: {  	s3 =	simm.s32 $0x108;
	s8 =	sld [smem:$0x3FB1]  }
0x2e: {  	s3 =	simm.s32 @!p0 $0x1082;
	s9 =	sld [smem:$0x3FB2]  }
0x2f: {  	lr =	sadd.s32 s0, s3;
	s0 =	sld [smem:$0x3FA9]  }
0x30: {  	s3 =	sld [smem:$0x3FAC]  }
0x31: {  	[smem:$0x3FB5] =	sst s10  }
0x32: {  	s10 =	sld [smem:$0x3FB3];
	_ =	sdelay $0x3  }
0x33: {  	p0 =	seq.s32 s10, $0x1;
	s10 =	sld [smem:$0x3FB5];
	_ =	sdelay $0x3  }
0x34: {  	[smem:$0x3FB5] =	sst s10  }
0x35: {  	s10 =	sld [smem:$0x3FB4];
	_ =	sdelay $0x3  }
0x36: {  	p1 =	seq.s32 s10, $0x1;
	s10 =	sld [smem:$0x3FB5];
	_ =	sdelay $0x3  }
0x37: {  	[smem:$0x3FB5] =	sst s10  }
0x38: {  	s10 =	sld [smem:$0x3FB6]  }
0x39: {  	_ = 	snop;
	(pc) =	sbr.ind lr, $3  }
0x3a: {  	_ = 	snop  }
0x3b: {  	_ = 	snop  }
0x3c: {  	p2 =	seq.s32 s10, $0x1;
	s10 =	sld [smem:$0x3FB5]  }
0x3d: {  	_ =	shalt  }
0x3e: {  	_ =	shalt  }
0x3f: {  	_ =	shalt  }
0x40: {  	_ =	shalt  }
0x41: {  	_ =	shalt  }
0x42: {  	_ =	shalt  }
0x43: {  	_ =	shalt  }
0x44: {  	_ =	shalt  }
0x45: {  	_ =	shalt  }
0x46: {  	_ =	shalt  }
0x47: {  	_ =	shalt  }
0x48: {  	_ =	shalt  }
0x49: {  	_ =	shalt  }
0x4a: {  	_ =	shalt  }
0x4b: {  	_ =	shalt  }
0x4c: {  	_ =	shalt  }
0x4d: {  	_ =	shalt  }
0x4e: {  	_ =	shalt  }
0x4f: {  	_ =	shalt  }
0x50: {  	_ =	shalt  }
0x51: {  	_ =	shalt  }
0x52: {  	_ =	shalt  }
0x53: {  	_ =	shalt  }
0x54: {  	_ =	shalt  }
0x55: {  	_ =	shalt  }
0x56: {  	_ =	shalt  }
0x57: {  	_ =	shalt  }
0x58: {  	_ =	shalt  }
0x59: {  	_ =	shalt  }
0x5a: {  	_ =	shalt  }
0x5b: {  	_ =	shalt  }
0x5c: {  	_ =	shalt  }
0x5d: {  	_ =	shalt  }
0x5e: {  	_ =	shalt  }
0x5f: {  	_ =	shalt  }
0x60: {  	_ =	shalt  }
0x61: {  	_ =	shalt  }
0x62: {  	_ =	shalt  }
0x63: {  	_ =	shalt  }
0x64: {  	_ =	shalt  }
0x65: {  	_ =	shalt  }
0x66: {  	_ =	shalt  }
0x67: {  	_ =	shalt  }
0x68: {  	_ =	shalt  }
0x69: {  	_ =	shalt  }
0x6a: {  	_ =	shalt  }
0x6b: {  	_ =	shalt  }
0x6c: {  	_ =	shalt  }
0x6d: {  	_ =	shalt  }
0x6e: {  	_ =	shalt  }
0x6f: {  	_ =	shalt  }
0x70: {  	_ =	shalt  }
0x71: {  	_ =	shalt  }
0x72: {  	_ =	shalt  }
0x73: {  	_ =	shalt  }
0x74: {  	_ =	shalt  }
0x75: {  	_ =	shalt  }
0x76: {  	_ =	shalt  }
0x77: {  	_ =	shalt  }
0x78: {  	_ =	shalt  }
0x79: {  	_ =	shalt  }
0x7a: {  	_ =	shalt  }
0x7b: {  	_ =	shalt  }
0x7c: {  	_ =	shalt  }
0x7d: {  	_ =	shalt  }
0x7e: {  	_ =	shalt  }
0x7f: {  	_ =	shalt  }
0x80: {  	_ =	shalt  }
0x81: {  	_ =	shalt  }
0x82: {  	_ =	shalt  }
0x83: {  	_ =	shalt  }
0x84: {  	_ =	shalt  }
0x85: {  	_ =	shalt  }
0x86: {  	_ =	shalt  }
0x87: {  	_ =	shalt  }
.Lfunc_end0:
.L_simem_size_0:
called_computation_lowered:
.L_overlay_start_0:
0x88: {  	s2 =	sld [smem:$0x3FD9]  }
0x89: {  	s3 =	sld [smem:$0x3FFE];
	_ =	sdelay $0x1  }
0x8a: {  	s1 =	srdreg.scid  }
0x8b: {  	s0 =	sand.u32 $0x1, s1  }
0x8c: {  	s16 =	sshll.u32 s0, $0xA;
	s2 =	sadd.s32 s3, s2  }
0x8d: {  	s2 =	sadd.s32 s2, s16  }
0x8e: {  	[smem:$0x3FC1] =	sst s2  }
0x8f: {  	_ = 	snop  }
0x90: {  	(tm) =	ssettm $0x1  }
0x91: {  	s17 =	sld [smem:$0x3FFB];
	_ =	sdelay $0x3  }
0x92: {  	_ =	strace s17  }
0x93: {  	s2 =	sld [smem:$0x3FFC];
	_ =	sdelay $0x3  }
0x94: {  	_ =	strace s2  }
0x95: {  	s2 =	sld [smem:$0x3FFD];
	_ =	sdelay $0x3  }
0x96: {  	_ =	strace s2  }
0x97: {  	_ =	strace $0x8FFFFFFF  }
0x98: {  	s18 =	sld [smem:$0x3FDB];
	_ =	sdelay $0x1  }
0x99: {  	s19 =	simm.s32 $_scs_section_size  }
0x9a: {  	s4 =	simm.s32 $_size__tile_overlayer_lowered;
	s5 =	simm.s32 $_tile_overlayer_lowered  }
0x9b: {  	s22 =	simm.s32 $0x1BFF;
	s21 =	sshll.u32 s5, $0x1;
	s2 =	sadd.s32 s19, s18  }
0x9c: {  	s6 =	simm.s32 $0x0;
	s20 =	sshll.u32 s4, $0x1;
	s4 =	sadd.s32 s21, s2  }
0x9d: {  	[timem:s6], [sflag:s22] =	dma.local [hbm:s4], s20  }
0x9e: {  	_ =	swait.ge [sflag:s22], s20  }
0x9f: {  	s3 =	ssub.s32 $0x0, s20;
	[sflag:s22] =	ssyncset.done $0x0  }
0xa0: {  	[sflag:s22] =	ssyncadd.s32 s3;
	_ =	sdelay $0x1  }
0xa1: {  	s23 =	simm.s32 $0x1B8B  }
0xa2: {  	_ =	swait.ge [sflag:s23], $0x1  }
0xa3: {  	[sflag:s23] =	ssyncset.done $0x0  }
0xa4: {  	s25 =	simm.s32 $0x1B8E;
	s24 =	sld [smem:$0x3FFE];
	[sflag:s23] =	ssyncadd.s32 $0xFFFFFFFF  }
0xa5: {  	s26 =	simm.s32 $execute0_lowered;
	[smem:$0x3FD2] =	sst s25  }
0xa6: {  	s4 =	sshll.u32 s26, $0x1;
	_ =	strace $0x80000046;
	[dreg:$0x1] =	wrdreg $0xFFFFFFFF  }
0xa7: {  	s28 =	simm.s32 $_size_execute0_lowered;
	s2 =	sadd.s32 s2, s4;
	[dreg:$0x0] =	wrdreg $0x0  }
0xa8: {  	s4 =	sshll.u32 s28, $0x1;
	[dreg:$0x2] =	wrdreg s2  }
0xa9: {  	[dreg:$0x3] =	wrdreg s4  }
0xaa: {  	[dreg:$0x4] =	wrdreg $0xC0  }
0xab: {  	_ =	task [dreg:s6], $0x5FFFF  }
0xac: {  	[dreg:$0x1] =	wrdreg $0xFFFFFFFF  }
0xad: {  	[dreg:$0x0] =	wrdreg $0x60  }
0xae: {  	[dreg:$0x2] =	wrdreg s24  }
0xaf: {  	[dreg:$0x3] =	wrdreg $0x58000  }
0xb0: {  	[dreg:$0x4] =	wrdreg $0x9  }
0xb1: {  	_ =	task.clear_ibuf [dreg:s6], $0x5FFFF;
	_ =	strace $0x90000046  }
0xb2: {  	s29 =	simm.s32 $0x9;
	_ =	strace $0x80000048  }
0xb3: {  	_ =	swait.ge [sflag:s29], $0x1  }
0xb4: {  	[sflag:s29] =	ssyncadd.s32 $0xFFFFFFFF  }
0xb5: {  	_ =	strace $0x90000048  }
0xb6: {  	_ =	sfence  }
0xb7: {  	s30 =	sld [smem:$0x0];
	_ =	sdelay $0x2  }
0xb8: {  	s31 =	sshll.u32 s1, $0xD;
	s1 =	sshrl.u32 s1, $0x2  }
0xb9: {  	s3 =	sand.u32 $0x4000, s31;
	s1 =	sadd.s32 s1, s30  }
0xba: {  	s0 =	sor.u32 s3, s0;
	s1 =	sshll.u32 s1, $0x11  }
0xbb: {  	s0 =	sor.u32 s1, s0  }
0xbc: {  	s0 =	sadd.s32 $0x8F2B, s0  }
0xbd: {  	[sflag:s0] =	ssyncadd.remote.s32 $0x1  }
0xbe: {  	_ =	sfence.sel $0xFFFF  }
0xbf: {  	[dreg:$0x0] =	wrdreg $0xFFFFFFFF;
	(pc) =	sbr.abs _section_cstart, $3  }
0xc0: {  	[dreg:$0x1] =	wrdreg $0xFFFFFFFF  }
0xc1: {  	_ =	task.clear_ibuf [dreg:s6], $0x2FFFF;
	_ =	strace $0x9FFFFFFF  }
0xc2: {  	(tm) =	ssettm $0x7FFFFFFF  }
0xc3: {  	_ =	shalt  }
tec
execute0_lowered:
.L_overlay_start_1:
0x0: {  	(tag) =	ssettag $0x1  }
0x1: {  	s6 =	rddreg [dreg:$0x0];
	s0 =	srdreg.scid  }
0x2: {  	s2 =	rddreg [dreg:$0x1];
	s1 =	stileid.u32;
	s3 =	simm.s32 $0x0  }
0x3: {  	s4 =	sand.u32 $0x1, s0;
	s0 =	rddreg [dreg:$0x2];
	s7 =	smul.u32 $0x2800, s1  }
0x4: {  	[smem:$0x7FF] =	sst s3;
	s10 =	smul.u32 $0x50, s1;
	s31 =	sadd.s32 $0xBA00, s6  }
0x5: {  	s13 =	sshll.u32 s1, $0x6;
	s5 =	smul.u32 $0x5000, s4;
	s8 =	ssub.s32 $0x2, s4  }
0x6: {  	s9 =	smul.u32 $0x500, s4;
	_ =	strace $0x80000047;
	s30 =	sshrl.u32 s8, $0x1  }
0x7: {  	s4 =	sadd.s32 s7, s2;
	s12 =	sshrl.u32 s7, $0x3;
	s7 =	simm.s32 $0x3000  }
0x8: {  	s11 =	sadd.s32 s5, s6;
	s8 =	ssub.s32 s8, s30;
	s9 =	sadd.s32 s10, s9  }
0x9: {  	s5 =	ssub.s32 $0x4E2, s10;
	s9 =	sshll.u32 s9, $0x4;
	s11 =	sadd.s32 $0x15A00, s11  }
0xa: {  	v0 =	vimm.f32 $0.0e+00;
	vm0 =	vcmask $0x300;
	s6 =	smax.u32 s8, $0x1;
	s8 =	simm.s32 $0x1;
	s9 =	sadd.s32 s9, s31  }
0xb: {  	v1 =	vsel vm0, $0x3F800000, v0;
	s10 =	sadd.s32 s12, s11;
	s11 =	sor.u32 $0x1C01, s13;
	s12 =	sshrl.u32 s4, $0x3  }
.LBB2_1:
0xc: {  	s13 =	simm.s32 $0x0  }
.LBB2_2:
0xd: {  	p0 =	sne.s32 s13, $0x1FC0  }
.Ltmp0:
0xe: {  	_ = 	snop;
	(pc) =	sbr.rel @p0 .LBB2_2-.Ltmp0, $3  }
0xf: {  	_ =	sdelay $0x1  }
0x10: {  	s14 =	sshra.s32 s13, $0x2  }
0x11: {  	s13 =	sadd.s32 $0x40, s13;
	[tilespmem:s14+$0x2800] =	vst v1  }
0x12: {  	s13 =	simm.s32 $0x40;
	s14 =	simm.s32 $0x0  }
.LBB2_4:
0x13: {  	p0 =	sne.s32 s13, $0x9FC0;
	[tilespmem:s14+$0x3000] =	vst v0;
	s14 =	smov.u32 s13;
	s13 =	sadd.s32 $0x40, s13  }
.Ltmp1:
0x14: {  	(pc) =	sbr.rel @p0 .LBB2_4-.Ltmp1, $2  }
0x15: {  	_ =	sdelay $0x2  }
0x16: {  	s14 =	sshra.s32 s14, $0x2  }
0x17: {  	[tilespmem:s14+$0x3000] =	vst v0  }
0x18: {  	[spmem:s4] =	stream.linear.scatter [tilespmem:s7], [sflag:$0x1], $0x2800, $0x38;
	[tilespmem:$0x8000] =	vst v63  }
0x19: {  	_ =	swait.ge [sflag:s8], $0x2800  }
0x1a: {  	[sflag:s8] =	ssyncset.done $0x0  }
0x1b: {  	s13 =	simm.s32 $0x0;
	[sflag:s8] =	ssyncadd.s32 $0xFFFFD800  }
0x1c: {  	[tilespmem:s13], [sflag:$0x1] =	stream.linear.gather [hbm4b:s9+s13], $0x2800, $0x38;
	[tilespmem:$0x8000] =	vst v63  }
0x1d: {  	_ =	swait.ge [sflag:s8], $0x2800  }
0x1e: {  	p0 =	sle.u32 s5, $0x0;
	[sflag:s8] =	ssyncset.done $0x0  }
0x1f: {  	s14 =	simm.s32 @!p0 $0x80;
	[sflag:s8] =	ssyncadd.s32 $0xFFFFD800  }
0x20: {  	s16 =	simm.s32 @!p0 $0x2800;
	s15 =	simm.s32 @!p0 $0x1;
	[bflag:$0x0] =	sbarrier.arrive $0xFFFF  }
0x21: {  	[spmem:s2] =	stream.indirect.scatter.add.f32 @!p0 [tilespmem:s16], [sflag:$0x1], $0x10, s13, s14, $0xb8;
	[tilespmem:$0x8000] =	vst v63  }
0x22: {  	_ =	swait.ge @!p0 [sflag:s15], $0x800  }
0x23: {  	s14 =	simm.s32 $0x1;
	[sflag:s15] =	ssyncset.done @!p0 $0x0  }
.LBB2_6:
0x24: {  	[sflag:s15] =	ssyncadd.s32 @!p0 $0xFFFFF800;
	s15 =	smov.u32 s14;
	s14 =	sadd.s32 $0x1, s14  }
0x25: {  	s13 =	sadd.s32 $0x80, s13;
	p1 =	sne.s32 s14, $0x50  }
.Ltmp2:
0x26: {  	p0 =	sle.u32 s5, s15;
	(pc) =	sbr.rel @p1 .LBB2_6-.Ltmp2, $4  }
0x27: {  	s16 =	simm.s32 @!p0 $0x80;
	s17 =	simm.s32 @!p0 $0x2800;
	s15 =	simm.s32 @!p0 $0x1  }
0x28: {  	[spmem:s2] =	stream.indirect.scatter.add.f32 @!p0 [tilespmem:s17], [sflag:$0x1], $0x10, s13, s16, $0xb8;
	[tilespmem:$0x8000] =	vst v63  }
0x29: {  	_ =	swait.ge @!p0 [sflag:s15], $0x800  }
0x2a: {  	[sflag:s15] =	ssyncset.done @!p0 $0x0  }
0x2b: {  	s3 =	sadd.s32 $0x1, s3  }
0x2c: {  	[sflag:s15] =	ssyncadd.s32 @!p0 $0xFFFFF800;
	p0 =	sne.s32 s3, s6  }
.Ltmp3:
0x2d: {  	[bflag:$0x0] =	sbarrier.arrive $0xFFFF;
	(pc) =	sbr.rel @p0 .LBB2_1-.Ltmp3, $4  }
0x2e: {  	[hbm:s10], [sflag:s11] =	dma.local [spmem:s12], $0x500  }
0x2f: {  	_ =	swait.ge [sflag:s8], $0x500  }
0x30: {  	[sflag:s8] =	ssyncset.done $0x0  }
0x31: {  	[sflag:s8] =	ssyncadd.s32 $0xFFFFFB00  }
0x32: {  	_ =	sfence.sel $0x180000  }
0x33: {  	[bflag:$0x0] =	sbarrier.arrive $0xFFFF  }
0x34: {  	p0 =	sne.s32 s1, $0x0;
	_ =	strace $0x90000047  }
0x35: {  	s0 =	sadd.s32 @!p0 $0x100000, s0;
	[bflag:$0x2] =	sbarrier.arrive $0xFFFF  }
0x36: {  	[sflag:s0] =	ssyncadd.tile.s32 @!p0 $0x1;
	_ =	shalt  }
.Lfunc_end2:
_tile_overlayer_lowered:
.L_overlay_start_2:
0x37: {  	(tag) =	ssettag $0x2  }
0x38: {  	s0 =	rddreg [dreg:$0x0];
	s2 =	stileid.u32  }
0x39: {  	s1 =	rddreg [dreg:$0x1];
	p0 =	sne.s32 s2, $0x0  }
0x3a: {  	s3 =	rddreg [dreg:$0x2];
	[bflag:$0x3] =	sbarrier.arrive $0xFFFF;
	s2 =	simm.s32 @!p0 $0x1C01  }
0x3b: {  	[timem:s3], [sflag:s2] =	dma.local @!p0 [hbm:s0], s1  }
0x3c: {  	s0 =	simm.s32 @!p0 $0x1  }
0x3d: {  	_ =	swait.ge @!p0 [sflag:s0], s1  }
0x3e: {  	s1 =	ssub.s32 @!p0 $0x0, s1;
	[sflag:s0] =	ssyncset.done @!p0 $0x0  }
0x3f: {  	[sflag:s0] =	ssyncadd.s32 @!p0 s1  }
0x40: {  	[bflag:$0x3] =	sbarrier.arrive $0xFFFF  }
0x41: {  	_ =	shalt  }

// kernel: kernel.15.cloned.1.call-start
scs
__scs_entry_jumppad:
0x0: {  	(pc) =	sbr.rel $0x88, $3  }
0x1: {  	(tag) =	ssettag $0x0;
	lr =	simm.s32 $0x1  }
0x2: {  	[smem:$0x3F9A] =	sst lr;
	_ =	strace $0xD0000000  }
0x3: {  	_ = 	snop  }
0x4: {  	_ = 	snop  }
0x5: {  	_ = 	snop  }
0x6: {  	_ = 	snop  }
0x7: {  	_ = 	snop  }
__scs_overlays_trampoline_lowered:
0x8: {  	[smem:$0x3FA9] =	sst s0  }
0x9: {  	[smem:$0x3FAA] =	sst s1  }
0xa: {  	[smem:$0x3FAB] =	sst s2  }
0xb: {  	[smem:$0x3FAC] =	sst s3  }
0xc: {  	[smem:$0x3FAD] =	sst s4  }
0xd: {  	[smem:$0x3FAE] =	sst s5  }
0xe: {  	[smem:$0x3FAF] =	sst s6  }
0xf: {  	[smem:$0x3FB0] =	sst s7  }
0x10: {  	[smem:$0x3FB1] =	sst s8  }
0x11: {  	[smem:$0x3FB2] =	sst s9;
	s0 =	simm.s32 @!p0 $0x0  }
0x12: {  	s1 =	sld [smem:$0x3F98];
	s0 =	simm.s32 @p0 $0x1  }
0x13: {  	[smem:$0x3FB3] =	sst s0;
	s0 =	simm.s32 @!p1 $0x0  }
0x14: {  	s2 =	sld [smem:$0x3F97];
	s0 =	simm.s32 @p1 $0x1  }
0x15: {  	[smem:$0x3FB4] =	sst s0;
	s0 =	simm.s32 @!p2 $0x0  }
0x16: {  	s3 =	sld [smem:$0x3FDB];
	s0 =	simm.s32 @p2 $0x1  }
0x17: {  	s4 =	simm.s32 $0x1BF5;
	[smem:$0x3FB6] =	sst s0  }
0x18: {  	s0 =	sld [smem:$0x3F99];
	_ =	swait.ge [sflag:s4], $0x0  }
0x19: {  	s7 =	sld [smem:$0x3F9A]  }
0x1a: {  	s8 =	sadd.s32 $0xFFFFE003, lr  }
0x1b: {  	s9 =	sadd.s32 $0xFFFFFEF7, lr;
	s5 =	simm.s32 $0xFFFFFFFF;
	p2 =	slt.u32 s8, $0xFFFFF086  }
0x1c: {  	p1 =	slt.u32 s9, $0xF7A;
	s5 =	simm.s32 @!p2 $0x0  }
0x1d: {  	s5 =	simm.s32 @p1 $0x1;
	p0 =	seq.s32 s7, s2  }
0x1e: {  	s7 =	smul.u32 @!p0 $0xF7A, s2;
	p2 =	seq.s32 @!p0 s5, $0x0  }
0x1f: {  	s9 =	smul.u32 $0xF7A, s1;
	s8 =	simm.s32 @!p0 $0x1BF5;
	p2 =	por !p2, p0  }
0x20: {  	[sflag:s8] =	ssyncset.s32 @!p0 $0xFFFFF086;
	s6 =	sadd.s32 @!p0 s3, s7;
	s7 =	simm.s32 @!p0 $0x108  }
0x21: {  	s3 =	sadd.s32 s3, s9;
	s6 =	sadd.s32 @!p0 $0x88, s6;
	s7 =	simm.s32 @p2 $0x1082  }
0x22: {  	[simem:s7], [sflag:s8] =	dma.local @!p0 [hbm:s6], $0xF7A  }
0x23: {  	s9 =	sor.u32 $0xD0000000, s2;
	s6 =	simm.s32 $0x108;
	_ =	swait.ge @!p0 [sflag:s8], $0x0  }
0x24: {  	s3 =	sadd.s32 $0x88, s3;
	s6 =	simm.s32 @!p1 $0x1082;
	[sflag:s4] =	ssyncset.s32 $0xFFFFF086  }
0x25: {  	[simem:s6], [sflag:s4] =	dma.local [hbm:s3], $0xF7A  }
0x26: {  	[smem:$0x3F9A] =	sst s1;
	(tag) =	ssettag s2;
	_ =	strace s9  }
0x27: {  	s1 =	sld [smem:$0x3FAA]  }
0x28: {  	s2 =	sld [smem:$0x3FAB]  }
0x29: {  	s4 =	sld [smem:$0x3FAD]  }
0x2a: {  	p0 =	seq.s32 s5, $0x0;
	s5 =	sld [smem:$0x3FAE]  }
0x2b: {  	s6 =	sld [smem:$0x3FAF]  }
0x2c: {  	s7 =	sld [smem:$0x3FB0]  }
0x2d: {  	s3 =	simm.s32 $0x108;
	s8 =	sld [smem:$0x3FB1]  }
0x2e: {  	s3 =	simm.s32 @!p0 $0x1082;
	s9 =	sld [smem:$0x3FB2]  }
0x2f: {  	lr =	sadd.s32 s0, s3;
	s0 =	sld [smem:$0x3FA9]  }
0x30: {  	s3 =	sld [smem:$0x3FAC]  }
0x31: {  	[smem:$0x3FB5] =	sst s10  }
0x32: {  	s10 =	sld [smem:$0x3FB3];
	_ =	sdelay $0x3  }
0x33: {  	p0 =	seq.s32 s10, $0x1;
	s10 =	sld [smem:$0x3FB5];
	_ =	sdelay $0x3  }
0x34: {  	[smem:$0x3FB5] =	sst s10  }
0x35: {  	s10 =	sld [smem:$0x3FB4];
	_ =	sdelay $0x3  }
0x36: {  	p1 =	seq.s32 s10, $0x1;
	s10 =	sld [smem:$0x3FB5];
	_ =	sdelay $0x3  }
0x37: {  	[smem:$0x3FB5] =	sst s10  }
0x38: {  	s10 =	sld [smem:$0x3FB6]  }
0x39: {  	_ = 	snop;
	(pc) =	sbr.ind lr, $3  }
0x3a: {  	_ = 	snop  }
0x3b: {  	_ = 	snop  }
0x3c: {  	p2 =	seq.s32 s10, $0x1;
	s10 =	sld [smem:$0x3FB5]  }
0x3d: {  	_ =	shalt  }
0x3e: {  	_ =	shalt  }
0x3f: {  	_ =	shalt  }
0x40: {  	_ =	shalt  }
0x41: {  	_ =	shalt  }
0x42: {  	_ =	shalt  }
0x43: {  	_ =	shalt  }
0x44: {  	_ =	shalt  }
0x45: {  	_ =	shalt  }
0x46: {  	_ =	shalt  }
0x47: {  	_ =	shalt  }
0x48: {  	_ =	shalt  }
0x49: {  	_ =	shalt  }
0x4a: {  	_ =	shalt  }
0x4b: {  	_ =	shalt  }
0x4c: {  	_ =	shalt  }
0x4d: {  	_ =	shalt  }
0x4e: {  	_ =	shalt  }
0x4f: {  	_ =	shalt  }
0x50: {  	_ =	shalt  }
0x51: {  	_ =	shalt  }
0x52: {  	_ =	shalt  }
0x53: {  	_ =	shalt  }
0x54: {  	_ =	shalt  }
0x55: {  	_ =	shalt  }
0x56: {  	_ =	shalt  }
0x57: {  	_ =	shalt  }
0x58: {  	_ =	shalt  }
0x59: {  	_ =	shalt  }
0x5a: {  	_ =	shalt  }
0x5b: {  	_ =	shalt  }
0x5c: {  	_ =	shalt  }
0x5d: {  	_ =	shalt  }
0x5e: {  	_ =	shalt  }
0x5f: {  	_ =	shalt  }
0x60: {  	_ =	shalt  }
0x61: {  	_ =	shalt  }
0x62: {  	_ =	shalt  }
0x63: {  	_ =	shalt  }
0x64: {  	_ =	shalt  }
0x65: {  	_ =	shalt  }
0x66: {  	_ =	shalt  }
0x67: {  	_ =	shalt  }
0x68: {  	_ =	shalt  }
0x69: {  	_ =	shalt  }
0x6a: {  	_ =	shalt  }
0x6b: {  	_ =	shalt  }
0x6c: {  	_ =	shalt  }
0x6d: {  	_ =	shalt  }
0x6e: {  	_ =	shalt  }
0x6f: {  	_ =	shalt  }
0x70: {  	_ =	shalt  }
0x71: {  	_ =	shalt  }
0x72: {  	_ =	shalt  }
0x73: {  	_ =	shalt  }
0x74: {  	_ =	shalt  }
0x75: {  	_ =	shalt  }
0x76: {  	_ =	shalt  }
0x77: {  	_ =	shalt  }
0x78: {  	_ =	shalt  }
0x79: {  	_ =	shalt  }
0x7a: {  	_ =	shalt  }
0x7b: {  	_ =	shalt  }
0x7c: {  	_ =	shalt  }
0x7d: {  	_ =	shalt  }
0x7e: {  	_ =	shalt  }
0x7f: {  	_ =	shalt  }
0x80: {  	_ =	shalt  }
0x81: {  	_ =	shalt  }
0x82: {  	_ =	shalt  }
0x83: {  	_ =	shalt  }
0x84: {  	_ =	shalt  }
0x85: {  	_ =	shalt  }
0x86: {  	_ =	shalt  }
0x87: {  	_ =	shalt  }
.Lfunc_end0:
.L_simem_size_0:
called_computation.1_lowered:
.L_overlay_start_0:
0x88: {  	s2 =	sld [smem:$0x3FD9]  }
0x89: {  	s3 =	sld [smem:$0x3FFE];
	_ =	sdelay $0x1  }
0x8a: {  	s1 =	srdreg.scid  }
0x8b: {  	s0 =	sand.u32 $0x1, s1  }
0x8c: {  	s16 =	sshll.u32 s0, $0xA;
	s2 =	sadd.s32 s3, s2  }
0x8d: {  	s2 =	sadd.s32 s2, s16  }
0x8e: {  	[smem:$0x3FC1] =	sst s2  }
0x8f: {  	_ = 	snop  }
0x90: {  	(tm) =	ssettm $0x1  }
0x91: {  	s17 =	sld [smem:$0x3FFB];
	_ =	sdelay $0x3  }
0x92: {  	_ =	strace s17  }
0x93: {  	s2 =	sld [smem:$0x3FFC];
	_ =	sdelay $0x3  }
0x94: {  	_ =	strace s2  }
0x95: {  	s2 =	sld [smem:$0x3FFD];
	_ =	sdelay $0x3  }
0x96: {  	_ =	strace s2  }
0x97: {  	_ =	strace $0x8FFFFFFF  }
0x98: {  	s18 =	sld [smem:$0x3FDB];
	_ =	sdelay $0x1  }
0x99: {  	s19 =	simm.s32 $_scs_section_size  }
0x9a: {  	s4 =	simm.s32 $_size__tile_overlayer_lowered;
	s5 =	simm.s32 $_tile_overlayer_lowered  }
0x9b: {  	s22 =	simm.s32 $0x1BFF;
	s21 =	sshll.u32 s5, $0x1;
	s2 =	sadd.s32 s19, s18  }
0x9c: {  	s6 =	simm.s32 $0x0;
	s20 =	sshll.u32 s4, $0x1;
	s4 =	sadd.s32 s21, s2  }
0x9d: {  	[timem:s6], [sflag:s22] =	dma.local [hbm:s4], s20  }
0x9e: {  	_ =	swait.ge [sflag:s22], s20  }
0x9f: {  	s3 =	ssub.s32 $0x0, s20;
	[sflag:s22] =	ssyncset.done $0x0  }
0xa0: {  	[sflag:s22] =	ssyncadd.s32 s3;
	_ =	sdelay $0x1  }
0xa1: {  	s23 =	simm.s32 $0x1B8B  }
0xa2: {  	_ =	swait.ge [sflag:s23], $0x1  }
0xa3: {  	[sflag:s23] =	ssyncset.done $0x0  }
0xa4: {  	s25 =	simm.s32 $0x1B8E;
	s24 =	sld [smem:$0x3FFE];
	[sflag:s23] =	ssyncadd.s32 $0xFFFFFFFF  }
0xa5: {  	s26 =	simm.s32 $execute0_lowered;
	[smem:$0x3FD2] =	sst s25  }
0xa6: {  	s4 =	sshll.u32 s26, $0x1;
	_ =	strace $0x80000049;
	[dreg:$0x1] =	wrdreg $0xFFFFFFFF  }
0xa7: {  	s28 =	simm.s32 $_size_execute0_lowered;
	s2 =	sadd.s32 s2, s4;
	[dreg:$0x0] =	wrdreg $0x0  }
0xa8: {  	s4 =	sshll.u32 s28, $0x1;
	[dreg:$0x2] =	wrdreg s2  }
0xa9: {  	[dreg:$0x3] =	wrdreg s4  }
0xaa: {  	[dreg:$0x4] =	wrdreg $0xC0  }
0xab: {  	_ =	task [dreg:s6], $0x5FFFF  }
0xac: {  	[dreg:$0x1] =	wrdreg $0xFFFFFFFF  }
0xad: {  	[dreg:$0x0] =	wrdreg $0x60  }
0xae: {  	[dreg:$0x2] =	wrdreg s24  }
0xaf: {  	[dreg:$0x3] =	wrdreg $0xA8000  }
0xb0: {  	[dreg:$0x4] =	wrdreg $0x9  }
0xb1: {  	_ =	task.clear_ibuf [dreg:s6], $0x5FFFF;
	_ =	strace $0x90000049  }
0xb2: {  	s29 =	simm.s32 $0x9;
	_ =	strace $0x8000004B  }
0xb3: {  	_ =	swait.ge [sflag:s29], $0x1  }
0xb4: {  	[sflag:s29] =	ssyncadd.s32 $0xFFFFFFFF  }
0xb5: {  	_ =	strace $0x9000004B  }
0xb6: {  	_ =	sfence  }
0xb7: {  	s30 =	sld [smem:$0x0];
	_ =	sdelay $0x2  }
0xb8: {  	s31 =	sshll.u32 s1, $0xD;
	s1 =	sshrl.u32 s1, $0x2  }
0xb9: {  	s3 =	sand.u32 $0x4000, s31;
	s1 =	sadd.s32 s1, s30  }
0xba: {  	s0 =	sor.u32 s3, s0;
	s1 =	sshll.u32 s1, $0x11  }
0xbb: {  	s0 =	sor.u32 s1, s0  }
0xbc: {  	s0 =	sadd.s32 $0x8F2B, s0  }
0xbd: {  	[sflag:s0] =	ssyncadd.remote.s32 $0x1  }
0xbe: {  	_ =	sfence.sel $0xFFFF  }
0xbf: {  	[dreg:$0x0] =	wrdreg $0xFFFFFFFF;
	(pc) =	sbr.abs _section_cstart, $3  }
0xc0: {  	[dreg:$0x1] =	wrdreg $0xFFFFFFFF  }
0xc1: {  	_ =	task.clear_ibuf [dreg:s6], $0x2FFFF;
	_ =	strace $0x9FFFFFFF  }
0xc2: {  	(tm) =	ssettm $0x7FFFFFFF  }
0xc3: {  	_ =	shalt  }
tec
execute0_lowered:
.L_overlay_start_1:
0x0: {  	(tag) =	ssettag $0x1  }
0x1: {  	s0 =	rddreg [dreg:$0x0]  }
0x2: {  	s1 =	rddreg [dreg:$0x1];
	s2 =	srdreg.scid  }
0x3: {  	s3 =	simm.s32 $0x0;
	s17 =	simm.s32 $0x3;
	s5 =	sand.u32 $0x1, s2  }
0x4: {  	s19 =	simm.s32 $0x1400;
	s2 =	stileid.u32;
	s6 =	smul.u32 $0x28000, s5  }
0x5: {  	s31 =	simm.s32 $0x0;
	[smem:$0x7FF] =	sst s3;
	s7 =	smul.u32 $0x50000, s2  }
0x6: {  	s4 =	sadd.s32 $0x65A00, s0;
	s11 =	sadd.s32 $0x1A00, s0;
	s24 =	smul.u32 $0x2800, s2  }
0x7: {  	s15 =	sadd.s32 $0x12C000, s1;
	s23 =	sadd.s32 $0x8B200, s0;
	s9 =	smul.u32 $0x500, s5  }
0x8: {  	_ =	strace $0x8000004A;
	s8 =	ssub.s32 $0x2, s5;
	s10 =	smul.u32 $0x50, s2  }
0x9: {  	[dreg:$0x4] =	wrdreg s23;
	p0 =	seq.s32 s2, $0xF;
	s23 =	simm.s32 $0x1  }
0xa: {  	s20 =	sshrl.u32 s8, $0x1;
	s16 =	sshll.u32 @!p0 s2, $0x6;
	s7 =	sshrl.u32 s7, $0x2  }
0xb: {  	s13 =	sadd.s32 s6, s0;
	s14 =	ssub.s32 s8, s20;
	s21 =	sadd.s32 s4, s24  }
0xc: {  	s22 =	sadd.s32 s10, s9;
	s12 =	ssub.s32 $0x4E2, s10;
	s9 =	sadd.s32 $0xBA00, s0  }
0xd: {  	s20 =	simm.s32 $0x80;
	s5 =	sadd.s32 s7, s1;
	[dreg:$0x3] =	wrdreg s21  }
0xe: {  	s18 =	sshll.u32 s22, $0x4;
	s28 =	smin.u32 s12, $0x50;
	s29 =	sadd.s32 $0x8CC00, s13  }
0xf: {  	s30 =	smax.u32 s14, $0x1;
	s14 =	sshrl.u32 @p0 s15, $0x3;
	s15 =	sor.u32 @!p0 $0x1C03, s16  }
0x10: {  	s21 =	simm.s32 $0x2800;
	s22 =	simm.s32 $0x6800;
	s25 =	sadd.s32 s11, s18  }
0x11: {  	s10 =	sadd.s32 $0x280, s18;
	s12 =	sadd.s32 $0xFFFFFFD8, s28;
	[dreg:$0x7] =	wrdreg s30  }
0x12: {  	s13 =	smov.u32 s5;
	s16 =	sshrl.u32 @!p0 s5, $0x3;
	s18 =	sadd.s32 s18, s9  }
0x13: {  	s24 =	sadd.s32 s24, s29;
	[dreg:$0x5] =	wrdreg s25;
	s26 =	sadd.s32 s11, s10  }
0x14: {  	s25 =	simm.s32 $0x4;
	[dreg:$0x6] =	wrdreg s26;
	s26 =	simm.s32 $0x2  }
.LBB2_1:
0x15: {  	s0 =	simm.s32 @p0 $0x1FC3;
	s2 =	rddreg [dreg:$0x4]  }
0x16: {  	[spmem:s14], [sflag:s0] =	dma.local @p0 [hbm:s2], $0x1900  }
0x17: {  	s0 =	simm.s32 @p0 $0x3  }
0x18: {  	_ =	swait.ge @p0 [sflag:s0], $0x1900  }
0x19: {  	[sflag:s0] =	ssyncset.done @p0 $0x0  }
0x1a: {  	[sflag:s0] =	ssyncadd.s32 @p0 $0xFFFFE700;
	s0 =	rddreg [dreg:$0x3]  }
0x1b: {  	[spmem:s16], [sflag:s15] =	dma.local @!p0 [hbm:s0], $0x2800  }
0x1c: {  	s0 =	simm.s32 @!p0 $0x3  }
0x1d: {  	_ =	swait.ge @!p0 [sflag:s0], $0x2800  }
0x1e: {  	[sflag:s0] =	ssyncset.done @!p0 $0x0  }
0x1f: {  	s7 =	rddreg [dreg:$0x5];
	[sflag:s0] =	ssyncadd.s32 @!p0 $0xFFFFD800  }
0x20: {  	[tilespmem:s3], [sflag:$0x3] =	stream.linear.gather [hbm4b:s7+s3], $0x1400, $0x38;
	[tilespmem:$0x1E800] =	vst v63  }
0x21: {  	_ =	swait.ge [sflag:s17], $0x1400  }
0x22: {  	[sflag:s17] =	ssyncset.done $0x0  }
0x23: {  	[sflag:s17] =	ssyncadd.s32 $0xFFFFEC00  }
0x24: {  	[tilespmem:s19], [sflag:$0x3] =	stream.linear.gather [hbm4b:s18+s3], $0x1400, $0x38;
	[tilespmem:$0x1E800] =	vst v63  }
0x25: {  	_ =	swait.ge [sflag:s17], $0x1400  }
0x26: {  	[sflag:s17] =	ssyncset.done $0x0  }
0x27: {  	[sflag:s17] =	ssyncadd.s32 $0xFFFFEC00  }
0x28: {  	[tilespmem:s21], [sflag:$0x1] =	stream.indirect.gather [hbm4b:s4+s20], $0x80, s3, s20, $0xb8;
	[tilespmem:$0x1E800] =	vst v63  }
0x29: {  	s8 =	simm.s32 $0x80;
	[bflag:$0x0] =	sbarrier.arrive $0xFFFF  }
0x2a: {  	[tilespmem:s22], [sflag:$0x2] =	stream.indirect.gather [hbm4b:s4+s20], $0x80, s8, s20, $0xb8;
	[tilespmem:$0x1E800] =	vst v63  }
0x2b: {  	_ =	swait.ge [sflag:s23], $0x4000  }
0x2c: {  	[sflag:s23] =	ssyncset.done $0x0  }
0x2d: {  	s11 =	simm.s32 $0x1400;
	[sflag:s23] =	ssyncadd.s32 $0xFFFFC000  }
0x2e: {  	[spmem:s1] =	stream.indirect.scatter.add.f32 [tilespmem:s21], [sflag:$0x4], $0x80, s11, s20, $0xb8;
	[tilespmem:$0x1E800] =	vst v63  }
0x2f: {  	_ =	swait.ge [sflag:s25], $0x4000  }
0x30: {  	[sflag:s25] =	ssyncset.done $0x0  }
0x31: {  	s29 =	simm.s32 $0x100;
	[sflag:s25] =	ssyncadd.s32 $0xFFFFC000  }
0x32: {  	[tilespmem:s21], [sflag:$0x1] =	stream.indirect.gather [hbm4b:s4+s20], $0x80, s29, s20, $0xb8;
	[tilespmem:$0x1E800] =	vst v63  }
0x33: {  	_ =	swait.ge [sflag:s26], $0x4000  }
0x34: {  	[sflag:s26] =	ssyncset.done $0x0  }
0x35: {  	s30 =	simm.s32 $0x1480;
	[sflag:s26] =	ssyncadd.s32 $0xFFFFC000  }
0x36: {  	[spmem:s1] =	stream.indirect.scatter.add.f32 [tilespmem:s22], [sflag:$0x3], $0x80, s30, s20, $0xb8;
	[tilespmem:$0x1E800] =	vst v63  }
0x37: {  	_ =	swait.ge [sflag:s17], $0x4000  }
0x38: {  	s28 =	simm.s32 $0x800;
	s0 =	simm.s32 $0x100;
	[sflag:s17] =	ssyncset.done $0x0  }
.LBB2_2:
0x39: {  	s29 =	sadd.s32 $0x80, s0  }
0x3a: {  	[sflag:s17] =	ssyncadd.s32 $0xFFFFC000;
	s30 =	smov.u32 s28;
	s2 =	sadd.s32 $0x400, s28  }
0x3b: {  	[tilespmem:s22], [sflag:$0x2] =	stream.indirect.gather [hbm4b:s4+s20], $0x80, s29, s20, $0xb8;
	[tilespmem:$0x1E800] =	vst v63  }
0x3c: {  	p1 =	sne.s32 s28, $0x4800;
	_ =	swait.ge [sflag:s23], $0x4000  }
0x3d: {  	[sflag:s23] =	ssyncset.done $0x0  }
0x3e: {  	s28 =	sadd.s32 $0x1400, s0;
	[sflag:s23] =	ssyncadd.s32 $0xFFFFC000  }
0x3f: {  	[spmem:s1] =	stream.indirect.scatter.add.f32 [tilespmem:s21], [sflag:$0x4], $0x80, s28, s20, $0xb8;
	[tilespmem:$0x1E800] =	vst v63  }
0x40: {  	_ =	swait.ge [sflag:s25], $0x4000  }
0x41: {  	[sflag:s25] =	ssyncset.done $0x0  }
0x42: {  	s28 =	sadd.s32 $0x100, s0;
	[sflag:s25] =	ssyncadd.s32 $0xFFFFC000  }
0x43: {  	[tilespmem:s21], [sflag:$0x1] =	stream.indirect.gather [hbm4b:s4+s20], $0x80, s28, s20, $0xb8;
	[tilespmem:$0x1E800] =	vst v63  }
0x44: {  	_ =	swait.ge [sflag:s26], $0x4000  }
.Ltmp0:
0x45: {  	[sflag:s26] =	ssyncset.done $0x0;
	(pc) =	sbr.rel @p1 .LBB2_2-.Ltmp0, $4  }
0x46: {  	s0 =	sadd.s32 $0x1480, s0;
	[sflag:s26] =	ssyncadd.s32 $0xFFFFC000  }
0x47: {  	[spmem:s1] =	stream.indirect.scatter.add.f32 [tilespmem:s22], [sflag:$0x3], $0x80, s0, s20, $0xb8;
	[tilespmem:$0x1E800] =	vst v63  }
0x48: {  	_ =	swait.ge [sflag:s17], $0x4000  }
0x49: {  	s28 =	smov.u32 s2;
	s0 =	sshra.s32 s30, $0x2;
	[sflag:s17] =	ssyncset.done $0x0  }
0x4a: {  	s2 =	sadd.s32 $0x80, s0;
	[sflag:s17] =	ssyncadd.s32 $0xFFFFC000  }
0x4b: {  	[tilespmem:s22], [sflag:$0x2] =	stream.indirect.gather [hbm4b:s4+s20], $0x80, s2, s20, $0xb8;
	[tilespmem:$0x1E800] =	vst v63  }
0x4c: {  	_ =	swait.ge [sflag:s23], $0x4000  }
0x4d: {  	[sflag:s23] =	ssyncset.done $0x0  }
0x4e: {  	s6 =	sadd.s32 $0x1400, s0;
	[sflag:s23] =	ssyncadd.s32 $0xFFFFC000  }
0x4f: {  	[spmem:s1] =	stream.indirect.scatter.add.f32 [tilespmem:s21], [sflag:$0x4], $0x80, s6, s20, $0xb8;
	[tilespmem:$0x1E800] =	vst v63  }
0x50: {  	_ =	swait.ge [sflag:s25], $0x4000  }
0x51: {  	[sflag:s25] =	ssyncset.done $0x0  }
0x52: {  	s7 =	sadd.s32 $0x100, s0;
	[sflag:s25] =	ssyncadd.s32 $0xFFFFC000  }
0x53: {  	[tilespmem:s21], [sflag:$0x1] =	stream.indirect.gather [hbm4b:s4+s20], $0x80, s7, s20, $0xb8;
	[tilespmem:$0x1E800] =	vst v63  }
0x54: {  	_ =	swait.ge [sflag:s26], $0x4000  }
0x55: {  	[sflag:s26] =	ssyncset.done $0x0  }
0x56: {  	s8 =	sadd.s32 $0x1480, s0;
	[sflag:s26] =	ssyncadd.s32 $0xFFFFC000  }
0x57: {  	[spmem:s1] =	stream.indirect.scatter.add.f32 [tilespmem:s22], [sflag:$0x3], $0x80, s8, s20, $0xb8;
	[tilespmem:$0x1E800] =	vst v63  }
0x58: {  	_ =	swait.ge [sflag:s17], $0x4000  }
0x59: {  	[sflag:s17] =	ssyncset.done $0x0  }
0x5a: {  	s11 =	simm.s32 $0x1380;
	[sflag:s17] =	ssyncadd.s32 $0xFFFFC000  }
0x5b: {  	[tilespmem:s22], [sflag:$0x2] =	stream.indirect.gather [hbm4b:s4+s20], $0x80, s11, s20, $0xb8;
	[tilespmem:$0x1E800] =	vst v63  }
0x5c: {  	_ =	swait.ge [sflag:s23], $0x4000  }
0x5d: {  	[sflag:s23] =	ssyncset.done $0x0  }
0x5e: {  	s2 =	simm.s32 $0x2700;
	[sflag:s23] =	ssyncadd.s32 $0xFFFFC000  }
0x5f: {  	[spmem:s1] =	stream.indirect.scatter.add.f32 [tilespmem:s21], [sflag:$0x4], $0x80, s2, s20, $0xb8;
	[tilespmem:$0x1E800] =	vst v63  }
0x60: {  	_ =	swait.ge [sflag:s25], $0x4000  }
0x61: {  	[sflag:s25] =	ssyncset.done $0x0  }
0x62: {  	s5 =	simm.s32 $0x2;
	[sflag:s25] =	ssyncadd.s32 $0xFFFFC000  }
0x63: {  	_ =	swait.ge [sflag:s5], $0x4000  }
0x64: {  	[sflag:s5] =	ssyncset.done $0x0  }
0x65: {  	s6 =	simm.s32 $0x2780;
	[sflag:s5] =	ssyncadd.s32 $0xFFFFC000  }
0x66: {  	[spmem:s1] =	stream.indirect.scatter.add.f32 [tilespmem:s22], [sflag:$0x3], $0x80, s6, s20, $0xb8;
	[tilespmem:$0x1E800] =	vst v63  }
0x67: {  	_ =	swait.ge [sflag:s17], $0x4000  }
0x68: {  	[sflag:s17] =	ssyncset.done $0x0  }
0x69: {  	s7 =	simm.s32 $0x0;
	s8 =	rddreg [dreg:$0x6];
	[sflag:s17] =	ssyncadd.s32 $0xFFFFC000  }
0x6a: {  	[tilespmem:s7], [sflag:$0x3] =	stream.linear.gather [hbm4b:s8+s7], $0x1400, $0x38;
	[tilespmem:$0x1E800] =	vst v63  }
0x6b: {  	_ =	swait.ge [sflag:s17], $0x1400  }
0x6c: {  	[sflag:s17] =	ssyncset.done $0x0  }
0x6d: {  	s11 =	sadd.s32 s10, s9;
	[sflag:s17] =	ssyncadd.s32 $0xFFFFEC00  }
0x6e: {  	[tilespmem:s19], [sflag:$0x3] =	stream.linear.gather [hbm4b:s11+s7], $0x1400, $0x38;
	[tilespmem:$0x1E800] =	vst v63  }
0x6f: {  	_ =	swait.ge [sflag:s17], $0x1400  }
0x70: {  	p1 =	sle.u32 s12, $0x0;
	[sflag:s17] =	ssyncset.done $0x0  }
0x71: {  	s0 =	simm.s32 @!p1 $0x1;
	p1 =	por p1, p1;
	[sflag:s17] =	ssyncadd.s32 $0xFFFFEC00  }
0x72: {  	[tilespmem:s21], [sflag:$0x1] =	stream.indirect.gather [hbm4b:s4+s20], $0x80, s7, s20, $0xb8;
	[tilespmem:$0x1E800] =	vst v63  }
0x73: {  	s28 =	simm.s32 @!p1 $0x80;
	s29 =	simm.s32 @!p1 $0x6800;
	s2 =	simm.s32 @!p1 $0x80  }
0x74: {  	[tilespmem:s29], [sflag:$0x2] =	stream.indirect.gather @!p1 [hbm4b:s4+s28], $0x80, s2, s28, $0xb8;
	[tilespmem:$0x1E800] =	vst v63  }
0x75: {  	_ =	swait.ge @!p1 [sflag:s0], $0x4000  }
0x76: {  	p2 =	sle.u32 @!p1 s12, $0x2;
	s30 =	simm.s32 @!p1 $0x4;
	[sflag:s0] =	ssyncset.done @!p1 $0x0  }
0x77: {  	s2 =	simm.s32 @!p1 $0x1400;
	[sflag:s0] =	ssyncadd.s32 @!p1 $0xFFFFC000;
	s0 =	simm.s32 @!p1 $0x2800  }
0x78: {  	[spmem:s1] =	stream.indirect.scatter.add.f32 @!p1 [tilespmem:s0], [sflag:$0x4], $0x80, s2, s28, $0xb8;
	[tilespmem:$0x1E800] =	vst v63  }
0x79: {  	p2 =	por p2, p1;
	_ =	swait.ge @!p1 [sflag:s30], $0x4000  }
0x7a: {  	s6 =	simm.s32 @!p2 $0x80;
	s0 =	simm.s32 @!p1 $0x2;
	[sflag:s30] =	ssyncset.done @!p1 $0x0  }
0x7b: {  	s2 =	simm.s32 @!p2 $0x2800;
	[sflag:s30] =	ssyncadd.s32 @!p1 $0xFFFFC000;
	s30 =	simm.s32 @!p2 $0x100  }
0x7c: {  	[tilespmem:s2], [sflag:$0x1] =	stream.indirect.gather @!p2 [hbm4b:s4+s6], $0x80, s30, s6, $0xb8;
	[tilespmem:$0x1E800] =	vst v63  }
0x7d: {  	_ =	swait.ge @!p1 [sflag:s0], $0x4000  }
0x7e: {  	[sflag:s0] =	ssyncset.done @!p1 $0x0  }
0x7f: {  	s2 =	simm.s32 @!p1 $0x1480;
	s30 =	simm.s32 @!p1 $0x3;
	[sflag:s0] =	ssyncadd.s32 @!p1 $0xFFFFC000  }
0x80: {  	[spmem:s1] =	stream.indirect.scatter.add.f32 @!p1 [tilespmem:s29], [sflag:$0x3], $0x80, s2, s28, $0xb8;
	[tilespmem:$0x1E800] =	vst v63  }
0x81: {  	p3 =	sle.u32 s12, $0x2;
	s0 =	simm.s32 $0x400;
	_ =	swait.ge @!p1 [sflag:s30], $0x4000  }
0x82: {  	s29 =	simm.s32 $0x800;
	s28 =	simm.s32 $0x4;
	[sflag:s30] =	ssyncset.done @!p1 $0x0  }
.LBB2_4:
0x83: {  	s2 =	sshra.s32 @!p3 s0, $0x2;
	s6 =	simm.s32 @!p3 $0x1  }
0x84: {  	[sflag:s30] =	ssyncadd.s32 @!p1 $0xFFFFC000;
	s30 =	smov.u32 s29;
	p1 =	por p3, p3  }
0x85: {  	s7 =	sadd.s32 @!p1 $0x80, s2;
	s8 =	simm.s32 @!p1 $0x80;
	s5 =	simm.s32 @!p1 $0x6800  }
0x86: {  	[tilespmem:s5], [sflag:$0x2] =	stream.indirect.gather @!p1 [hbm4b:s4+s8], $0x80, s7, s8, $0xb8;
	[tilespmem:$0x1E800] =	vst v63  }
0x87: {  	s7 =	sadd.s32 @!p1 $0x1400, s2;
	s2 =	sadd.s32 @!p1 $0x1480, s2;
	_ =	swait.ge @!p1 [sflag:s6], $0x4000  }
0x88: {  	s29 =	sadd.s32 $0x400, s29;
	p2 =	sge.u32 @!p1 s28, s12;
	[sflag:s6] =	ssyncset.done @!p1 $0x0  }
0x89: {  	s11 =	simm.s32 @!p1 $0x4;
	[sflag:s6] =	ssyncadd.s32 @!p1 $0xFFFFC000;
	s6 =	simm.s32 @!p1 $0x2800  }
0x8a: {  	[spmem:s1] =	stream.indirect.scatter.add.f32 @!p1 [tilespmem:s6], [sflag:$0x4], $0x80, s7, s8, $0xb8;
	[tilespmem:$0x1E800] =	vst v63  }
0x8b: {  	p2 =	por p2, p1;
	s6 =	simm.s32 @!p1 $0x2;
	_ =	swait.ge @!p1 [sflag:s11], $0x4000  }
0x8c: {  	s0 =	sshra.s32 @!p2 s0, $0x2;
	s7 =	simm.s32 @!p2 $0x2800;
	[sflag:s11] =	ssyncset.done @!p1 $0x0  }
0x8d: {  	s0 =	sadd.s32 @!p2 $0x100, s0;
	[sflag:s11] =	ssyncadd.s32 @!p1 $0xFFFFC000;
	s11 =	simm.s32 @!p2 $0x80  }
0x8e: {  	[tilespmem:s7], [sflag:$0x1] =	stream.indirect.gather @!p2 [hbm4b:s4+s11], $0x80, s0, s11, $0xb8;
	[tilespmem:$0x1E800] =	vst v63  }
0x8f: {  	p2 =	sne.s32 s29, $0x5000;
	s0 =	smov.u32 s30;
	_ =	swait.ge @!p1 [sflag:s6], $0x4000  }
.Ltmp1:
0x90: {  	[sflag:s6] =	ssyncset.done @!p1 $0x0;
	(pc) =	sbr.rel @p2 .LBB2_4-.Ltmp1, $4  }
0x91: {  	s28 =	sadd.s32 $0x2, s28;
	s30 =	simm.s32 @!p1 $0x3;
	[sflag:s6] =	ssyncadd.s32 @!p1 $0xFFFFC000  }
0x92: {  	[spmem:s1] =	stream.indirect.scatter.add.f32 @!p1 [tilespmem:s5], [sflag:$0x3], $0x80, s2, s8, $0xb8;
	[tilespmem:$0x1E800] =	vst v63  }
0x93: {  	s2 =	sadd.s32 $0xFFFFFFFE, s28;
	_ =	swait.ge @!p1 [sflag:s30], $0x4000  }
0x94: {  	p3 =	sge.u32 s2, s12;
	[sflag:s30] =	ssyncset.done @!p1 $0x0  }
0x95: {  	s2 =	sshra.s32 @!p3 s0, $0x2  }
0x96: {  	s5 =	simm.s32 @!p3 $0x1;
	[sflag:s30] =	ssyncadd.s32 @!p1 $0xFFFFC000;
	p1 =	por p3, p3  }
0x97: {  	s6 =	sadd.s32 @!p1 $0x80, s2;
	s7 =	simm.s32 @!p1 $0x80;
	s8 =	simm.s32 @!p1 $0x6800  }
0x98: {  	[tilespmem:s8], [sflag:$0x2] =	stream.indirect.gather @!p1 [hbm4b:s4+s7], $0x80, s6, s7, $0xb8;
	[tilespmem:$0x1E800] =	vst v63  }
0x99: {  	p2 =	sge.u32 @!p1 s28, s12;
	_ =	swait.ge @!p1 [sflag:s5], $0x4000  }
0x9a: {  	s11 =	simm.s32 @!p1 $0x4;
	s6 =	sadd.s32 @!p1 $0x1400, s2;
	[sflag:s5] =	ssyncset.done @!p1 $0x0  }
0x9b: {  	p2 =	por p2, p1;
	[sflag:s5] =	ssyncadd.s32 @!p1 $0xFFFFC000;
	s5 =	simm.s32 @!p1 $0x2800  }
0x9c: {  	[spmem:s1] =	stream.indirect.scatter.add.f32 @!p1 [tilespmem:s5], [sflag:$0x4], $0x80, s6, s7, $0xb8;
	[tilespmem:$0x1E800] =	vst v63  }
0x9d: {  	s0 =	sshra.s32 @!p2 s0, $0x2;
	_ =	swait.ge @!p1 [sflag:s11], $0x4000  }
0x9e: {  	s0 =	sadd.s32 @!p2 $0x100, s0;
	s5 =	simm.s32 @!p1 $0x2;
	[sflag:s11] =	ssyncset.done @!p1 $0x0  }
0x9f: {  	s6 =	simm.s32 @!p2 $0x2800;
	[sflag:s11] =	ssyncadd.s32 @!p1 $0xFFFFC000;
	s11 =	simm.s32 @!p2 $0x80  }
0xa0: {  	[tilespmem:s6], [sflag:$0x1] =	stream.indirect.gather @!p2 [hbm4b:s4+s11], $0x80, s0, s11, $0xb8;
	[tilespmem:$0x1E800] =	vst v63  }
0xa1: {  	_ =	swait.ge @!p1 [sflag:s5], $0x4000  }
0xa2: {  	[sflag:s5] =	ssyncset.done @!p1 $0x0  }
0xa3: {  	s0 =	sadd.s32 @!p1 $0x1480, s2;
	s2 =	simm.s32 @!p1 $0x3;
	[sflag:s5] =	ssyncadd.s32 @!p1 $0xFFFFC000  }
0xa4: {  	[spmem:s1] =	stream.indirect.scatter.add.f32 @!p1 [tilespmem:s8], [sflag:$0x3], $0x80, s0, s7, $0xb8;
	[tilespmem:$0x1E800] =	vst v63  }
0xa5: {  	_ =	swait.ge @!p1 [sflag:s2], $0x4000  }
0xa6: {  	s28 =	stileid.u32;
	[sflag:s2] =	ssyncset.done @!p1 $0x0  }
0xa7: {  	s0 =	sshll.u32 s28, $0x6;
	[sflag:s2] =	ssyncadd.s32 @!p1 $0xFFFFC000  }
0xa8: {  	s29 =	sshrl.u32 s13, $0x3;
	s0 =	sor.u32 $0x1C03, s0;
	[bflag:$0x0] =	sbarrier.arrive $0xFFFF  }
0xa9: {  	[hbm:s24], [sflag:s0] =	dma.local [spmem:s29], $0x2800  }
0xaa: {  	_ =	swait.ge [sflag:s17], $0x2800  }
0xab: {  	s31 =	sadd.s32 $0x1, s31;
	s30 =	rddreg [dreg:$0x7]  }
0xac: {  	p1 =	sne.s32 s31, s30  }
.Ltmp2:
0xad: {  	_ = 	snop;
	(pc) =	sbr.rel @p1 .LBB2_1-.Ltmp2, $3  }
0xae: {  	_ =	sdelay $0x1  }
0xaf: {  	[sflag:s17] =	ssyncset.done $0x0  }
0xb0: {  	[sflag:s17] =	ssyncadd.s32 $0xFFFFD800  }
0xb1: {  	_ =	sfence.sel $0x180000  }
0xb2: {  	[bflag:$0x0] =	sbarrier.arrive $0xFFFF  }
0xb3: {  	_ =	strace $0x9000004A  }
0xb4: {  	s0 =	stileid.u32;
	[bflag:$0x2] =	sbarrier.arrive $0xFFFF  }
0xb5: {  	p0 =	sne.s32 s0, $0x0;
	s0 =	rddreg [dreg:$0x2]  }
0xb6: {  	s0 =	sadd.s32 @!p0 $0x100000, s0  }
0xb7: {  	[sflag:s0] =	ssyncadd.tile.s32 @!p0 $0x1;
	_ =	shalt  }
.Lfunc_end2:
_tile_overlayer_lowered:
.L_overlay_start_2:
0xb8: {  	(tag) =	ssettag $0x2  }
0xb9: {  	s0 =	rddreg [dreg:$0x0];
	s2 =	stileid.u32  }
0xba: {  	s1 =	rddreg [dreg:$0x1];
	p0 =	sne.s32 s2, $0x0  }
0xbb: {  	s3 =	rddreg [dreg:$0x2];
	[bflag:$0x3] =	sbarrier.arrive $0xFFFF;
	s2 =	simm.s32 @!p0 $0x1C03  }
0xbc: {  	[timem:s3], [sflag:s2] =	dma.local @!p0 [hbm:s0], s1  }
0xbd: {  	s0 =	simm.s32 @!p0 $0x3  }
0xbe: {  	_ =	swait.ge @!p0 [sflag:s0], s1  }
0xbf: {  	s1 =	ssub.s32 @!p0 $0x0, s1;
	[sflag:s0] =	ssyncset.done @!p0 $0x0  }
0xc0: {  	[sflag:s0] =	ssyncadd.s32 @!p0 s1  }
0xc1: {  	[bflag:$0x3] =	sbarrier.arrive $0xFFFF  }
0xc2: {  	_ =	shalt  }

// kernel: kernel.18.cloned.1.call-start
scs
__scs_entry_jumppad:
0x0: {  	(pc) =	sbr.rel $0x88, $3  }
0x1: {  	(tag) =	ssettag $0x0;
	lr =	simm.s32 $0x1  }
0x2: {  	[smem:$0x3F9A] =	sst lr;
	_ =	strace $0xD0000000  }
0x3: {  	_ = 	snop  }
0x4: {  	_ = 	snop  }
0x5: {  	_ = 	snop  }
0x6: {  	_ = 	snop  }
0x7: {  	_ = 	snop  }
__scs_overlays_trampoline_lowered:
0x8: {  	[smem:$0x3FA9] =	sst s0  }
0x9: {  	[smem:$0x3FAA] =	sst s1  }
0xa: {  	[smem:$0x3FAB] =	sst s2  }
0xb: {  	[smem:$0x3FAC] =	sst s3  }
0xc: {  	[smem:$0x3FAD] =	sst s4  }
0xd: {  	[smem:$0x3FAE] =	sst s5  }
0xe: {  	[smem:$0x3FAF] =	sst s6  }
0xf: {  	[smem:$0x3FB0] =	sst s7  }
0x10: {  	[smem:$0x3FB1] =	sst s8  }
0x11: {  	[smem:$0x3FB2] =	sst s9;
	s0 =	simm.s32 @!p0 $0x0  }
0x12: {  	s1 =	sld [smem:$0x3F98];
	s0 =	simm.s32 @p0 $0x1  }
0x13: {  	[smem:$0x3FB3] =	sst s0;
	s0 =	simm.s32 @!p1 $0x0  }
0x14: {  	s2 =	sld [smem:$0x3F97];
	s0 =	simm.s32 @p1 $0x1  }
0x15: {  	[smem:$0x3FB4] =	sst s0;
	s0 =	simm.s32 @!p2 $0x0  }
0x16: {  	s3 =	sld [smem:$0x3FDB];
	s0 =	simm.s32 @p2 $0x1  }
0x17: {  	s4 =	simm.s32 $0x1BF5;
	[smem:$0x3FB6] =	sst s0  }
0x18: {  	s0 =	sld [smem:$0x3F99];
	_ =	swait.ge [sflag:s4], $0x0  }
0x19: {  	s7 =	sld [smem:$0x3F9A]  }
0x1a: {  	s8 =	sadd.s32 $0xFFFFE003, lr  }
0x1b: {  	s9 =	sadd.s32 $0xFFFFFEF7, lr;
	s5 =	simm.s32 $0xFFFFFFFF;
	p2 =	slt.u32 s8, $0xFFFFF086  }
0x1c: {  	p1 =	slt.u32 s9, $0xF7A;
	s5 =	simm.s32 @!p2 $0x0  }
0x1d: {  	s5 =	simm.s32 @p1 $0x1;
	p0 =	seq.s32 s7, s2  }
0x1e: {  	s7 =	smul.u32 @!p0 $0xF7A, s2;
	p2 =	seq.s32 @!p0 s5, $0x0  }
0x1f: {  	s9 =	smul.u32 $0xF7A, s1;
	s8 =	simm.s32 @!p0 $0x1BF5;
	p2 =	por !p2, p0  }
0x20: {  	[sflag:s8] =	ssyncset.s32 @!p0 $0xFFFFF086;
	s6 =	sadd.s32 @!p0 s3, s7;
	s7 =	simm.s32 @!p0 $0x108  }
0x21: {  	s3 =	sadd.s32 s3, s9;
	s6 =	sadd.s32 @!p0 $0x88, s6;
	s7 =	simm.s32 @p2 $0x1082  }
0x22: {  	[simem:s7], [sflag:s8] =	dma.local @!p0 [hbm:s6], $0xF7A  }
0x23: {  	s9 =	sor.u32 $0xD0000000, s2;
	s6 =	simm.s32 $0x108;
	_ =	swait.ge @!p0 [sflag:s8], $0x0  }
0x24: {  	s3 =	sadd.s32 $0x88, s3;
	s6 =	simm.s32 @!p1 $0x1082;
	[sflag:s4] =	ssyncset.s32 $0xFFFFF086  }
0x25: {  	[simem:s6], [sflag:s4] =	dma.local [hbm:s3], $0xF7A  }
0x26: {  	[smem:$0x3F9A] =	sst s1;
	(tag) =	ssettag s2;
	_ =	strace s9  }
0x27: {  	s1 =	sld [smem:$0x3FAA]  }
0x28: {  	s2 =	sld [smem:$0x3FAB]  }
0x29: {  	s4 =	sld [smem:$0x3FAD]  }
0x2a: {  	p0 =	seq.s32 s5, $0x0;
	s5 =	sld [smem:$0x3FAE]  }
0x2b: {  	s6 =	sld [smem:$0x3FAF]  }
0x2c: {  	s7 =	sld [smem:$0x3FB0]  }
0x2d: {  	s3 =	simm.s32 $0x108;
	s8 =	sld [smem:$0x3FB1]  }
0x2e: {  	s3 =	simm.s32 @!p0 $0x1082;
	s9 =	sld [smem:$0x3FB2]  }
0x2f: {  	lr =	sadd.s32 s0, s3;
	s0 =	sld [smem:$0x3FA9]  }
0x30: {  	s3 =	sld [smem:$0x3FAC]  }
0x31: {  	[smem:$0x3FB5] =	sst s10  }
0x32: {  	s10 =	sld [smem:$0x3FB3];
	_ =	sdelay $0x3  }
0x33: {  	p0 =	seq.s32 s10, $0x1;
	s10 =	sld [smem:$0x3FB5];
	_ =	sdelay $0x3  }
0x34: {  	[smem:$0x3FB5] =	sst s10  }
0x35: {  	s10 =	sld [smem:$0x3FB4];
	_ =	sdelay $0x3  }
0x36: {  	p1 =	seq.s32 s10, $0x1;
	s10 =	sld [smem:$0x3FB5];
	_ =	sdelay $0x3  }
0x37: {  	[smem:$0x3FB5] =	sst s10  }
0x38: {  	s10 =	sld [smem:$0x3FB6]  }
0x39: {  	_ = 	snop;
	(pc) =	sbr.ind lr, $3  }
0x3a: {  	_ = 	snop  }
0x3b: {  	_ = 	snop  }
0x3c: {  	p2 =	seq.s32 s10, $0x1;
	s10 =	sld [smem:$0x3FB5]  }
0x3d: {  	_ =	shalt  }
0x3e: {  	_ =	shalt  }
0x3f: {  	_ =	shalt  }
0x40: {  	_ =	shalt  }
0x41: {  	_ =	shalt  }
0x42: {  	_ =	shalt  }
0x43: {  	_ =	shalt  }
0x44: {  	_ =	shalt  }
0x45: {  	_ =	shalt  }
0x46: {  	_ =	shalt  }
0x47: {  	_ =	shalt  }
0x48: {  	_ =	shalt  }
0x49: {  	_ =	shalt  }
0x4a: {  	_ =	shalt  }
0x4b: {  	_ =	shalt  }
0x4c: {  	_ =	shalt  }
0x4d: {  	_ =	shalt  }
0x4e: {  	_ =	shalt  }
0x4f: {  	_ =	shalt  }
0x50: {  	_ =	shalt  }
0x51: {  	_ =	shalt  }
0x52: {  	_ =	shalt  }
0x53: {  	_ =	shalt  }
0x54: {  	_ =	shalt  }
0x55: {  	_ =	shalt  }
0x56: {  	_ =	shalt  }
0x57: {  	_ =	shalt  }
0x58: {  	_ =	shalt  }
0x59: {  	_ =	shalt  }
0x5a: {  	_ =	shalt  }
0x5b: {  	_ =	shalt  }
0x5c: {  	_ =	shalt  }
0x5d: {  	_ =	shalt  }
0x5e: {  	_ =	shalt  }
0x5f: {  	_ =	shalt  }
0x60: {  	_ =	shalt  }
0x61: {  	_ =	shalt  }
0x62: {  	_ =	shalt  }
0x63: {  	_ =	shalt  }
0x64: {  	_ =	shalt  }
0x65: {  	_ =	shalt  }
0x66: {  	_ =	shalt  }
0x67: {  	_ =	shalt  }
0x68: {  	_ =	shalt  }
0x69: {  	_ =	shalt  }
0x6a: {  	_ =	shalt  }
0x6b: {  	_ =	shalt  }
0x6c: {  	_ =	shalt  }
0x6d: {  	_ =	shalt  }
0x6e: {  	_ =	shalt  }
0x6f: {  	_ =	shalt  }
0x70: {  	_ =	shalt  }
0x71: {  	_ =	shalt  }
0x72: {  	_ =	shalt  }
0x73: {  	_ =	shalt  }
0x74: {  	_ =	shalt  }
0x75: {  	_ =	shalt  }
0x76: {  	_ =	shalt  }
0x77: {  	_ =	shalt  }
0x78: {  	_ =	shalt  }
0x79: {  	_ =	shalt  }
0x7a: {  	_ =	shalt  }
0x7b: {  	_ =	shalt  }
0x7c: {  	_ =	shalt  }
0x7d: {  	_ =	shalt  }
0x7e: {  	_ =	shalt  }
0x7f: {  	_ =	shalt  }
0x80: {  	_ =	shalt  }
0x81: {  	_ =	shalt  }
0x82: {  	_ =	shalt  }
0x83: {  	_ =	shalt  }
0x84: {  	_ =	shalt  }
0x85: {  	_ =	shalt  }
0x86: {  	_ =	shalt  }
0x87: {  	_ =	shalt  }
.Lfunc_end0:
.L_simem_size_0:
called_computation.2_lowered:
.L_overlay_start_0:
0x88: {  	s2 =	sld [smem:$0x3FD9]  }
0x89: {  	s3 =	sld [smem:$0x3FFE];
	_ =	sdelay $0x1  }
0x8a: {  	s1 =	srdreg.scid  }
0x8b: {  	s0 =	sand.u32 $0x1, s1  }
0x8c: {  	s16 =	sshll.u32 s0, $0xA;
	s2 =	sadd.s32 s3, s2  }
0x8d: {  	s2 =	sadd.s32 s2, s16  }
0x8e: {  	[smem:$0x3FC1] =	sst s2  }
0x8f: {  	_ = 	snop  }
0x90: {  	(tm) =	ssettm $0x1  }
0x91: {  	s17 =	sld [smem:$0x3FFB];
	_ =	sdelay $0x3  }
0x92: {  	_ =	strace s17  }
0x93: {  	s2 =	sld [smem:$0x3FFC];
	_ =	sdelay $0x3  }
0x94: {  	_ =	strace s2  }
0x95: {  	s2 =	sld [smem:$0x3FFD];
	_ =	sdelay $0x3  }
0x96: {  	_ =	strace s2  }
0x97: {  	_ =	strace $0x8FFFFFFF  }
0x98: {  	s18 =	sld [smem:$0x3FDB];
	_ =	sdelay $0x1  }
0x99: {  	s19 =	simm.s32 $_scs_section_size  }
0x9a: {  	s4 =	simm.s32 $_size__tile_overlayer_lowered;
	s5 =	simm.s32 $_tile_overlayer_lowered  }
0x9b: {  	s22 =	simm.s32 $0x1BFF;
	s21 =	sshll.u32 s5, $0x1;
	s2 =	sadd.s32 s19, s18  }
0x9c: {  	s6 =	simm.s32 $0x0;
	s20 =	sshll.u32 s4, $0x1;
	s4 =	sadd.s32 s21, s2  }
0x9d: {  	[timem:s6], [sflag:s22] =	dma.local [hbm:s4], s20  }
0x9e: {  	_ =	swait.ge [sflag:s22], s20  }
0x9f: {  	s3 =	ssub.s32 $0x0, s20;
	[sflag:s22] =	ssyncset.done $0x0  }
0xa0: {  	[sflag:s22] =	ssyncadd.s32 s3;
	_ =	sdelay $0x1  }
0xa1: {  	s23 =	simm.s32 $0x1B8B  }
0xa2: {  	_ =	swait.ge [sflag:s23], $0x1  }
0xa3: {  	[sflag:s23] =	ssyncset.done $0x0  }
0xa4: {  	s25 =	simm.s32 $0x1B8E;
	s24 =	sld [smem:$0x3FFE];
	[sflag:s23] =	ssyncadd.s32 $0xFFFFFFFF  }
0xa5: {  	s26 =	simm.s32 $execute0_lowered;
	[smem:$0x3FD2] =	sst s25  }
0xa6: {  	s4 =	sshll.u32 s26, $0x1;
	_ =	strace $0x8000004C;
	[dreg:$0x1] =	wrdreg $0xFFFFFFFF  }
0xa7: {  	s28 =	simm.s32 $_size_execute0_lowered;
	s2 =	sadd.s32 s2, s4;
	[dreg:$0x0] =	wrdreg $0x0  }
0xa8: {  	s4 =	sshll.u32 s28, $0x1;
	[dreg:$0x2] =	wrdreg s2  }
0xa9: {  	[dreg:$0x3] =	wrdreg s4  }
0xaa: {  	[dreg:$0x4] =	wrdreg $0xC0  }
0xab: {  	_ =	task [dreg:s6], $0x5FFFF  }
0xac: {  	[dreg:$0x1] =	wrdreg $0xFFFFFFFF  }
0xad: {  	[dreg:$0x0] =	wrdreg $0x60  }
0xae: {  	[dreg:$0x2] =	wrdreg s24  }
0xaf: {  	[dreg:$0x3] =	wrdreg $0x90000  }
0xb0: {  	[dreg:$0x4] =	wrdreg $0x9  }
0xb1: {  	_ =	task.clear_ibuf [dreg:s6], $0x5FFFF;
	_ =	strace $0x9000004C  }
0xb2: {  	s29 =	simm.s32 $0x9;
	_ =	strace $0x8000004E  }
0xb3: {  	_ =	swait.ge [sflag:s29], $0x1  }
0xb4: {  	[sflag:s29] =	ssyncadd.s32 $0xFFFFFFFF  }
0xb5: {  	_ =	strace $0x9000004E  }
0xb6: {  	_ =	sfence  }
0xb7: {  	s30 =	sld [smem:$0x0];
	_ =	sdelay $0x2  }
0xb8: {  	s31 =	sshll.u32 s1, $0xD;
	s1 =	sshrl.u32 s1, $0x2  }
0xb9: {  	s3 =	sand.u32 $0x4000, s31;
	s1 =	sadd.s32 s1, s30  }
0xba: {  	s0 =	sor.u32 s3, s0;
	s1 =	sshll.u32 s1, $0x11  }
0xbb: {  	s0 =	sor.u32 s1, s0  }
0xbc: {  	s0 =	sadd.s32 $0x8F2B, s0  }
0xbd: {  	[sflag:s0] =	ssyncadd.remote.s32 $0x1  }
0xbe: {  	_ =	sfence.sel $0xFFFF  }
0xbf: {  	[dreg:$0x0] =	wrdreg $0xFFFFFFFF;
	(pc) =	sbr.abs _section_cstart, $3  }
0xc0: {  	[dreg:$0x1] =	wrdreg $0xFFFFFFFF  }
0xc1: {  	_ =	task.clear_ibuf [dreg:s6], $0x2FFFF;
	_ =	strace $0x9FFFFFFF  }
0xc2: {  	(tm) =	ssettm $0x7FFFFFFF  }
0xc3: {  	_ =	shalt  }
tec
execute0_lowered:
.L_overlay_start_1:
0x0: {  	(tag) =	ssettag $0x1  }
0x1: {  	s10 =	rddreg [dreg:$0x0]  }
0x2: {  	s2 =	rddreg [dreg:$0x1]  }
0x3: {  	s0 =	rddreg [dreg:$0x2]  }
0x4: {  	s4 =	srdreg.scid;
	s1 =	stileid.u32  }
0x5: {  	s3 =	simm.s32 $0x0;
	s14 =	simm.s32 $0x3;
	s17 =	simm.s32 $0x80  }
0x6: {  	s18 =	simm.s32 $0x5000;
	s5 =	sand.u32 $0x1, s4;
	s7 =	smul.u32 $0x50, s1  }
0x7: {  	[smem:$0x7FF] =	sst s3;
	s4 =	sadd.s32 $0x65A00, s10;
	s29 =	smul.u32 $0xA000, s1  }
0x8: {  	s13 =	sadd.s32 $0x96000, s2;
	s16 =	sadd.s32 $0xBA00, s10;
	s6 =	smul.u32 $0x500, s5  }
0x9: {  	p0 =	seq.s32 s1, $0xF;
	s8 =	smul.u32 $0x14000, s5;
	s5 =	ssub.s32 $0x2, s5  }
0xa: {  	_ =	strace $0x8000004D;
	s30 =	sshrl.u32 s5, $0x1;
	s19 =	sshrl.u32 s29, $0x3  }
0xb: {  	s31 =	ssub.s32 $0x4E2, s7;
	s6 =	sadd.s32 s7, s6;
	s11 =	sadd.s32 s8, s10  }
0xc: {  	s12 =	ssub.s32 s5, s30;
	s5 =	sadd.s32 s29, s2;
	s7 =	sadd.s32 $0x78600, s10  }
0xd: {  	s8 =	smin.u32 s31, $0x50;
	s15 =	sshll.u32 s6, $0x4;
	s6 =	sadd.s32 s4, s19  }
0xe: {  	s20 =	sadd.s32 $0x79400, s11;
	s11 =	sshrl.u32 @p0 s13, $0x3;
	s13 =	sshrl.u32 @!p0 s5, $0x3  }
0xf: {  	s9 =	sadd.s32 s15, s10;
	s10 =	smax.u32 s12, $0x1;
	s12 =	sshll.u32 @!p0 s1, $0x6  }
0x10: {  	s15 =	sadd.s32 s15, s16;
	s16 =	simm.s32 $0x2800;
	s19 =	sadd.s32 s19, s20  }
0x11: {  	s20 =	simm.s32 $0x0;
	s9 =	sadd.s32 $0x1A00, s9;
	s12 =	sor.u32 @!p0 $0x1C03, s12  }
.LBB2_1:
0x12: {  	s21 =	simm.s32 @p0 $0x1FC3  }
0x13: {  	[spmem:s11], [sflag:s21] =	dma.local @p0 [hbm:s7], $0xC80  }
0x14: {  	s21 =	simm.s32 @p0 $0x3  }
0x15: {  	_ =	swait.ge @p0 [sflag:s21], $0xC80  }
0x16: {  	[sflag:s21] =	ssyncset.done @p0 $0x0  }
0x17: {  	[sflag:s21] =	ssyncadd.s32 @p0 $0xFFFFF380;
	s21 =	simm.s32 @!p0 $0x3  }
0x18: {  	[spmem:s13], [sflag:s12] =	dma.local @!p0 [hbm:s6], $0x1400  }
0x19: {  	_ =	swait.ge @!p0 [sflag:s21], $0x1400  }
0x1a: {  	[sflag:s21] =	ssyncset.done @!p0 $0x0  }
0x1b: {  	[sflag:s21] =	ssyncadd.s32 @!p0 $0xFFFFEC00  }
0x1c: {  	[tilespmem:s3], [sflag:$0x3] =	stream.linear.gather [hbm4b:s9+s3], $0x2800, $0x38;
	[tilespmem:$0x13000] =	vst v63  }
0x1d: {  	_ =	swait.ge [sflag:s14], $0x2800  }
0x1e: {  	[sflag:s14] =	ssyncset.done $0x0  }
0x1f: {  	[sflag:s14] =	ssyncadd.s32 $0xFFFFD800  }
0x20: {  	[tilespmem:s16], [sflag:$0x3] =	stream.linear.gather [hbm4b:s15+s3], $0x2800, $0x38;
	[tilespmem:$0x13000] =	vst v63  }
0x21: {  	p1 =	sle.u32 s8, $0x0;
	_ =	swait.ge [sflag:s14], $0x2800  }
0x22: {  	s21 =	simm.s32 @!p1 $0x1;
	p1 =	por p1, p1;
	[sflag:s14] =	ssyncset.done $0x0  }
0x23: {  	s22 =	simm.s32 @!p1 $0x80;
	[sflag:s14] =	ssyncadd.s32 $0xFFFFD800  }
0x24: {  	[tilespmem:s18], [sflag:$0x1] =	stream.indirect.gather [hbm4b:s4+s17], $0x40, s3, s17, $0xb8;
	[tilespmem:$0x13000] =	vst v63  }
0x25: {  	s23 =	simm.s32 @!p1 $0x80;
	s25 =	simm.s32 @!p1 $0x7000;
	[bflag:$0x0] =	sbarrier.arrive $0xFFFF  }
0x26: {  	[tilespmem:s25], [sflag:$0x2] =	stream.indirect.gather @!p1 [hbm4b:s4+s23], $0x40, s22, s23, $0xb8;
	[tilespmem:$0x13000] =	vst v63  }
0x27: {  	_ =	swait.ge @!p1 [sflag:s21], $0x2000  }
0x28: {  	p2 =	sle.u32 @!p1 s8, $0x2;
	s24 =	simm.s32 @!p1 $0x4;
	[sflag:s21] =	ssyncset.done @!p1 $0x0  }
0x29: {  	s22 =	simm.s32 @!p1 $0x2800;
	[sflag:s21] =	ssyncadd.s32 @!p1 $0xFFFFE000;
	s21 =	simm.s32 @!p1 $0x5000  }
0x2a: {  	[spmem:s2] =	stream.indirect.scatter.add.f32 @!p1 [tilespmem:s21], [sflag:$0x4], $0x40, s22, s23, $0xb8;
	[tilespmem:$0x13000] =	vst v63  }
0x2b: {  	p2 =	por p2, p1;
	_ =	swait.ge @!p1 [sflag:s24], $0x2000  }
0x2c: {  	s26 =	simm.s32 @!p2 $0x80;
	s21 =	simm.s32 @!p1 $0x2;
	[sflag:s24] =	ssyncset.done @!p1 $0x0  }
0x2d: {  	s22 =	simm.s32 @!p2 $0x5000;
	[sflag:s24] =	ssyncadd.s32 @!p1 $0xFFFFE000;
	s24 =	simm.s32 @!p2 $0x100  }
0x2e: {  	[tilespmem:s22], [sflag:$0x1] =	stream.indirect.gather @!p2 [hbm4b:s4+s26], $0x40, s24, s26, $0xb8;
	[tilespmem:$0x13000] =	vst v63  }
0x2f: {  	_ =	swait.ge @!p1 [sflag:s21], $0x2000  }
0x30: {  	[sflag:s21] =	ssyncset.done @!p1 $0x0  }
0x31: {  	s22 =	simm.s32 @!p1 $0x2880;
	s24 =	simm.s32 @!p1 $0x3;
	[sflag:s21] =	ssyncadd.s32 @!p1 $0xFFFFE000  }
0x32: {  	[spmem:s2] =	stream.indirect.scatter.add.f32 @!p1 [tilespmem:s25], [sflag:$0x3], $0x40, s22, s23, $0xb8;
	[tilespmem:$0x13000] =	vst v63  }
0x33: {  	p3 =	sle.u32 s8, $0x2;
	s21 =	simm.s32 $0x400;
	_ =	swait.ge @!p1 [sflag:s24], $0x2000  }
0x34: {  	s23 =	simm.s32 $0x800;
	s22 =	simm.s32 $0x4;
	[sflag:s24] =	ssyncset.done @!p1 $0x0  }
.LBB2_2:
0x35: {  	s25 =	sshra.s32 @!p3 s21, $0x2;
	s26 =	simm.s32 @!p3 $0x1  }
0x36: {  	[sflag:s24] =	ssyncadd.s32 @!p1 $0xFFFFE000;
	s24 =	smov.u32 s23;
	p1 =	por p3, p3  }
0x37: {  	s28 =	sadd.s32 @!p1 $0x80, s25;
	s29 =	simm.s32 @!p1 $0x80;
	s30 =	simm.s32 @!p1 $0x7000  }
0x38: {  	[tilespmem:s30], [sflag:$0x2] =	stream.indirect.gather @!p1 [hbm4b:s4+s29], $0x40, s28, s29, $0xb8;
	[tilespmem:$0x13000] =	vst v63  }
0x39: {  	s28 =	sadd.s32 @!p1 $0x2800, s25;
	s25 =	sadd.s32 @!p1 $0x2880, s25;
	_ =	swait.ge @!p1 [sflag:s26], $0x2000  }
0x3a: {  	s23 =	sadd.s32 $0x400, s23;
	p2 =	sge.u32 @!p1 s22, s8;
	[sflag:s26] =	ssyncset.done @!p1 $0x0  }
0x3b: {  	s31 =	simm.s32 @!p1 $0x4;
	[sflag:s26] =	ssyncadd.s32 @!p1 $0xFFFFE000;
	s26 =	simm.s32 @!p1 $0x5000  }
0x3c: {  	[spmem:s2] =	stream.indirect.scatter.add.f32 @!p1 [tilespmem:s26], [sflag:$0x4], $0x40, s28, s29, $0xb8;
	[tilespmem:$0x13000] =	vst v63  }
0x3d: {  	p2 =	por p2, p1;
	s26 =	simm.s32 @!p1 $0x2;
	_ =	swait.ge @!p1 [sflag:s31], $0x2000  }
0x3e: {  	s21 =	sshra.s32 @!p2 s21, $0x2;
	s28 =	simm.s32 @!p2 $0x5000;
	[sflag:s31] =	ssyncset.done @!p1 $0x0  }
0x3f: {  	s21 =	sadd.s32 @!p2 $0x100, s21;
	[sflag:s31] =	ssyncadd.s32 @!p1 $0xFFFFE000;
	s31 =	simm.s32 @!p2 $0x80  }
0x40: {  	[tilespmem:s28], [sflag:$0x1] =	stream.indirect.gather @!p2 [hbm4b:s4+s31], $0x40, s21, s31, $0xb8;
	[tilespmem:$0x13000] =	vst v63  }
0x41: {  	p2 =	sne.s32 s23, $0xA000;
	s21 =	smov.u32 s24;
	_ =	swait.ge @!p1 [sflag:s26], $0x2000  }
.Ltmp0:
0x42: {  	[sflag:s26] =	ssyncset.done @!p1 $0x0;
	(pc) =	sbr.rel @p2 .LBB2_2-.Ltmp0, $4  }
0x43: {  	s22 =	sadd.s32 $0x2, s22;
	s24 =	simm.s32 @!p1 $0x3;
	[sflag:s26] =	ssyncadd.s32 @!p1 $0xFFFFE000  }
0x44: {  	[spmem:s2] =	stream.indirect.scatter.add.f32 @!p1 [tilespmem:s30], [sflag:$0x3], $0x40, s25, s29, $0xb8;
	[tilespmem:$0x13000] =	vst v63  }
0x45: {  	s25 =	sadd.s32 $0xFFFFFFFE, s22;
	_ =	swait.ge @!p1 [sflag:s24], $0x2000  }
0x46: {  	p3 =	sge.u32 s25, s8;
	[sflag:s24] =	ssyncset.done @!p1 $0x0  }
0x47: {  	s23 =	sshra.s32 @!p3 s21, $0x2  }
0x48: {  	s25 =	simm.s32 @!p3 $0x1;
	[sflag:s24] =	ssyncadd.s32 @!p1 $0xFFFFE000;
	p1 =	por p3, p3  }
0x49: {  	s24 =	sadd.s32 @!p1 $0x80, s23;
	s26 =	simm.s32 @!p1 $0x80;
	s28 =	simm.s32 @!p1 $0x7000  }
0x4a: {  	[tilespmem:s28], [sflag:$0x2] =	stream.indirect.gather @!p1 [hbm4b:s4+s26], $0x40, s24, s26, $0xb8;
	[tilespmem:$0x13000] =	vst v63  }
0x4b: {  	p2 =	sge.u32 @!p1 s22, s8;
	_ =	swait.ge @!p1 [sflag:s25], $0x2000  }
0x4c: {  	s22 =	simm.s32 @!p1 $0x5000;
	s24 =	sadd.s32 @!p1 $0x2800, s23;
	[sflag:s25] =	ssyncset.done @!p1 $0x0  }
0x4d: {  	p2 =	por p2, p1;
	[sflag:s25] =	ssyncadd.s32 @!p1 $0xFFFFE000;
	s25 =	simm.s32 @!p1 $0x4  }
0x4e: {  	[spmem:s2] =	stream.indirect.scatter.add.f32 @!p1 [tilespmem:s22], [sflag:$0x4], $0x40, s24, s26, $0xb8;
	[tilespmem:$0x13000] =	vst v63  }
0x4f: {  	s21 =	sshra.s32 @!p2 s21, $0x2;
	_ =	swait.ge @!p1 [sflag:s25], $0x2000  }
0x50: {  	s21 =	sadd.s32 @!p2 $0x100, s21;
	s22 =	simm.s32 @!p1 $0x2;
	[sflag:s25] =	ssyncset.done @!p1 $0x0  }
0x51: {  	s24 =	simm.s32 @!p2 $0x5000;
	[sflag:s25] =	ssyncadd.s32 @!p1 $0xFFFFE000;
	s25 =	simm.s32 @!p2 $0x80  }
0x52: {  	[tilespmem:s24], [sflag:$0x1] =	stream.indirect.gather @!p2 [hbm4b:s4+s25], $0x40, s21, s25, $0xb8;
	[tilespmem:$0x13000] =	vst v63  }
0x53: {  	_ =	swait.ge @!p1 [sflag:s22], $0x2000  }
0x54: {  	[sflag:s22] =	ssyncset.done @!p1 $0x0  }
0x55: {  	s21 =	sadd.s32 @!p1 $0x2880, s23;
	[sflag:s22] =	ssyncadd.s32 @!p1 $0xFFFFE000;
	s22 =	simm.s32 @!p1 $0x3  }
0x56: {  	[spmem:s2] =	stream.indirect.scatter.add.f32 @!p1 [tilespmem:s28], [sflag:$0x3], $0x40, s21, s26, $0xb8;
	[tilespmem:$0x13000] =	vst v63  }
0x57: {  	_ =	swait.ge @!p1 [sflag:s22], $0x2000  }
0x58: {  	s30 =	sshll.u32 s1, $0x6;
	s20 =	sadd.s32 $0x1, s20;
	[sflag:s22] =	ssyncset.done @!p1 $0x0  }
0x59: {  	s31 =	sshrl.u32 s5, $0x3;
	[sflag:s22] =	ssyncadd.s32 @!p1 $0xFFFFE000;
	p1 =	sne.s32 s20, s10  }
.Ltmp1:
0x5a: {  	s21 =	sor.u32 $0x1C03, s30;
	[bflag:$0x0] =	sbarrier.arrive $0xFFFF;
	(pc) =	sbr.rel @p1 .LBB2_1-.Ltmp1, $4  }
0x5b: {  	[hbm:s19], [sflag:s21] =	dma.local [spmem:s31], $0x1400  }
0x5c: {  	_ =	swait.ge [sflag:s14], $0x1400  }
0x5d: {  	[sflag:s14] =	ssyncset.done $0x0  }
0x5e: {  	[sflag:s14] =	ssyncadd.s32 $0xFFFFEC00  }
0x5f: {  	_ =	sfence.sel $0x180000  }
0x60: {  	[bflag:$0x0] =	sbarrier.arrive $0xFFFF  }
0x61: {  	p0 =	sne.s32 s1, $0x0;
	_ =	strace $0x9000004D  }
0x62: {  	s0 =	sadd.s32 @!p0 $0x100000, s0;
	[bflag:$0x2] =	sbarrier.arrive $0xFFFF  }
0x63: {  	[sflag:s0] =	ssyncadd.tile.s32 @!p0 $0x1;
	_ =	shalt  }
.Lfunc_end2:
_tile_overlayer_lowered:
.L_overlay_start_2:
0x64: {  	(tag) =	ssettag $0x2  }
0x65: {  	s0 =	rddreg [dreg:$0x0];
	s2 =	stileid.u32  }
0x66: {  	s1 =	rddreg [dreg:$0x1];
	p0 =	sne.s32 s2, $0x0  }
0x67: {  	s3 =	rddreg [dreg:$0x2];
	[bflag:$0x3] =	sbarrier.arrive $0xFFFF;
	s2 =	simm.s32 @!p0 $0x1C03  }
0x68: {  	[timem:s3], [sflag:s2] =	dma.local @!p0 [hbm:s0], s1  }
0x69: {  	s0 =	simm.s32 @!p0 $0x3  }
0x6a: {  	_ =	swait.ge @!p0 [sflag:s0], s1  }
0x6b: {  	s1 =	ssub.s32 @!p0 $0x0, s1;
	[sflag:s0] =	ssyncset.done @!p0 $0x0  }
0x6c: {  	[sflag:s0] =	ssyncadd.s32 @!p0 s1  }
0x6d: {  	[bflag:$0x3] =	sbarrier.arrive $0xFFFF  }
0x6e: {  	_ =	shalt  }

// kernel: kernel.21.cloned.1.call-start
scs
__scs_entry_jumppad:
0x0: {  	(pc) =	sbr.rel $0x88, $3  }
0x1: {  	(tag) =	ssettag $0x0;
	lr =	simm.s32 $0x1  }
0x2: {  	[smem:$0x3F9A] =	sst lr;
	_ =	strace $0xD0000000  }
0x3: {  	_ = 	snop  }
0x4: {  	_ = 	snop  }
0x5: {  	_ = 	snop  }
0x6: {  	_ = 	snop  }
0x7: {  	_ = 	snop  }
__scs_overlays_trampoline_lowered:
0x8: {  	[smem:$0x3FA9] =	sst s0  }
0x9: {  	[smem:$0x3FAA] =	sst s1  }
0xa: {  	[smem:$0x3FAB] =	sst s2  }
0xb: {  	[smem:$0x3FAC] =	sst s3  }
0xc: {  	[smem:$0x3FAD] =	sst s4  }
0xd: {  	[smem:$0x3FAE] =	sst s5  }
0xe: {  	[smem:$0x3FAF] =	sst s6  }
0xf: {  	[smem:$0x3FB0] =	sst s7  }
0x10: {  	[smem:$0x3FB1] =	sst s8  }
0x11: {  	[smem:$0x3FB2] =	sst s9;
	s0 =	simm.s32 @!p0 $0x0  }
0x12: {  	s1 =	sld [smem:$0x3F98];
	s0 =	simm.s32 @p0 $0x1  }
0x13: {  	[smem:$0x3FB3] =	sst s0;
	s0 =	simm.s32 @!p1 $0x0  }
0x14: {  	s2 =	sld [smem:$0x3F97];
	s0 =	simm.s32 @p1 $0x1  }
0x15: {  	[smem:$0x3FB4] =	sst s0;
	s0 =	simm.s32 @!p2 $0x0  }
0x16: {  	s3 =	sld [smem:$0x3FDB];
	s0 =	simm.s32 @p2 $0x1  }
0x17: {  	s4 =	simm.s32 $0x1BF5;
	[smem:$0x3FB6] =	sst s0  }
0x18: {  	s0 =	sld [smem:$0x3F99];
	_ =	swait.ge [sflag:s4], $0x0  }
0x19: {  	s7 =	sld [smem:$0x3F9A]  }
0x1a: {  	s8 =	sadd.s32 $0xFFFFE003, lr  }
0x1b: {  	s9 =	sadd.s32 $0xFFFFFEF7, lr;
	s5 =	simm.s32 $0xFFFFFFFF;
	p2 =	slt.u32 s8, $0xFFFFF086  }
0x1c: {  	p1 =	slt.u32 s9, $0xF7A;
	s5 =	simm.s32 @!p2 $0x0  }
0x1d: {  	s5 =	simm.s32 @p1 $0x1;
	p0 =	seq.s32 s7, s2  }
0x1e: {  	s7 =	smul.u32 @!p0 $0xF7A, s2;
	p2 =	seq.s32 @!p0 s5, $0x0  }
0x1f: {  	s9 =	smul.u32 $0xF7A, s1;
	s8 =	simm.s32 @!p0 $0x1BF5;
	p2 =	por !p2, p0  }
0x20: {  	[sflag:s8] =	ssyncset.s32 @!p0 $0xFFFFF086;
	s6 =	sadd.s32 @!p0 s3, s7;
	s7 =	simm.s32 @!p0 $0x108  }
0x21: {  	s3 =	sadd.s32 s3, s9;
	s6 =	sadd.s32 @!p0 $0x88, s6;
	s7 =	simm.s32 @p2 $0x1082  }
0x22: {  	[simem:s7], [sflag:s8] =	dma.local @!p0 [hbm:s6], $0xF7A  }
0x23: {  	s9 =	sor.u32 $0xD0000000, s2;
	s6 =	simm.s32 $0x108;
	_ =	swait.ge @!p0 [sflag:s8], $0x0  }
0x24: {  	s3 =	sadd.s32 $0x88, s3;
	s6 =	simm.s32 @!p1 $0x1082;
	[sflag:s4] =	ssyncset.s32 $0xFFFFF086  }
0x25: {  	[simem:s6], [sflag:s4] =	dma.local [hbm:s3], $0xF7A  }
0x26: {  	[smem:$0x3F9A] =	sst s1;
	(tag) =	ssettag s2;
	_ =	strace s9  }
0x27: {  	s1 =	sld [smem:$0x3FAA]  }
0x28: {  	s2 =	sld [smem:$0x3FAB]  }
0x29: {  	s4 =	sld [smem:$0x3FAD]  }
0x2a: {  	p0 =	seq.s32 s5, $0x0;
	s5 =	sld [smem:$0x3FAE]  }
0x2b: {  	s6 =	sld [smem:$0x3FAF]  }
0x2c: {  	s7 =	sld [smem:$0x3FB0]  }
0x2d: {  	s3 =	simm.s32 $0x108;
	s8 =	sld [smem:$0x3FB1]  }
0x2e: {  	s3 =	simm.s32 @!p0 $0x1082;
	s9 =	sld [smem:$0x3FB2]  }
0x2f: {  	lr =	sadd.s32 s0, s3;
	s0 =	sld [smem:$0x3FA9]  }
0x30: {  	s3 =	sld [smem:$0x3FAC]  }
0x31: {  	[smem:$0x3FB5] =	sst s10  }
0x32: {  	s10 =	sld [smem:$0x3FB3];
	_ =	sdelay $0x3  }
0x33: {  	p0 =	seq.s32 s10, $0x1;
	s10 =	sld [smem:$0x3FB5];
	_ =	sdelay $0x3  }
0x34: {  	[smem:$0x3FB5] =	sst s10  }
0x35: {  	s10 =	sld [smem:$0x3FB4];
	_ =	sdelay $0x3  }
0x36: {  	p1 =	seq.s32 s10, $0x1;
	s10 =	sld [smem:$0x3FB5];
	_ =	sdelay $0x3  }
0x37: {  	[smem:$0x3FB5] =	sst s10  }
0x38: {  	s10 =	sld [smem:$0x3FB6]  }
0x39: {  	_ = 	snop;
	(pc) =	sbr.ind lr, $3  }
0x3a: {  	_ = 	snop  }
0x3b: {  	_ = 	snop  }
0x3c: {  	p2 =	seq.s32 s10, $0x1;
	s10 =	sld [smem:$0x3FB5]  }
0x3d: {  	_ =	shalt  }
0x3e: {  	_ =	shalt  }
0x3f: {  	_ =	shalt  }
0x40: {  	_ =	shalt  }
0x41: {  	_ =	shalt  }
0x42: {  	_ =	shalt  }
0x43: {  	_ =	shalt  }
0x44: {  	_ =	shalt  }
0x45: {  	_ =	shalt  }
0x46: {  	_ =	shalt  }
0x47: {  	_ =	shalt  }
0x48: {  	_ =	shalt  }
0x49: {  	_ =	shalt  }
0x4a: {  	_ =	shalt  }
0x4b: {  	_ =	shalt  }
0x4c: {  	_ =	shalt  }
0x4d: {  	_ =	shalt  }
0x4e: {  	_ =	shalt  }
0x4f: {  	_ =	shalt  }
0x50: {  	_ =	shalt  }
0x51: {  	_ =	shalt  }
0x52: {  	_ =	shalt  }
0x53: {  	_ =	shalt  }
0x54: {  	_ =	shalt  }
0x55: {  	_ =	shalt  }
0x56: {  	_ =	shalt  }
0x57: {  	_ =	shalt  }
0x58: {  	_ =	shalt  }
0x59: {  	_ =	shalt  }
0x5a: {  	_ =	shalt  }
0x5b: {  	_ =	shalt  }
0x5c: {  	_ =	shalt  }
0x5d: {  	_ =	shalt  }
0x5e: {  	_ =	shalt  }
0x5f: {  	_ =	shalt  }
0x60: {  	_ =	shalt  }
0x61: {  	_ =	shalt  }
0x62: {  	_ =	shalt  }
0x63: {  	_ =	shalt  }
0x64: {  	_ =	shalt  }
0x65: {  	_ =	shalt  }
0x66: {  	_ =	shalt  }
0x67: {  	_ =	shalt  }
0x68: {  	_ =	shalt  }
0x69: {  	_ =	shalt  }
0x6a: {  	_ =	shalt  }
0x6b: {  	_ =	shalt  }
0x6c: {  	_ =	shalt  }
0x6d: {  	_ =	shalt  }
0x6e: {  	_ =	shalt  }
0x6f: {  	_ =	shalt  }
0x70: {  	_ =	shalt  }
0x71: {  	_ =	shalt  }
0x72: {  	_ =	shalt  }
0x73: {  	_ =	shalt  }
0x74: {  	_ =	shalt  }
0x75: {  	_ =	shalt  }
0x76: {  	_ =	shalt  }
0x77: {  	_ =	shalt  }
0x78: {  	_ =	shalt  }
0x79: {  	_ =	shalt  }
0x7a: {  	_ =	shalt  }
0x7b: {  	_ =	shalt  }
0x7c: {  	_ =	shalt  }
0x7d: {  	_ =	shalt  }
0x7e: {  	_ =	shalt  }
0x7f: {  	_ =	shalt  }
0x80: {  	_ =	shalt  }
0x81: {  	_ =	shalt  }
0x82: {  	_ =	shalt  }
0x83: {  	_ =	shalt  }
0x84: {  	_ =	shalt  }
0x85: {  	_ =	shalt  }
0x86: {  	_ =	shalt  }
0x87: {  	_ =	shalt  }
.Lfunc_end0:
.L_simem_size_0:
called_computation.3_lowered:
.L_overlay_start_0:
0x88: {  	s2 =	sld [smem:$0x3FD9]  }
0x89: {  	s3 =	sld [smem:$0x3FFE];
	_ =	sdelay $0x1  }
0x8a: {  	s1 =	srdreg.scid  }
0x8b: {  	s0 =	sand.u32 $0x1, s1  }
0x8c: {  	s16 =	sshll.u32 s0, $0xA;
	s2 =	sadd.s32 s3, s2  }
0x8d: {  	s2 =	sadd.s32 s2, s16  }
0x8e: {  	[smem:$0x3FC1] =	sst s2  }
0x8f: {  	_ = 	snop  }
0x90: {  	(tm) =	ssettm $0x1  }
0x91: {  	s17 =	sld [smem:$0x3FFB];
	_ =	sdelay $0x3  }
0x92: {  	_ =	strace s17  }
0x93: {  	s2 =	sld [smem:$0x3FFC];
	_ =	sdelay $0x3  }
0x94: {  	_ =	strace s2  }
0x95: {  	s2 =	sld [smem:$0x3FFD];
	_ =	sdelay $0x3  }
0x96: {  	_ =	strace s2  }
0x97: {  	_ =	strace $0x8FFFFFFF  }
0x98: {  	s18 =	sld [smem:$0x3FDB];
	_ =	sdelay $0x1  }
0x99: {  	s19 =	simm.s32 $_scs_section_size  }
0x9a: {  	s4 =	simm.s32 $_size__tile_overlayer_lowered;
	s5 =	simm.s32 $_tile_overlayer_lowered  }
0x9b: {  	s22 =	simm.s32 $0x1BFF;
	s21 =	sshll.u32 s5, $0x1;
	s2 =	sadd.s32 s19, s18  }
0x9c: {  	s6 =	simm.s32 $0x0;
	s20 =	sshll.u32 s4, $0x1;
	s4 =	sadd.s32 s21, s2  }
0x9d: {  	[timem:s6], [sflag:s22] =	dma.local [hbm:s4], s20  }
0x9e: {  	_ =	swait.ge [sflag:s22], s20  }
0x9f: {  	s3 =	ssub.s32 $0x0, s20;
	[sflag:s22] =	ssyncset.done $0x0  }
0xa0: {  	[sflag:s22] =	ssyncadd.s32 s3;
	_ =	sdelay $0x1  }
0xa1: {  	s23 =	simm.s32 $0x1B8B  }
0xa2: {  	_ =	swait.ge [sflag:s23], $0x1  }
0xa3: {  	[sflag:s23] =	ssyncset.done $0x0  }
0xa4: {  	s25 =	simm.s32 $0x1B8E;
	s24 =	sld [smem:$0x3FFE];
	[sflag:s23] =	ssyncadd.s32 $0xFFFFFFFF  }
0xa5: {  	s26 =	simm.s32 $execute0_lowered;
	[smem:$0x3FD2] =	sst s25  }
0xa6: {  	s4 =	sshll.u32 s26, $0x1;
	_ =	strace $0x8000004F;
	[dreg:$0x1] =	wrdreg $0xFFFFFFFF  }
0xa7: {  	s28 =	simm.s32 $_size_execute0_lowered;
	s2 =	sadd.s32 s2, s4;
	[dreg:$0x0] =	wrdreg $0x0  }
0xa8: {  	s4 =	sshll.u32 s28, $0x1;
	[dreg:$0x2] =	wrdreg s2  }
0xa9: {  	[dreg:$0x3] =	wrdreg s4  }
0xaa: {  	[dreg:$0x4] =	wrdreg $0xC0  }
0xab: {  	_ =	task [dreg:s6], $0x5FFFF  }
0xac: {  	[dreg:$0x1] =	wrdreg $0xFFFFFFFF  }
0xad: {  	[dreg:$0x0] =	wrdreg $0x60  }
0xae: {  	[dreg:$0x2] =	wrdreg s24  }
0xaf: {  	[dreg:$0x3] =	wrdreg $0x9  }
0xb0: {  	_ =	task.clear_ibuf [dreg:s6], $0x4FFFF;
	_ =	strace $0x9000004F  }
0xb1: {  	s29 =	simm.s32 $0x9;
	_ =	strace $0x80000051  }
0xb2: {  	_ =	swait.ge [sflag:s29], $0x1  }
0xb3: {  	[sflag:s29] =	ssyncadd.s32 $0xFFFFFFFF  }
0xb4: {  	_ =	strace $0x90000051  }
0xb5: {  	_ =	sfence  }
0xb6: {  	s30 =	sld [smem:$0x0];
	_ =	sdelay $0x2  }
0xb7: {  	s31 =	sshll.u32 s1, $0xD;
	s1 =	sshrl.u32 s1, $0x2  }
0xb8: {  	s3 =	sand.u32 $0x4000, s31;
	s1 =	sadd.s32 s1, s30  }
0xb9: {  	s0 =	sor.u32 s3, s0;
	s1 =	sshll.u32 s1, $0x11  }
0xba: {  	s0 =	sor.u32 s1, s0  }
0xbb: {  	s0 =	sadd.s32 $0x8F2B, s0  }
0xbc: {  	[sflag:s0] =	ssyncadd.remote.s32 $0x1  }
0xbd: {  	_ =	sfence.sel $0xFFFF  }
0xbe: {  	[dreg:$0x0] =	wrdreg $0xFFFFFFFF;
	(pc) =	sbr.abs _section_cstart, $3  }
0xbf: {  	[dreg:$0x1] =	wrdreg $0xFFFFFFFF  }
0xc0: {  	_ =	task.clear_ibuf [dreg:s6], $0x2FFFF;
	_ =	strace $0x9FFFFFFF  }
0xc1: {  	(tm) =	ssettm $0x7FFFFFFF  }
tec
execute0_lowered:
.L_overlay_start_1:
0x0: {  	(tag) =	ssettag $0x1  }
0x1: {  	s0 =	srdreg.scid;
	s4 =	rddreg [dreg:$0x0]  }
0x2: {  	s1 =	stileid.u32;
	s2 =	simm.s32 $0x0;
	s3 =	sand.u32 $0x1, s0  }
0x3: {  	s0 =	rddreg [dreg:$0x1];
	s31 =	smul.u32 $0xE000, s1;
	s5 =	sshll.u32 s3, $0x4  }
0x4: {  	s7 =	ssub.s32 $0x2, s3;
	s3 =	smul.u32 $0xE0000, s3;
	s8 =	sor.u32 s1, s5  }
0x5: {  	[smem:$0x7FF] =	sst s2;
	s5 =	smul.u32 $0x38, s8  }
0x6: {  	_ =	strace $0x80000050;
	s9 =	sshrl.u32 s7, $0x1;
	s6 =	smul.u32 $0x380, s8  }
0x7: {  	s7 =	ssub.s32 s7, s9;
	s10 =	sadd.s32 s3, s4;
	s5 =	ssub.s32 $0x640, s5  }
0x8: {  	s3 =	sadd.s32 $0x1A00, s4;
	s9 =	sadd.s32 s31, s10;
	p0 =	sgt.s32 s5, $0x0  }
0x9: {  	s6 =	sadd.s32 s6, s4;
	s5 =	simm.s32 @!p0 $0x0;
	p0 =	sgt.u32 s8, $0x1C  }
0xa: {  	s8 =	simm.s32 $0x3;
	s4 =	smin.u32 s5, $0x38;
	s5 =	sadd.s32 $0xA1400, s6  }
0xb: {  	s6 =	smax.u32 s7, $0x1;
	s7 =	sadd.s32 $0xA8400, s9;
	s9 =	simm.s32 $0x0  }
.LBB2_1:
0xc: {  	[tilespmem:s2], [sflag:$0x3] =	stream.linear.gather [hbm4b:s5+s2], $0x1C00, $0x38;
	[tilespmem:$0x5C00] =	vst v63  }
0xd: {  	s10 =	simm.s32 @!p0 $0x80;
	_ =	swait.ge [sflag:s8], $0x1C00  }
0xe: {  	s11 =	simm.s32 @!p0 $0x0;
	p1 =	sle.u32 s4, $0x0;
	[sflag:s8] =	ssyncset.done $0x0  }
0xf: {  	s12 =	simm.s32 @!p0 $0x1C00;
	s13 =	simm.s32 @!p1 $0x3C00;
	[sflag:s8] =	ssyncadd.s32 $0xFFFFE400  }
0x10: {  	[tilespmem:s12], [sflag:$0x1] =	stream.indirect.gather @!p0 [hbm4b:s3+s10], $0x40, s11, s10, $0xb8;
	[tilespmem:$0x5C00] =	vst v63  }
0x11: {  	s10 =	simm.s32 $0x80;
	s11 =	simm.s32 @!p1 $0x80;
	s12 =	simm.s32 @!p1 $0x1  }
0x12: {  	[tilespmem:s13], [sflag:$0x2] =	stream.indirect.gather @!p1 [hbm4b:s3+s11], $0x40, s10, s11, $0xb8;
	[tilespmem:$0x5C00] =	vst v63  }
0x13: {  	_ =	swait.ge @!p1 [sflag:s12], $0x2000  }
0x14: {  	p2 =	sle.u32 @!p1 s4, $0x2;
	s10 =	simm.s32 @!p1 $0x4;
	[sflag:s12] =	ssyncset.done @!p1 $0x0  }
0x15: {  	s11 =	simm.s32 @!p1 $0x0;
	[sflag:s12] =	ssyncadd.s32 @!p1 $0xFFFFE000;
	s12 =	simm.s32 @!p1 $0x1C00  }
0x16: {  	[hbm4b:s7+s11] =	stream.linear.scatter @!p1 [tilespmem:s12], [sflag:$0x4], $0x2000, $0x38;
	[tilespmem:$0x5C00] =	vst v63  }
0x17: {  	p2 =	por p2, p1;
	_ =	swait.ge @!p1 [sflag:s10], $0x2000  }
0x18: {  	s14 =	simm.s32 @!p1 $0x2;
	s15 =	simm.s32 @!p2 $0x80;
	[sflag:s10] =	ssyncset.done @!p1 $0x0  }
0x19: {  	s12 =	simm.s32 @!p2 $0x1C00;
	[sflag:s10] =	ssyncadd.s32 @!p1 $0xFFFFE000;
	s10 =	simm.s32 @!p2 $0x100  }
0x1a: {  	[tilespmem:s12], [sflag:$0x1] =	stream.indirect.gather @!p2 [hbm4b:s3+s15], $0x40, s10, s15, $0xb8;
	[tilespmem:$0x5C00] =	vst v63  }
0x1b: {  	_ =	swait.ge @!p1 [sflag:s14], $0x2000  }
0x1c: {  	s12 =	simm.s32 $0x4;
	[sflag:s14] =	ssyncset.done @!p1 $0x0  }
0x1d: {  	s10 =	sadd.s32 @!p1 $0x400, s7;
	[sflag:s14] =	ssyncadd.s32 @!p1 $0xFFFFE000;
	s14 =	simm.s32 @!p1 $0x3  }
0x1e: {  	[hbm4b:s10+s11] =	stream.linear.scatter @!p1 [tilespmem:s13], [sflag:$0x3], $0x2000, $0x38;
	[tilespmem:$0x5C00] =	vst v63  }
0x1f: {  	s15 =	simm.s32 $0x2;
	s13 =	simm.s32 $0x6;
	_ =	swait.ge @!p1 [sflag:s14], $0x2000  }
0x20: {  	s10 =	sadd.s32 $0x800, s7;
	s11 =	simm.s32 $0x180;
	[sflag:s14] =	ssyncset.done @!p1 $0x0  }
.LBB2_2:
0x21: {  	[sflag:s14] =	ssyncadd.s32 @!p1 $0xFFFFE000  }
0x22: {  	p1 =	sge.u32 s15, s4;
	s14 =	smov.u32 s13;
	s13 =	sadd.s32 $0x2, s13  }
0x23: {  	s15 =	simm.s32 @!p1 $0x80;
	s16 =	simm.s32 @!p1 $0x3C00;
	s17 =	simm.s32 @!p1 $0x1  }
0x24: {  	[tilespmem:s16], [sflag:$0x2] =	stream.indirect.gather @!p1 [hbm4b:s3+s15], $0x40, s11, s15, $0xb8;
	[tilespmem:$0x5C00] =	vst v63  }
0x25: {  	p2 =	sne.s32 s13, $0x3A;
	p3 =	sge.u32 @!p1 s12, s4;
	_ =	swait.ge @!p1 [sflag:s17], $0x2000  }
0x26: {  	s15 =	simm.s32 @!p1 $0x4;
	p3 =	por p3, p1;
	[sflag:s17] =	ssyncset.done @!p1 $0x0  }
0x27: {  	s12 =	simm.s32 @!p1 $0x1C00;
	[sflag:s17] =	ssyncadd.s32 @!p1 $0xFFFFE000;
	s17 =	simm.s32 @!p1 $0x0  }
0x28: {  	[hbm4b:s10+s17] =	stream.linear.scatter @!p1 [tilespmem:s12], [sflag:$0x4], $0x2000, $0x38;
	[tilespmem:$0x5C00] =	vst v63  }
0x29: {  	s12 =	smov.u32 s14;
	_ =	swait.ge @!p1 [sflag:s15], $0x2000  }
0x2a: {  	s18 =	simm.s32 @!p1 $0x2;
	s14 =	simm.s32 @!p3 $0x1C00;
	[sflag:s15] =	ssyncset.done @!p1 $0x0  }
0x2b: {  	s19 =	simm.s32 @!p3 $0x80;
	[sflag:s15] =	ssyncadd.s32 @!p1 $0xFFFFE000;
	s15 =	sadd.s32 @!p3 $0x80, s11  }
0x2c: {  	[tilespmem:s14], [sflag:$0x1] =	stream.indirect.gather @!p3 [hbm4b:s3+s19], $0x40, s15, s19, $0xb8;
	[tilespmem:$0x5C00] =	vst v63  }
0x2d: {  	_ =	swait.ge @!p1 [sflag:s18], $0x2000  }
.Ltmp0:
0x2e: {  	[sflag:s18] =	ssyncset.done @!p1 $0x0;
	(pc) =	sbr.rel @p2 .LBB2_2-.Ltmp0, $4  }
0x2f: {  	s15 =	sadd.s32 @!p1 $0x400, s10;
	s14 =	simm.s32 @!p1 $0x3;
	[sflag:s18] =	ssyncadd.s32 @!p1 $0xFFFFE000  }
0x30: {  	[hbm4b:s15+s17] =	stream.linear.scatter @!p1 [tilespmem:s16], [sflag:$0x3], $0x2000, $0x38;
	[tilespmem:$0x5C00] =	vst v63  }
0x31: {  	s10 =	sadd.s32 $0x800, s10;
	_ =	swait.ge @!p1 [sflag:s14], $0x2000  }
0x32: {  	s11 =	sadd.s32 $0x100, s11;
	s15 =	sadd.s32 $0xFFFFFFFE, s12;
	[sflag:s14] =	ssyncset.done @!p1 $0x0  }
0x33: {  	p2 =	sge.u32 s15, s4;
	[sflag:s14] =	ssyncadd.s32 @!p1 $0xFFFFE000  }
0x34: {  	s13 =	simm.s32 @!p2 $0x80;
	s14 =	simm.s32 @!p2 $0x3C00;
	s15 =	simm.s32 @!p2 $0x1  }
0x35: {  	[tilespmem:s14], [sflag:$0x2] =	stream.indirect.gather @!p2 [hbm4b:s3+s13], $0x40, s11, s13, $0xb8;
	[tilespmem:$0x5C00] =	vst v63  }
0x36: {  	_ =	swait.ge @!p2 [sflag:s15], $0x2000  }
0x37: {  	p1 =	sge.u32 @!p2 s12, s4;
	s12 =	simm.s32 @!p2 $0x4;
	[sflag:s15] =	ssyncset.done @!p2 $0x0  }
0x38: {  	s13 =	simm.s32 @!p2 $0x0;
	[sflag:s15] =	ssyncadd.s32 @!p2 $0xFFFFE000;
	s15 =	simm.s32 @!p2 $0x1C00  }
0x39: {  	[hbm4b:s10+s13] =	stream.linear.scatter @!p2 [tilespmem:s15], [sflag:$0x4], $0x2000, $0x38;
	[tilespmem:$0x5C00] =	vst v63  }
0x3a: {  	p1 =	por p1, p2;
	_ =	swait.ge @!p2 [sflag:s12], $0x2000  }
0x3b: {  	s16 =	simm.s32 @!p2 $0x2;
	s11 =	sadd.s32 @!p1 $0x80, s11;
	[sflag:s12] =	ssyncset.done @!p2 $0x0  }
0x3c: {  	s15 =	simm.s32 @!p1 $0x1C00;
	[sflag:s12] =	ssyncadd.s32 @!p2 $0xFFFFE000;
	s12 =	simm.s32 @!p1 $0x80  }
0x3d: {  	[tilespmem:s15], [sflag:$0x1] =	stream.indirect.gather @!p1 [hbm4b:s3+s12], $0x40, s11, s12, $0xb8;
	[tilespmem:$0x5C00] =	vst v63  }
0x3e: {  	s9 =	sadd.s32 $0x1, s9;
	_ =	swait.ge @!p2 [sflag:s16], $0x2000  }
0x3f: {  	s10 =	sadd.s32 @!p2 $0x400, s10;
	p1 =	sne.s32 s9, s6;
	[sflag:s16] =	ssyncset.done @!p2 $0x0  }
.Ltmp1:
0x40: {  	s11 =	simm.s32 @!p2 $0x3;
	[sflag:s16] =	ssyncadd.s32 @!p2 $0xFFFFE000;
	(pc) =	sbr.rel @p1 .LBB2_1-.Ltmp1, $4  }
0x41: {  	[hbm4b:s10+s13] =	stream.linear.scatter @!p2 [tilespmem:s14], [sflag:$0x3], $0x2000, $0x38;
	[tilespmem:$0x5C00] =	vst v63  }
0x42: {  	_ =	swait.ge @!p2 [sflag:s11], $0x2000  }
0x43: {  	[sflag:s11] =	ssyncset.done @!p2 $0x0  }
0x44: {  	[sflag:s11] =	ssyncadd.s32 @!p2 $0xFFFFE000  }
0x45: {  	_ =	sfence.sel $0x180000  }
0x46: {  	[bflag:$0x0] =	sbarrier.arrive $0xFFFF  }
0x47: {  	p0 =	sne.s32 s1, $0x0;
	_ =	strace $0x90000050  }
0x48: {  	s0 =	sadd.s32 @!p0 $0x100000, s0;
	[bflag:$0x2] =	sbarrier.arrive $0xFFFF  }
0x49: {  	[sflag:s0] =	ssyncadd.tile.s32 @!p0 $0x1;
	_ =	shalt  }
.Lfunc_end2:
_tile_overlayer_lowered:
.L_overlay_start_2:
0x4a: {  	(tag) =	ssettag $0x2  }
0x4b: {  	s0 =	rddreg [dreg:$0x0];
	s2 =	stileid.u32  }
0x4c: {  	s1 =	rddreg [dreg:$0x1];
	p0 =	sne.s32 s2, $0x0  }
0x4d: {  	s3 =	rddreg [dreg:$0x2];
	[bflag:$0x3] =	sbarrier.arrive $0xFFFF;
	s2 =	simm.s32 @!p0 $0x1C03  }
0x4e: {  	[timem:s3], [sflag:s2] =	dma.local @!p0 [hbm:s0], s1  }
0x4f: {  	s0 =	simm.s32 @!p0 $0x3  }
0x50: {  	_ =	swait.ge @!p0 [sflag:s0], s1  }
0x51: {  	s1 =	ssub.s32 @!p0 $0x0, s1;
	[sflag:s0] =	ssyncset.done @!p0 $0x0  }
0x52: {  	[sflag:s0] =	ssyncadd.s32 @!p0 s1  }
0x53: {  	[bflag:$0x3] =	sbarrier.arrive $0xFFFF  }
0x54: {  	_ =	shalt  }

</sc_bundles>
